<compile_context>
chip_gen: v7x
topology: tpu7x:2x2x1
jax: 0.10.2.dev20260603
libtpu: 0.0.44.dev20260713+nightly
codegen_flags: <defaults>
</compile_context>

<pallas_src>
import functools

import jax
import jax.numpy as jnp
from jax import lax
from jax.experimental import pallas as pl
from jax.experimental.pallas import tpu as pltpu
from jax.experimental.pallas import tpu_sc as plsc

_CHUNK = 128
_LANES = 16
_GPC = _CHUNK // _LANES
_NBUF = 4
_LEAD = 2


def _gather_kernel(b, n, c, f):
    nc = 2
    ns = 16
    rows_per_worker = (b * n * c) // (nc * ns)
    iters = rows_per_worker // _CHUNK
    mesh = plsc.VectorSubcoreMesh(core_axis_name="core", subcore_axis_name="sub")

    @functools.partial(
        pl.kernel,
        out_type=jax.ShapeDtypeStruct((b * n * c, f), jnp.float32),
        mesh=mesh,
        compiler_params=pltpu.CompilerParams(needs_layout_passes=False),
        scratch_types=[
            pltpu.VMEM((iters, _CHUNK), jnp.int32),
            pltpu.VMEM((_NBUF, _CHUNK, f), jnp.float32),
            pltpu.VMEM((_LANES, f), jnp.float32),
            pltpu.VMEM((_LANES,), jnp.int32),
            pltpu.SMEM((iters,), jnp.int32),
        ] + [pltpu.SemaphoreType.DMA] * (2 * _NBUF + 1),
    )
    def k(
        table_hbm, idx_hbm, out_hbm, idx_v, rows_v, zeros_v, badidx_v,
        counts_smem, *sems,
    ):
        gsem = sems[:_NBUF]
        wsem = sems[_NBUF:2 * _NBUF]
        zsem = sems[2 * _NBUF]
        wid = lax.axis_index("sub") * nc + lax.axis_index("core")
        node_base = wid * n
        row_base = wid * rows_per_worker
        lane_iota = lax.iota(jnp.int32, _LANES)
        ones_v = jnp.ones((_LANES,), jnp.int32)
        zero_i = jnp.zeros((_LANES,), jnp.int32)
        zero_f = jnp.zeros((_LANES,), jnp.float32)

        def remap(i):
            macc = jnp.zeros((_LANES,), jnp.int32)
            for t in range(_GPC):
                v = idx_v[i, pl.ds(t * _LANES, _LANES)]
                macc = macc | jnp.where(v == 0, ones_v, zero_i)
                idx_v[i, pl.ds(t * _LANES, _LANES)] = v + node_base
            counts_smem[i] = jnp.sum(macc)

        def gather_copy(i, s):
            return pltpu.make_async_copy(
                table_hbm.at[idx_v.at[i]],
                rows_v.at[s],
                gsem[s],
            )

        def write_copy(i, s):
            return pltpu.make_async_copy(
                rows_v.at[s],
                out_hbm.at[pl.ds(row_base + i * _CHUNK, _CHUNK)],
                wsem[s],
            )

        for r in range(_LANES):
            for t in range(f // _LANES):
                zeros_v[r, pl.ds(t * _LANES, _LANES)] = zero_f

        pltpu.sync_copy(idx_hbm.at[wid], idx_v)

        for i in range(_LEAD):
            remap(i)
            gather_copy(i, i).start()

        def body(g, carry):
            for s in range(_NBUF):
                i = g * _NBUF + s
                nxt = i + _LEAD
                snxt = (s + _LEAD) % _NBUF

                @pl.when(nxt < iters)
                def _():
                    remap(nxt)

                    @pl.when(nxt >= _NBUF)
                    def _():
                        write_copy(nxt - _NBUF, snxt).wait()

                    gather_copy(nxt, snxt).start()

                gather_copy(i, s).wait()
                write_copy(i, s).start()
            return carry

        lax.fori_loop(0, iters // _NBUF, body, 0)

        for s in range(_NBUF):
            i = iters - _NBUF + s
            write_copy(i, i % _NBUF).wait()

        def fix_body(i, carry):
            @pl.when(counts_smem[i] > 0)
            def _():
                for t in range(_GPC):
                    g = i * _GPC + t
                    v = idx_v[i, pl.ds(t * _LANES, _LANES)]
                    m = v == node_base
                    nbad = jnp.sum(jnp.where(m, ones_v, zero_i))

                    @pl.when(nbad > 0)
                    def _():
                        first_bad = plsc.all_reduce_ffs(m)
                        rows = row_base + g * _LANES + lane_iota
                        badidx_v[...] = jnp.where(
                            m, rows, row_base + g * _LANES + first_bad
                        )
                        pltpu.async_copy(
                            zeros_v, out_hbm.at[badidx_v], zsem
                        ).wait()

            return carry

        lax.fori_loop(0, iters, fix_body, 0)

    return k


def kernel(nodes, children, feature_size):
    b, n, f = nodes.shape
    c = children.shape[-1]
    table = nodes.reshape(b * n, f)
    idx_flat = children.reshape(b, (n * c) // _CHUNK, _CHUNK).astype(jnp.int32)
    out = _gather_kernel(b, n, c, f)(table, idx_flat)
    return out.reshape(b, n, c, f)

# --- scband reference (transcript-rebuilt; emitter-appended) ---
"""Pipeline reference for scband-children-tensor-75737453297667 (READ-ONLY COPY).

The authoritative reference and input builder live on the scoring server;
editing this copy changes nothing except your own understanding.
"""

import jax, jax.numpy as jnp
import numpy as np

B, N, C, F = 32, 1024, 8, 128

def setup_inputs(seed: int = 0) -> dict:
    key = jax.random.key(seed)
    k1, k2 = jax.random.split(key)
    nodes = jax.random.normal(k1, (B, N, F), dtype=jnp.float32)
    children = jax.random.randint(k2, (B, N, C), 0, N, dtype=jnp.int64 if jax.config.jax_enable_x64 else jnp.int32)
    return {"nodes": nodes, "children": children, "feature_size": F}

def reference(nodes, children, feature_size):
    # vector_lookup = [zero_vec, nodes[:, 1:, :]]  (node index 0 maps to zeros)
    b, n, f = nodes.shape
    zero_vecs = jnp.zeros((b, 1, f), dtype=nodes.dtype)
    vector_lookup = jnp.concatenate([zero_vecs, nodes[:, 1:, :]], axis=1)
    # batch indices tiled to [B, N, C]; equivalent to the torch tile() construction
    batch_indices = jnp.arange(b).reshape(b, 1, 1)
    # advanced-index gather: result[b, n, c, :] = vector_lookup[b, children[b, n, c], :]
    result = vector_lookup[batch_indices, children, :]
    return result

if __name__ == "__main__":
    import jax
    _d = setup_inputs()
    print(jax.jit(kernel)(*tuple(_d.values())))

</pallas_src>

<mosaic_0001>
#map = affine_map<(d0, d1) -> (0, 0)>
#map1 = affine_map<(d0, d1) -> (0, 0, 0)>
module attributes {stable_mosaic.version = 14 : i64} {
  func.func @k(%arg0: i32, %arg1: i32, %arg2: memref<32768x128xf32, #tpu.memory_space<hbm>>, %arg3: memref<32x64x128xi32, #tpu.memory_space<hbm>>, %arg4: memref<262144x128xf32, #tpu.memory_space<hbm>>, %arg5: memref<64x128xi32, #tpu.memory_space<vmem>>, %arg6: memref<4x128x128xf32, #tpu.memory_space<vmem>>, %arg7: memref<16x128xf32, #tpu.memory_space<vmem>>, %arg8: memref<16xi32, #tpu.memory_space<vmem>>, %arg9: memref<64xi32, #tpu.memory_space<smem>>, %arg10: memref<!tpu.dma_semaphore, #tpu.memory_space<semaphore_mem>>, %arg11: memref<!tpu.dma_semaphore, #tpu.memory_space<semaphore_mem>>, %arg12: memref<!tpu.dma_semaphore, #tpu.memory_space<semaphore_mem>>, %arg13: memref<!tpu.dma_semaphore, #tpu.memory_space<semaphore_mem>>, %arg14: memref<!tpu.dma_semaphore, #tpu.memory_space<semaphore_mem>>, %arg15: memref<!tpu.dma_semaphore, #tpu.memory_space<semaphore_mem>>, %arg16: memref<!tpu.dma_semaphore, #tpu.memory_space<semaphore_mem>>, %arg17: memref<!tpu.dma_semaphore, #tpu.memory_space<semaphore_mem>>, %arg18: memref<!tpu.dma_semaphore, #tpu.memory_space<semaphore_mem>>) attributes {dimension_semantics = [#tpu.dimension_semantics<core_parallel>, #tpu.dimension_semantics<subcore_parallel>], iteration_bounds = array<i64: 2, 16>, scalar_prefetch = 0 : i64, scratch_operands = 14 : i64, tpu.core_type = #tpu.core_type<sc_vector_subcore>, window_params = [{transform_indices = #map}, {transform_indices = #map1}, {transform_indices = #map}]} {
    %mul3A = arith.constant 2 : i32
    %mul3A_0 = arith.muli %arg1, %mul3A : i32
    %add3A = arith.addi %mul3A_0, %arg0 : i32
    %mul3A_1 = arith.constant 1024 : i32
    %mul3A_2 = arith.muli %add3A, %mul3A_1 : i32
    %mul3A_3 = arith.constant 8192 : i32
    %mul3A_4 = arith.muli %add3A, %mul3A_3 : i32
    %iota3A = tpu.iota {dimensions = array<i32: 0>} : vector<16xi32>
    %broadcast_in_dim3A = arith.constant 1 : i32
    %broadcast_in_dim3A_5 = vector.broadcast %broadcast_in_dim3A : i32 to vector<16xi32>
    %broadcast_in_dim3A_6 = arith.constant 0 : i32
    %broadcast_in_dim3A_7 = vector.broadcast %broadcast_in_dim3A_6 : i32 to vector<16xi32>
    %broadcast_in_dim3A_8 = arith.constant 0.000000e+00 : f32
    %broadcast_in_dim3A_9 = vector.broadcast %broadcast_in_dim3A_8 : f32 to vector<16xf32>
    %swap3A = arith.constant 0 : i32
    %swap3A_10 = arith.index_cast %swap3A : i32 to index
    %swap3A_11 = arith.constant 0 : index
    %swap3A_12 = tpu.vector_load %arg7[%swap3A_10, %swap3A_11] {strides = array<i32>} : memref<16x128xf32, #tpu.memory_space<vmem>>, vector<16xf32>,
    tpu.vector_store %arg7[%swap3A_10, %swap3A_11], %broadcast_in_dim3A_9 {strides = array<i32>} : memref<16x128xf32, #tpu.memory_space<vmem>>, vector<16xf32>,
    %swap3A_13 = arith.constant 0 : i32
    %swap3A_14 = arith.index_cast %swap3A_13 : i32 to index
    %swap3A_15 = arith.constant 16 : index
    %swap3A_16 = tpu.vector_load %arg7[%swap3A_14, %swap3A_15] {strides = array<i32>} : memref<16x128xf32, #tpu.memory_space<vmem>>, vector<16xf32>,
    tpu.vector_store %arg7[%swap3A_14, %swap3A_15], %broadcast_in_dim3A_9 {strides = array<i32>} : memref<16x128xf32, #tpu.memory_space<vmem>>, vector<16xf32>,
    %swap3A_17 = arith.constant 0 : i32
    %swap3A_18 = arith.index_cast %swap3A_17 : i32 to index
    %swap3A_19 = arith.constant 32 : index
    %swap3A_20 = tpu.vector_load %arg7[%swap3A_18, %swap3A_19] {strides = array<i32>} : memref<16x128xf32, #tpu.memory_space<vmem>>, vector<16xf32>,
    tpu.vector_store %arg7[%swap3A_18, %swap3A_19], %broadcast_in_dim3A_9 {strides = array<i32>} : memref<16x128xf32, #tpu.memory_space<vmem>>, vector<16xf32>,
    %swap3A_21 = arith.constant 0 : i32
    %swap3A_22 = arith.index_cast %swap3A_21 : i32 to index
    %swap3A_23 = arith.constant 48 : index
    %swap3A_24 = tpu.vector_load %arg7[%swap3A_22, %swap3A_23] {strides = array<i32>} : memref<16x128xf32, #tpu.memory_space<vmem>>, vector<16xf32>,
    tpu.vector_store %arg7[%swap3A_22, %swap3A_23], %broadcast_in_dim3A_9 {strides = array<i32>} : memref<16x128xf32, #tpu.memory_space<vmem>>, vector<16xf32>,
    %swap3A_25 = arith.constant 0 : i32
    %swap3A_26 = arith.index_cast %swap3A_25 : i32 to index
    %swap3A_27 = arith.constant 64 : index
    %swap3A_28 = tpu.vector_load %arg7[%swap3A_26, %swap3A_27] {strides = array<i32>} : memref<16x128xf32, #tpu.memory_space<vmem>>, vector<16xf32>,
    tpu.vector_store %arg7[%swap3A_26, %swap3A_27], %broadcast_in_dim3A_9 {strides = array<i32>} : memref<16x128xf32, #tpu.memory_space<vmem>>, vector<16xf32>,
    %swap3A_29 = arith.constant 0 : i32
    %swap3A_30 = arith.index_cast %swap3A_29 : i32 to index
    %swap3A_31 = arith.constant 80 : index
    %swap3A_32 = tpu.vector_load %arg7[%swap3A_30, %swap3A_31] {strides = array<i32>} : memref<16x128xf32, #tpu.memory_space<vmem>>, vector<16xf32>,
    tpu.vector_store %arg7[%swap3A_30, %swap3A_31], %broadcast_in_dim3A_9 {strides = array<i32>} : memref<16x128xf32, #tpu.memory_space<vmem>>, vector<16xf32>,
    %swap3A_33 = arith.constant 0 : i32
    %swap3A_34 = arith.index_cast %swap3A_33 : i32 to index
    %swap3A_35 = arith.constant 96 : index
    %swap3A_36 = tpu.vector_load %arg7[%swap3A_34, %swap3A_35] {strides = array<i32>} : memref<16x128xf32, #tpu.memory_space<vmem>>, vector<16xf32>,
    tpu.vector_store %arg7[%swap3A_34, %swap3A_35], %broadcast_in_dim3A_9 {strides = array<i32>} : memref<16x128xf32, #tpu.memory_space<vmem>>, vector<16xf32>,
    %swap3A_37 = arith.constant 0 : i32
    %swap3A_38 = arith.index_cast %swap3A_37 : i32 to index
    %swap3A_39 = arith.constant 112 : index
    %swap3A_40 = tpu.vector_load %arg7[%swap3A_38, %swap3A_39] {strides = array<i32>} : memref<16x128xf32, #tpu.memory_space<vmem>>, vector<16xf32>,
    tpu.vector_store %arg7[%swap3A_38, %swap3A_39], %broadcast_in_dim3A_9 {strides = array<i32>} : memref<16x128xf32, #tpu.memory_space<vmem>>, vector<16xf32>,
    %swap3A_41 = arith.constant 1 : i32
    %swap3A_42 = arith.index_cast %swap3A_41 : i32 to index
    %swap3A_43 = arith.constant 0 : index
    %swap3A_44 = tpu.vector_load %arg7[%swap3A_42, %swap3A_43] {strides = array<i32>} : memref<16x128xf32, #tpu.memory_space<vmem>>, vector<16xf32>,
    tpu.vector_store %arg7[%swap3A_42, %swap3A_43], %broadcast_in_dim3A_9 {strides = array<i32>} : memref<16x128xf32, #tpu.memory_space<vmem>>, vector<16xf32>,
    %swap3A_45 = arith.constant 1 : i32
    %swap3A_46 = arith.index_cast %swap3A_45 : i32 to index
    %swap3A_47 = arith.constant 16 : index
    %swap3A_48 = tpu.vector_load %arg7[%swap3A_46, %swap3A_47] {strides = array<i32>} : memref<16x128xf32, #tpu.memory_space<vmem>>, vector<16xf32>,
    tpu.vector_store %arg7[%swap3A_46, %swap3A_47], %broadcast_in_dim3A_9 {strides = array<i32>} : memref<16x128xf32, #tpu.memory_space<vmem>>, vector<16xf32>,
    %swap3A_49 = arith.constant 1 : i32
    %swap3A_50 = arith.index_cast %swap3A_49 : i32 to index
    %swap3A_51 = arith.constant 32 : index
    %swap3A_52 = tpu.vector_load %arg7[%swap3A_50, %swap3A_51] {strides = array<i32>} : memref<16x128xf32, #tpu.memory_space<vmem>>, vector<16xf32>,
    tpu.vector_store %arg7[%swap3A_50, %swap3A_51], %broadcast_in_dim3A_9 {strides = array<i32>} : memref<16x128xf32, #tpu.memory_space<vmem>>, vector<16xf32>,
    %swap3A_53 = arith.constant 1 : i32
    %swap3A_54 = arith.index_cast %swap3A_53 : i32 to index
    %swap3A_55 = arith.constant 48 : index
    %swap3A_56 = tpu.vector_load %arg7[%swap3A_54, %swap3A_55] {strides = array<i32>} : memref<16x128xf32, #tpu.memory_space<vmem>>, vector<16xf32>,
    tpu.vector_store %arg7[%swap3A_54, %swap3A_55], %broadcast_in_dim3A_9 {strides = array<i32>} : memref<16x128xf32, #tpu.memory_space<vmem>>, vector<16xf32>,
    %swap3A_57 = arith.constant 1 : i32
    %swap3A_58 = arith.index_cast %swap3A_57 : i32 to index
    %swap3A_59 = arith.constant 64 : index
    %swap3A_60 = tpu.vector_load %arg7[%swap3A_58, %swap3A_59] {strides = array<i32>} : memref<16x128xf32, #tpu.memory_space<vmem>>, vector<16xf32>,
    tpu.vector_store %arg7[%swap3A_58, %swap3A_59], %broadcast_in_dim3A_9 {strides = array<i32>} : memref<16x128xf32, #tpu.memory_space<vmem>>, vector<16xf32>,
    %swap3A_61 = arith.constant 1 : i32
    %swap3A_62 = arith.index_cast %swap3A_61 : i32 to index
    %swap3A_63 = arith.constant 80 : index
    %swap3A_64 = tpu.vector_load %arg7[%swap3A_62, %swap3A_63] {strides = array<i32>} : memref<16x128xf32, #tpu.memory_space<vmem>>, vector<16xf32>,
    tpu.vector_store %arg7[%swap3A_62, %swap3A_63], %broadcast_in_dim3A_9 {strides = array<i32>} : memref<16x128xf32, #tpu.memory_space<vmem>>, vector<16xf32>,
    %swap3A_65 = arith.constant 1 : i32
    %swap3A_66 = arith.index_cast %swap3A_65 : i32 to index
    %swap3A_67 = arith.constant 96 : index
    %swap3A_68 = tpu.vector_load %arg7[%swap3A_66, %swap3A_67] {strides = array<i32>} : memref<16x128xf32, #tpu.memory_space<vmem>>, vector<16xf32>,
    tpu.vector_store %arg7[%swap3A_66, %swap3A_67], %broadcast_in_dim3A_9 {strides = array<i32>} : memref<16x128xf32, #tpu.memory_space<vmem>>, vector<16xf32>,
    %swap3A_69 = arith.constant 1 : i32
    %swap3A_70 = arith.index_cast %swap3A_69 : i32 to index
    %swap3A_71 = arith.constant 112 : index
    %swap3A_72 = tpu.vector_load %arg7[%swap3A_70, %swap3A_71] {strides = array<i32>} : memref<16x128xf32, #tpu.memory_space<vmem>>, vector<16xf32>,
    tpu.vector_store %arg7[%swap3A_70, %swap3A_71], %broadcast_in_dim3A_9 {strides = array<i32>} : memref<16x128xf32, #tpu.memory_space<vmem>>, vector<16xf32>,
    %swap3A_73 = arith.constant 2 : i32
    %swap3A_74 = arith.index_cast %swap3A_73 : i32 to index
    %swap3A_75 = arith.constant 0 : index
    %swap3A_76 = tpu.vector_load %arg7[%swap3A_74, %swap3A_75] {strides = array<i32>} : memref<16x128xf32, #tpu.memory_space<vmem>>, vector<16xf32>,
    tpu.vector_store %arg7[%swap3A_74, %swap3A_75], %broadcast_in_dim3A_9 {strides = array<i32>} : memref<16x128xf32, #tpu.memory_space<vmem>>, vector<16xf32>,
    %swap3A_77 = arith.constant 2 : i32
    %swap3A_78 = arith.index_cast %swap3A_77 : i32 to index
    %swap3A_79 = arith.constant 16 : index
    %swap3A_80 = tpu.vector_load %arg7[%swap3A_78, %swap3A_79] {strides = array<i32>} : memref<16x128xf32, #tpu.memory_space<vmem>>, vector<16xf32>,
    tpu.vector_store %arg7[%swap3A_78, %swap3A_79], %broadcast_in_dim3A_9 {strides = array<i32>} : memref<16x128xf32, #tpu.memory_space<vmem>>, vector<16xf32>,
    %swap3A_81 = arith.constant 2 : i32
    %swap3A_82 = arith.index_cast %swap3A_81 : i32 to index
    %swap3A_83 = arith.constant 32 : index
    %swap3A_84 = tpu.vector_load %arg7[%swap3A_82, %swap3A_83] {strides = array<i32>} : memref<16x128xf32, #tpu.memory_space<vmem>>, vector<16xf32>,
    tpu.vector_store %arg7[%swap3A_82, %swap3A_83], %broadcast_in_dim3A_9 {strides = array<i32>} : memref<16x128xf32, #tpu.memory_space<vmem>>, vector<16xf32>,
    %swap3A_85 = arith.constant 2 : i32
    %swap3A_86 = arith.index_cast %swap3A_85 : i32 to index
    %swap3A_87 = arith.constant 48 : index
    %swap3A_88 = tpu.vector_load %arg7[%swap3A_86, %swap3A_87] {strides = array<i32>} : memref<16x128xf32, #tpu.memory_space<vmem>>, vector<16xf32>,
    tpu.vector_store %arg7[%swap3A_86, %swap3A_87], %broadcast_in_dim3A_9 {strides = array<i32>} : memref<16x128xf32, #tpu.memory_space<vmem>>, vector<16xf32>,
    %swap3A_89 = arith.constant 2 : i32
    %swap3A_90 = arith.index_cast %swap3A_89 : i32 to index
    %swap3A_91 = arith.constant 64 : index
    %swap3A_92 = tpu.vector_load %arg7[%swap3A_90, %swap3A_91] {strides = array<i32>} : memref<16x128xf32, #tpu.memory_space<vmem>>, vector<16xf32>,
    tpu.vector_store %arg7[%swap3A_90, %swap3A_91], %broadcast_in_dim3A_9 {strides = array<i32>} : memref<16x128xf32, #tpu.memory_space<vmem>>, vector<16xf32>,
    %swap3A_93 = arith.constant 2 : i32
    %swap3A_94 = arith.index_cast %swap3A_93 : i32 to index
    %swap3A_95 = arith.constant 80 : index
    %swap3A_96 = tpu.vector_load %arg7[%swap3A_94, %swap3A_95] {strides = array<i32>} : memref<16x128xf32, #tpu.memory_space<vmem>>, vector<16xf32>,
    tpu.vector_store %arg7[%swap3A_94, %swap3A_95], %broadcast_in_dim3A_9 {strides = array<i32>} : memref<16x128xf32, #tpu.memory_space<vmem>>, vector<16xf32>,
    %swap3A_97 = arith.constant 2 : i32
    %swap3A_98 = arith.index_cast %swap3A_97 : i32 to index
    %swap3A_99 = arith.constant 96 : index
    %swap3A_100 = tpu.vector_load %arg7[%swap3A_98, %swap3A_99] {strides = array<i32>} : memref<16x128xf32, #tpu.memory_space<vmem>>, vector<16xf32>,
    tpu.vector_store %arg7[%swap3A_98, %swap3A_99], %broadcast_in_dim3A_9 {strides = array<i32>} : memref<16x128xf32, #tpu.memory_space<vmem>>, vector<16xf32>,
    %swap3A_101 = arith.constant 2 : i32
    %swap3A_102 = arith.index_cast %swap3A_101 : i32 to index
    %swap3A_103 = arith.constant 112 : index
    %swap3A_104 = tpu.vector_load %arg7[%swap3A_102, %swap3A_103] {strides = array<i32>} : memref<16x128xf32, #tpu.memory_space<vmem>>, vector<16xf32>,
    tpu.vector_store %arg7[%swap3A_102, %swap3A_103], %broadcast_in_dim3A_9 {strides = array<i32>} : memref<16x128xf32, #tpu.memory_space<vmem>>, vector<16xf32>,
    %swap3A_105 = arith.constant 3 : i32
    %swap3A_106 = arith.index_cast %swap3A_105 : i32 to index
    %swap3A_107 = arith.constant 0 : index
    %swap3A_108 = tpu.vector_load %arg7[%swap3A_106, %swap3A_107] {strides = array<i32>} : memref<16x128xf32, #tpu.memory_space<vmem>>, vector<16xf32>,
    tpu.vector_store %arg7[%swap3A_106, %swap3A_107], %broadcast_in_dim3A_9 {strides = array<i32>} : memref<16x128xf32, #tpu.memory_space<vmem>>, vector<16xf32>,
    %swap3A_109 = arith.constant 3 : i32
    %swap3A_110 = arith.index_cast %swap3A_109 : i32 to index
    %swap3A_111 = arith.constant 16 : index
    %swap3A_112 = tpu.vector_load %arg7[%swap3A_110, %swap3A_111] {strides = array<i32>} : memref<16x128xf32, #tpu.memory_space<vmem>>, vector<16xf32>,
    tpu.vector_store %arg7[%swap3A_110, %swap3A_111], %broadcast_in_dim3A_9 {strides = array<i32>} : memref<16x128xf32, #tpu.memory_space<vmem>>, vector<16xf32>,
    %swap3A_113 = arith.constant 3 : i32
    %swap3A_114 = arith.index_cast %swap3A_113 : i32 to index
    %swap3A_115 = arith.constant 32 : index
    %swap3A_116 = tpu.vector_load %arg7[%swap3A_114, %swap3A_115] {strides = array<i32>} : memref<16x128xf32, #tpu.memory_space<vmem>>, vector<16xf32>,
    tpu.vector_store %arg7[%swap3A_114, %swap3A_115], %broadcast_in_dim3A_9 {strides = array<i32>} : memref<16x128xf32, #tpu.memory_space<vmem>>, vector<16xf32>,
    %swap3A_117 = arith.constant 3 : i32
    %swap3A_118 = arith.index_cast %swap3A_117 : i32 to index
    %swap3A_119 = arith.constant 48 : index
    %swap3A_120 = tpu.vector_load %arg7[%swap3A_118, %swap3A_119] {strides = array<i32>} : memref<16x128xf32, #tpu.memory_space<vmem>>, vector<16xf32>,
    tpu.vector_store %arg7[%swap3A_118, %swap3A_119], %broadcast_in_dim3A_9 {strides = array<i32>} : memref<16x128xf32, #tpu.memory_space<vmem>>, vector<16xf32>,
    %swap3A_121 = arith.constant 3 : i32
    %swap3A_122 = arith.index_cast %swap3A_121 : i32 to index
    %swap3A_123 = arith.constant 64 : index
    %swap3A_124 = tpu.vector_load %arg7[%swap3A_122, %swap3A_123] {strides = array<i32>} : memref<16x128xf32, #tpu.memory_space<vmem>>, vector<16xf32>,
    tpu.vector_store %arg7[%swap3A_122, %swap3A_123], %broadcast_in_dim3A_9 {strides = array<i32>} : memref<16x128xf32, #tpu.memory_space<vmem>>, vector<16xf32>,
    %swap3A_125 = arith.constant 3 : i32
    %swap3A_126 = arith.index_cast %swap3A_125 : i32 to index
    %swap3A_127 = arith.constant 80 : index
    %swap3A_128 = tpu.vector_load %arg7[%swap3A_126, %swap3A_127] {strides = array<i32>} : memref<16x128xf32, #tpu.memory_space<vmem>>, vector<16xf32>,
    tpu.vector_store %arg7[%swap3A_126, %swap3A_127], %broadcast_in_dim3A_9 {strides = array<i32>} : memref<16x128xf32, #tpu.memory_space<vmem>>, vector<16xf32>,
    %swap3A_129 = arith.constant 3 : i32
    %swap3A_130 = arith.index_cast %swap3A_129 : i32 to index
    %swap3A_131 = arith.constant 96 : index
    %swap3A_132 = tpu.vector_load %arg7[%swap3A_130, %swap3A_131] {strides = array<i32>} : memref<16x128xf32, #tpu.memory_space<vmem>>, vector<16xf32>,
    tpu.vector_store %arg7[%swap3A_130, %swap3A_131], %broadcast_in_dim3A_9 {strides = array<i32>} : memref<16x128xf32, #tpu.memory_space<vmem>>, vector<16xf32>,
    %swap3A_133 = arith.constant 3 : i32
    %swap3A_134 = arith.index_cast %swap3A_133 : i32 to index
    %swap3A_135 = arith.constant 112 : index
    %swap3A_136 = tpu.vector_load %arg7[%swap3A_134, %swap3A_135] {strides = array<i32>} : memref<16x128xf32, #tpu.memory_space<vmem>>, vector<16xf32>,
    tpu.vector_store %arg7[%swap3A_134, %swap3A_135], %broadcast_in_dim3A_9 {strides = array<i32>} : memref<16x128xf32, #tpu.memory_space<vmem>>, vector<16xf32>,
    %swap3A_137 = arith.constant 4 : i32
    %swap3A_138 = arith.index_cast %swap3A_137 : i32 to index
    %swap3A_139 = arith.constant 0 : index
    %swap3A_140 = tpu.vector_load %arg7[%swap3A_138, %swap3A_139] {strides = array<i32>} : memref<16x128xf32, #tpu.memory_space<vmem>>, vector<16xf32>,
    tpu.vector_store %arg7[%swap3A_138, %swap3A_139], %broadcast_in_dim3A_9 {strides = array<i32>} : memref<16x128xf32, #tpu.memory_space<vmem>>, vector<16xf32>,
    %swap3A_141 = arith.constant 4 : i32
    %swap3A_142 = arith.index_cast %swap3A_141 : i32 to index
    %swap3A_143 = arith.constant 16 : index
    %swap3A_144 = tpu.vector_load %arg7[%swap3A_142, %swap3A_143] {strides = array<i32>} : memref<16x128xf32, #tpu.memory_space<vmem>>, vector<16xf32>,
    tpu.vector_store %arg7[%swap3A_142, %swap3A_143], %broadcast_in_dim3A_9 {strides = array<i32>} : memref<16x128xf32, #tpu.memory_space<vmem>>, vector<16xf32>,
    %swap3A_145 = arith.constant 4 : i32
    %swap3A_146 = arith.index_cast %swap3A_145 : i32 to index
    %swap3A_147 = arith.constant 32 : index
    %swap3A_148 = tpu.vector_load %arg7[%swap3A_146, %swap3A_147] {strides = array<i32>} : memref<16x128xf32, #tpu.memory_space<vmem>>, vector<16xf32>,
    tpu.vector_store %arg7[%swap3A_146, %swap3A_147], %broadcast_in_dim3A_9 {strides = array<i32>} : memref<16x128xf32, #tpu.memory_space<vmem>>, vector<16xf32>,
    %swap3A_149 = arith.constant 4 : i32
    %swap3A_150 = arith.index_cast %swap3A_149 : i32 to index
    %swap3A_151 = arith.constant 48 : index
    %swap3A_152 = tpu.vector_load %arg7[%swap3A_150, %swap3A_151] {strides = array<i32>} : memref<16x128xf32, #tpu.memory_space<vmem>>, vector<16xf32>,
    tpu.vector_store %arg7[%swap3A_150, %swap3A_151], %broadcast_in_dim3A_9 {strides = array<i32>} : memref<16x128xf32, #tpu.memory_space<vmem>>, vector<16xf32>,
    %swap3A_153 = arith.constant 4 : i32
    %swap3A_154 = arith.index_cast %swap3A_153 : i32 to index
    %swap3A_155 = arith.constant 64 : index
    %swap3A_156 = tpu.vector_load %arg7[%swap3A_154, %swap3A_155] {strides = array<i32>} : memref<16x128xf32, #tpu.memory_space<vmem>>, vector<16xf32>,
    tpu.vector_store %arg7[%swap3A_154, %swap3A_155], %broadcast_in_dim3A_9 {strides = array<i32>} : memref<16x128xf32, #tpu.memory_space<vmem>>, vector<16xf32>,
    %swap3A_157 = arith.constant 4 : i32
    %swap3A_158 = arith.index_cast %swap3A_157 : i32 to index
    %swap3A_159 = arith.constant 80 : index
    %swap3A_160 = tpu.vector_load %arg7[%swap3A_158, %swap3A_159] {strides = array<i32>} : memref<16x128xf32, #tpu.memory_space<vmem>>, vector<16xf32>,
    tpu.vector_store %arg7[%swap3A_158, %swap3A_159], %broadcast_in_dim3A_9 {strides = array<i32>} : memref<16x128xf32, #tpu.memory_space<vmem>>, vector<16xf32>,
    %swap3A_161 = arith.constant 4 : i32
    %swap3A_162 = arith.index_cast %swap3A_161 : i32 to index
    %swap3A_163 = arith.constant 96 : index
    %swap3A_164 = tpu.vector_load %arg7[%swap3A_162, %swap3A_163] {strides = array<i32>} : memref<16x128xf32, #tpu.memory_space<vmem>>, vector<16xf32>,
    tpu.vector_store %arg7[%swap3A_162, %swap3A_163], %broadcast_in_dim3A_9 {strides = array<i32>} : memref<16x128xf32, #tpu.memory_space<vmem>>, vector<16xf32>,
    %swap3A_165 = arith.constant 4 : i32
    %swap3A_166 = arith.index_cast %swap3A_165 : i32 to index
    %swap3A_167 = arith.constant 112 : index
    %swap3A_168 = tpu.vector_load %arg7[%swap3A_166, %swap3A_167] {strides = array<i32>} : memref<16x128xf32, #tpu.memory_space<vmem>>, vector<16xf32>,
    tpu.vector_store %arg7[%swap3A_166, %swap3A_167], %broadcast_in_dim3A_9 {strides = array<i32>} : memref<16x128xf32, #tpu.memory_space<vmem>>, vector<16xf32>,
    %swap3A_169 = arith.constant 5 : i32
    %swap3A_170 = arith.index_cast %swap3A_169 : i32 to index
    %swap3A_171 = arith.constant 0 : index
    %swap3A_172 = tpu.vector_load %arg7[%swap3A_170, %swap3A_171] {strides = array<i32>} : memref<16x128xf32, #tpu.memory_space<vmem>>, vector<16xf32>,
    tpu.vector_store %arg7[%swap3A_170, %swap3A_171], %broadcast_in_dim3A_9 {strides = array<i32>} : memref<16x128xf32, #tpu.memory_space<vmem>>, vector<16xf32>,
    %swap3A_173 = arith.constant 5 : i32
    %swap3A_174 = arith.index_cast %swap3A_173 : i32 to index
    %swap3A_175 = arith.constant 16 : index
    %swap3A_176 = tpu.vector_load %arg7[%swap3A_174, %swap3A_175] {strides = array<i32>} : memref<16x128xf32, #tpu.memory_space<vmem>>, vector<16xf32>,
    tpu.vector_store %arg7[%swap3A_174, %swap3A_175], %broadcast_in_dim3A_9 {strides = array<i32>} : memref<16x128xf32, #tpu.memory_space<vmem>>, vector<16xf32>,
    %swap3A_177 = arith.constant 5 : i32
    %swap3A_178 = arith.index_cast %swap3A_177 : i32 to index
    %swap3A_179 = arith.constant 32 : index
    %swap3A_180 = tpu.vector_load %arg7[%swap3A_178, %swap3A_179] {strides = array<i32>} : memref<16x128xf32, #tpu.memory_space<vmem>>, vector<16xf32>,
    tpu.vector_store %arg7[%swap3A_178, %swap3A_179], %broadcast_in_dim3A_9 {strides = array<i32>} : memref<16x128xf32, #tpu.memory_space<vmem>>, vector<16xf32>,
    %swap3A_181 = arith.constant 5 : i32
    %swap3A_182 = arith.index_cast %swap3A_181 : i32 to index
    %swap3A_183 = arith.constant 48 : index
    %swap3A_184 = tpu.vector_load %arg7[%swap3A_182, %swap3A_183] {strides = array<i32>} : memref<16x128xf32, #tpu.memory_space<vmem>>, vector<16xf32>,
    tpu.vector_store %arg7[%swap3A_182, %swap3A_183], %broadcast_in_dim3A_9 {strides = array<i32>} : memref<16x128xf32, #tpu.memory_space<vmem>>, vector<16xf32>,
    %swap3A_185 = arith.constant 5 : i32
    %swap3A_186 = arith.index_cast %swap3A_185 : i32 to index
    %swap3A_187 = arith.constant 64 : index
    %swap3A_188 = tpu.vector_load %arg7[%swap3A_186, %swap3A_187] {strides = array<i32>} : memref<16x128xf32, #tpu.memory_space<vmem>>, vector<16xf32>,
    tpu.vector_store %arg7[%swap3A_186, %swap3A_187], %broadcast_in_dim3A_9 {strides = array<i32>} : memref<16x128xf32, #tpu.memory_space<vmem>>, vector<16xf32>,
    %swap3A_189 = arith.constant 5 : i32
    %swap3A_190 = arith.index_cast %swap3A_189 : i32 to index
    %swap3A_191 = arith.constant 80 : index
    %swap3A_192 = tpu.vector_load %arg7[%swap3A_190, %swap3A_191] {strides = array<i32>} : memref<16x128xf32, #tpu.memory_space<vmem>>, vector<16xf32>,
    tpu.vector_store %arg7[%swap3A_190, %swap3A_191], %broadcast_in_dim3A_9 {strides = array<i32>} : memref<16x128xf32, #tpu.memory_space<vmem>>, vector<16xf32>,
    %swap3A_193 = arith.constant 5 : i32
    %swap3A_194 = arith.index_cast %swap3A_193 : i32 to index
    %swap3A_195 = arith.constant 96 : index
    %swap3A_196 = tpu.vector_load %arg7[%swap3A_194, %swap3A_195] {strides = array<i32>} : memref<16x128xf32, #tpu.memory_space<vmem>>, vector<16xf32>,
    tpu.vector_store %arg7[%swap3A_194, %swap3A_195], %broadcast_in_dim3A_9 {strides = array<i32>} : memref<16x128xf32, #tpu.memory_space<vmem>>, vector<16xf32>,
    %swap3A_197 = arith.constant 5 : i32
    %swap3A_198 = arith.index_cast %swap3A_197 : i32 to index
    %swap3A_199 = arith.constant 112 : index
    %swap3A_200 = tpu.vector_load %arg7[%swap3A_198, %swap3A_199] {strides = array<i32>} : memref<16x128xf32, #tpu.memory_space<vmem>>, vector<16xf32>,
    tpu.vector_store %arg7[%swap3A_198, %swap3A_199], %broadcast_in_dim3A_9 {strides = array<i32>} : memref<16x128xf32, #tpu.memory_space<vmem>>, vector<16xf32>,
    %swap3A_201 = arith.constant 6 : i32
    %swap3A_202 = arith.index_cast %swap3A_201 : i32 to index
    %swap3A_203 = arith.constant 0 : index
    %swap3A_204 = tpu.vector_load %arg7[%swap3A_202, %swap3A_203] {strides = array<i32>} : memref<16x128xf32, #tpu.memory_space<vmem>>, vector<16xf32>,
    tpu.vector_store %arg7[%swap3A_202, %swap3A_203], %broadcast_in_dim3A_9 {strides = array<i32>} : memref<16x128xf32, #tpu.memory_space<vmem>>, vector<16xf32>,
    %swap3A_205 = arith.constant 6 : i32
    %swap3A_206 = arith.index_cast %swap3A_205 : i32 to index
    %swap3A_207 = arith.constant 16 : index
    %swap3A_208 = tpu.vector_load %arg7[%swap3A_206, %swap3A_207] {strides = array<i32>} : memref<16x128xf32, #tpu.memory_space<vmem>>, vector<16xf32>,
    tpu.vector_store %arg7[%swap3A_206, %swap3A_207], %broadcast_in_dim3A_9 {strides = array<i32>} : memref<16x128xf32, #tpu.memory_space<vmem>>, vector<16xf32>,
    %swap3A_209 = arith.constant 6 : i32
    %swap3A_210 = arith.index_cast %swap3A_209 : i32 to index
    %swap3A_211 = arith.constant 32 : index
    %swap3A_212 = tpu.vector_load %arg7[%swap3A_210, %swap3A_211] {strides = array<i32>} : memref<16x128xf32, #tpu.memory_space<vmem>>, vector<16xf32>,
    tpu.vector_store %arg7[%swap3A_210, %swap3A_211], %broadcast_in_dim3A_9 {strides = array<i32>} : memref<16x128xf32, #tpu.memory_space<vmem>>, vector<16xf32>,
    %swap3A_213 = arith.constant 6 : i32
    %swap3A_214 = arith.index_cast %swap3A_213 : i32 to index
    %swap3A_215 = arith.constant 48 : index
    %swap3A_216 = tpu.vector_load %arg7[%swap3A_214, %swap3A_215] {strides = array<i32>} : memref<16x128xf32, #tpu.memory_space<vmem>>, vector<16xf32>,
    tpu.vector_store %arg7[%swap3A_214, %swap3A_215], %broadcast_in_dim3A_9 {strides = array<i32>} : memref<16x128xf32, #tpu.memory_space<vmem>>, vector<16xf32>,
    %swap3A_217 = arith.constant 6 : i32
    %swap3A_218 = arith.index_cast %swap3A_217 : i32 to index
    %swap3A_219 = arith.constant 64 : index
    %swap3A_220 = tpu.vector_load %arg7[%swap3A_218, %swap3A_219] {strides = array<i32>} : memref<16x128xf32, #tpu.memory_space<vmem>>, vector<16xf32>,
    tpu.vector_store %arg7[%swap3A_218, %swap3A_219], %broadcast_in_dim3A_9 {strides = array<i32>} : memref<16x128xf32, #tpu.memory_space<vmem>>, vector<16xf32>,
    %swap3A_221 = arith.constant 6 : i32
    %swap3A_222 = arith.index_cast %swap3A_221 : i32 to index
    %swap3A_223 = arith.constant 80 : index
    %swap3A_224 = tpu.vector_load %arg7[%swap3A_222, %swap3A_223] {strides = array<i32>} : memref<16x128xf32, #tpu.memory_space<vmem>>, vector<16xf32>,
    tpu.vector_store %arg7[%swap3A_222, %swap3A_223], %broadcast_in_dim3A_9 {strides = array<i32>} : memref<16x128xf32, #tpu.memory_space<vmem>>, vector<16xf32>,
    %swap3A_225 = arith.constant 6 : i32
    %swap3A_226 = arith.index_cast %swap3A_225 : i32 to index
    %swap3A_227 = arith.constant 96 : index
    %swap3A_228 = tpu.vector_load %arg7[%swap3A_226, %swap3A_227] {strides = array<i32>} : memref<16x128xf32, #tpu.memory_space<vmem>>, vector<16xf32>,
    tpu.vector_store %arg7[%swap3A_226, %swap3A_227], %broadcast_in_dim3A_9 {strides = array<i32>} : memref<16x128xf32, #tpu.memory_space<vmem>>, vector<16xf32>,
    %swap3A_229 = arith.constant 6 : i32
    %swap3A_230 = arith.index_cast %swap3A_229 : i32 to index
    %swap3A_231 = arith.constant 112 : index
    %swap3A_232 = tpu.vector_load %arg7[%swap3A_230, %swap3A_231] {strides = array<i32>} : memref<16x128xf32, #tpu.memory_space<vmem>>, vector<16xf32>,
    tpu.vector_store %arg7[%swap3A_230, %swap3A_231], %broadcast_in_dim3A_9 {strides = array<i32>} : memref<16x128xf32, #tpu.memory_space<vmem>>, vector<16xf32>,
    %swap3A_233 = arith.constant 7 : i32
    %swap3A_234 = arith.index_cast %swap3A_233 : i32 to index
    %swap3A_235 = arith.constant 0 : index
    %swap3A_236 = tpu.vector_load %arg7[%swap3A_234, %swap3A_235] {strides = array<i32>} : memref<16x128xf32, #tpu.memory_space<vmem>>, vector<16xf32>,
    tpu.vector_store %arg7[%swap3A_234, %swap3A_235], %broadcast_in_dim3A_9 {strides = array<i32>} : memref<16x128xf32, #tpu.memory_space<vmem>>, vector<16xf32>,
    %swap3A_237 = arith.constant 7 : i32
    %swap3A_238 = arith.index_cast %swap3A_237 : i32 to index
    %swap3A_239 = arith.constant 16 : index
    %swap3A_240 = tpu.vector_load %arg7[%swap3A_238, %swap3A_239] {strides = array<i32>} : memref<16x128xf32, #tpu.memory_space<vmem>>, vector<16xf32>,
    tpu.vector_store %arg7[%swap3A_238, %swap3A_239], %broadcast_in_dim3A_9 {strides = array<i32>} : memref<16x128xf32, #tpu.memory_space<vmem>>, vector<16xf32>,
    %swap3A_241 = arith.constant 7 : i32
    %swap3A_242 = arith.index_cast %swap3A_241 : i32 to index
    %swap3A_243 = arith.constant 32 : index
    %swap3A_244 = tpu.vector_load %arg7[%swap3A_242, %swap3A_243] {strides = array<i32>} : memref<16x128xf32, #tpu.memory_space<vmem>>, vector<16xf32>,
    tpu.vector_store %arg7[%swap3A_242, %swap3A_243], %broadcast_in_dim3A_9 {strides = array<i32>} : memref<16x128xf32, #tpu.memory_space<vmem>>, vector<16xf32>,
    %swap3A_245 = arith.constant 7 : i32
    %swap3A_246 = arith.index_cast %swap3A_245 : i32 to index
    %swap3A_247 = arith.constant 48 : index
    %swap3A_248 = tpu.vector_load %arg7[%swap3A_246, %swap3A_247] {strides = array<i32>} : memref<16x128xf32, #tpu.memory_space<vmem>>, vector<16xf32>,
    tpu.vector_store %arg7[%swap3A_246, %swap3A_247], %broadcast_in_dim3A_9 {strides = array<i32>} : memref<16x128xf32, #tpu.memory_space<vmem>>, vector<16xf32>,
    %swap3A_249 = arith.constant 7 : i32
    %swap3A_250 = arith.index_cast %swap3A_249 : i32 to index
    %swap3A_251 = arith.constant 64 : index
    %swap3A_252 = tpu.vector_load %arg7[%swap3A_250, %swap3A_251] {strides = array<i32>} : memref<16x128xf32, #tpu.memory_space<vmem>>, vector<16xf32>,
    tpu.vector_store %arg7[%swap3A_250, %swap3A_251], %broadcast_in_dim3A_9 {strides = array<i32>} : memref<16x128xf32, #tpu.memory_space<vmem>>, vector<16xf32>,
    %swap3A_253 = arith.constant 7 : i32
    %swap3A_254 = arith.index_cast %swap3A_253 : i32 to index
    %swap3A_255 = arith.constant 80 : index
    %swap3A_256 = tpu.vector_load %arg7[%swap3A_254, %swap3A_255] {strides = array<i32>} : memref<16x128xf32, #tpu.memory_space<vmem>>, vector<16xf32>,
    tpu.vector_store %arg7[%swap3A_254, %swap3A_255], %broadcast_in_dim3A_9 {strides = array<i32>} : memref<16x128xf32, #tpu.memory_space<vmem>>, vector<16xf32>,
    %swap3A_257 = arith.constant 7 : i32
    %swap3A_258 = arith.index_cast %swap3A_257 : i32 to index
    %swap3A_259 = arith.constant 96 : index
    %swap3A_260 = tpu.vector_load %arg7[%swap3A_258, %swap3A_259] {strides = array<i32>} : memref<16x128xf32, #tpu.memory_space<vmem>>, vector<16xf32>,
    tpu.vector_store %arg7[%swap3A_258, %swap3A_259], %broadcast_in_dim3A_9 {strides = array<i32>} : memref<16x128xf32, #tpu.memory_space<vmem>>, vector<16xf32>,
    %swap3A_261 = arith.constant 7 : i32
    %swap3A_262 = arith.index_cast %swap3A_261 : i32 to index
    %swap3A_263 = arith.constant 112 : index
    %swap3A_264 = tpu.vector_load %arg7[%swap3A_262, %swap3A_263] {strides = array<i32>} : memref<16x128xf32, #tpu.memory_space<vmem>>, vector<16xf32>,
    tpu.vector_store %arg7[%swap3A_262, %swap3A_263], %broadcast_in_dim3A_9 {strides = array<i32>} : memref<16x128xf32, #tpu.memory_space<vmem>>, vector<16xf32>,
    %swap3A_265 = arith.constant 8 : i32
    %swap3A_266 = arith.index_cast %swap3A_265 : i32 to index
    %swap3A_267 = arith.constant 0 : index
    %swap3A_268 = tpu.vector_load %arg7[%swap3A_266, %swap3A_267] {strides = array<i32>} : memref<16x128xf32, #tpu.memory_space<vmem>>, vector<16xf32>,
    tpu.vector_store %arg7[%swap3A_266, %swap3A_267], %broadcast_in_dim3A_9 {strides = array<i32>} : memref<16x128xf32, #tpu.memory_space<vmem>>, vector<16xf32>,
    %swap3A_269 = arith.constant 8 : i32
    %swap3A_270 = arith.index_cast %swap3A_269 : i32 to index
    %swap3A_271 = arith.constant 16 : index
    %swap3A_272 = tpu.vector_load %arg7[%swap3A_270, %swap3A_271] {strides = array<i32>} : memref<16x128xf32, #tpu.memory_space<vmem>>, vector<16xf32>,
    tpu.vector_store %arg7[%swap3A_270, %swap3A_271], %broadcast_in_dim3A_9 {strides = array<i32>} : memref<16x128xf32, #tpu.memory_space<vmem>>, vector<16xf32>,
    %swap3A_273 = arith.constant 8 : i32
    %swap3A_274 = arith.index_cast %swap3A_273 : i32 to index
    %swap3A_275 = arith.constant 32 : index
    %swap3A_276 = tpu.vector_load %arg7[%swap3A_274, %swap3A_275] {strides = array<i32>} : memref<16x128xf32, #tpu.memory_space<vmem>>, vector<16xf32>,
    tpu.vector_store %arg7[%swap3A_274, %swap3A_275], %broadcast_in_dim3A_9 {strides = array<i32>} : memref<16x128xf32, #tpu.memory_space<vmem>>, vector<16xf32>,
    %swap3A_277 = arith.constant 8 : i32
    %swap3A_278 = arith.index_cast %swap3A_277 : i32 to index
    %swap3A_279 = arith.constant 48 : index
    %swap3A_280 = tpu.vector_load %arg7[%swap3A_278, %swap3A_279] {strides = array<i32>} : memref<16x128xf32, #tpu.memory_space<vmem>>, vector<16xf32>,
    tpu.vector_store %arg7[%swap3A_278, %swap3A_279], %broadcast_in_dim3A_9 {strides = array<i32>} : memref<16x128xf32, #tpu.memory_space<vmem>>, vector<16xf32>,
    %swap3A_281 = arith.constant 8 : i32
    %swap3A_282 = arith.index_cast %swap3A_281 : i32 to index
    %swap3A_283 = arith.constant 64 : index
    %swap3A_284 = tpu.vector_load %arg7[%swap3A_282, %swap3A_283] {strides = array<i32>} : memref<16x128xf32, #tpu.memory_space<vmem>>, vector<16xf32>,
    tpu.vector_store %arg7[%swap3A_282, %swap3A_283], %broadcast_in_dim3A_9 {strides = array<i32>} : memref<16x128xf32, #tpu.memory_space<vmem>>, vector<16xf32>,
    %swap3A_285 = arith.constant 8 : i32
    %swap3A_286 = arith.index_cast %swap3A_285 : i32 to index
    %swap3A_287 = arith.constant 80 : index
    %swap3A_288 = tpu.vector_load %arg7[%swap3A_286, %swap3A_287] {strides = array<i32>} : memref<16x128xf32, #tpu.memory_space<vmem>>, vector<16xf32>,
    tpu.vector_store %arg7[%swap3A_286, %swap3A_287], %broadcast_in_dim3A_9 {strides = array<i32>} : memref<16x128xf32, #tpu.memory_space<vmem>>, vector<16xf32>,
    %swap3A_289 = arith.constant 8 : i32
    %swap3A_290 = arith.index_cast %swap3A_289 : i32 to index
    %swap3A_291 = arith.constant 96 : index
    %swap3A_292 = tpu.vector_load %arg7[%swap3A_290, %swap3A_291] {strides = array<i32>} : memref<16x128xf32, #tpu.memory_space<vmem>>, vector<16xf32>,
    tpu.vector_store %arg7[%swap3A_290, %swap3A_291], %broadcast_in_dim3A_9 {strides = array<i32>} : memref<16x128xf32, #tpu.memory_space<vmem>>, vector<16xf32>,
    %swap3A_293 = arith.constant 8 : i32
    %swap3A_294 = arith.index_cast %swap3A_293 : i32 to index
    %swap3A_295 = arith.constant 112 : index
    %swap3A_296 = tpu.vector_load %arg7[%swap3A_294, %swap3A_295] {strides = array<i32>} : memref<16x128xf32, #tpu.memory_space<vmem>>, vector<16xf32>,
    tpu.vector_store %arg7[%swap3A_294, %swap3A_295], %broadcast_in_dim3A_9 {strides = array<i32>} : memref<16x128xf32, #tpu.memory_space<vmem>>, vector<16xf32>,
    %swap3A_297 = arith.constant 9 : i32
    %swap3A_298 = arith.index_cast %swap3A_297 : i32 to index
    %swap3A_299 = arith.constant 0 : index
    %swap3A_300 = tpu.vector_load %arg7[%swap3A_298, %swap3A_299] {strides = array<i32>} : memref<16x128xf32, #tpu.memory_space<vmem>>, vector<16xf32>,
    tpu.vector_store %arg7[%swap3A_298, %swap3A_299], %broadcast_in_dim3A_9 {strides = array<i32>} : memref<16x128xf32, #tpu.memory_space<vmem>>, vector<16xf32>,
    %swap3A_301 = arith.constant 9 : i32
    %swap3A_302 = arith.index_cast %swap3A_301 : i32 to index
    %swap3A_303 = arith.constant 16 : index
    %swap3A_304 = tpu.vector_load %arg7[%swap3A_302, %swap3A_303] {strides = array<i32>} : memref<16x128xf32, #tpu.memory_space<vmem>>, vector<16xf32>,
    tpu.vector_store %arg7[%swap3A_302, %swap3A_303], %broadcast_in_dim3A_9 {strides = array<i32>} : memref<16x128xf32, #tpu.memory_space<vmem>>, vector<16xf32>,
    %swap3A_305 = arith.constant 9 : i32
    %swap3A_306 = arith.index_cast %swap3A_305 : i32 to index
    %swap3A_307 = arith.constant 32 : index
    %swap3A_308 = tpu.vector_load %arg7[%swap3A_306, %swap3A_307] {strides = array<i32>} : memref<16x128xf32, #tpu.memory_space<vmem>>, vector<16xf32>,
    tpu.vector_store %arg7[%swap3A_306, %swap3A_307], %broadcast_in_dim3A_9 {strides = array<i32>} : memref<16x128xf32, #tpu.memory_space<vmem>>, vector<16xf32>,
    %swap3A_309 = arith.constant 9 : i32
    %swap3A_310 = arith.index_cast %swap3A_309 : i32 to index
    %swap3A_311 = arith.constant 48 : index
    %swap3A_312 = tpu.vector_load %arg7[%swap3A_310, %swap3A_311] {strides = array<i32>} : memref<16x128xf32, #tpu.memory_space<vmem>>, vector<16xf32>,
    tpu.vector_store %arg7[%swap3A_310, %swap3A_311], %broadcast_in_dim3A_9 {strides = array<i32>} : memref<16x128xf32, #tpu.memory_space<vmem>>, vector<16xf32>,
    %swap3A_313 = arith.constant 9 : i32
    %swap3A_314 = arith.index_cast %swap3A_313 : i32 to index
    %swap3A_315 = arith.constant 64 : index
    %swap3A_316 = tpu.vector_load %arg7[%swap3A_314, %swap3A_315] {strides = array<i32>} : memref<16x128xf32, #tpu.memory_space<vmem>>, vector<16xf32>,
    tpu.vector_store %arg7[%swap3A_314, %swap3A_315], %broadcast_in_dim3A_9 {strides = array<i32>} : memref<16x128xf32, #tpu.memory_space<vmem>>, vector<16xf32>,
    %swap3A_317 = arith.constant 9 : i32
    %swap3A_318 = arith.index_cast %swap3A_317 : i32 to index
    %swap3A_319 = arith.constant 80 : index
    %swap3A_320 = tpu.vector_load %arg7[%swap3A_318, %swap3A_319] {strides = array<i32>} : memref<16x128xf32, #tpu.memory_space<vmem>>, vector<16xf32>,
    tpu.vector_store %arg7[%swap3A_318, %swap3A_319], %broadcast_in_dim3A_9 {strides = array<i32>} : memref<16x128xf32, #tpu.memory_space<vmem>>, vector<16xf32>,
    %swap3A_321 = arith.constant 9 : i32
    %swap3A_322 = arith.index_cast %swap3A_321 : i32 to index
    %swap3A_323 = arith.constant 96 : index
    %swap3A_324 = tpu.vector_load %arg7[%swap3A_322, %swap3A_323] {strides = array<i32>} : memref<16x128xf32, #tpu.memory_space<vmem>>, vector<16xf32>,
    tpu.vector_store %arg7[%swap3A_322, %swap3A_323], %broadcast_in_dim3A_9 {strides = array<i32>} : memref<16x128xf32, #tpu.memory_space<vmem>>, vector<16xf32>,
    %swap3A_325 = arith.constant 9 : i32
    %swap3A_326 = arith.index_cast %swap3A_325 : i32 to index
    %swap3A_327 = arith.constant 112 : index
    %swap3A_328 = tpu.vector_load %arg7[%swap3A_326, %swap3A_327] {strides = array<i32>} : memref<16x128xf32, #tpu.memory_space<vmem>>, vector<16xf32>,
    tpu.vector_store %arg7[%swap3A_326, %swap3A_327], %broadcast_in_dim3A_9 {strides = array<i32>} : memref<16x128xf32, #tpu.memory_space<vmem>>, vector<16xf32>,
    %swap3A_329 = arith.constant 10 : i32
    %swap3A_330 = arith.index_cast %swap3A_329 : i32 to index
    %swap3A_331 = arith.constant 0 : index
    %swap3A_332 = tpu.vector_load %arg7[%swap3A_330, %swap3A_331] {strides = array<i32>} : memref<16x128xf32, #tpu.memory_space<vmem>>, vector<16xf32>,
    tpu.vector_store %arg7[%swap3A_330, %swap3A_331], %broadcast_in_dim3A_9 {strides = array<i32>} : memref<16x128xf32, #tpu.memory_space<vmem>>, vector<16xf32>,
    %swap3A_333 = arith.constant 10 : i32
    %swap3A_334 = arith.index_cast %swap3A_333 : i32 to index
    %swap3A_335 = arith.constant 16 : index
    %swap3A_336 = tpu.vector_load %arg7[%swap3A_334, %swap3A_335] {strides = array<i32>} : memref<16x128xf32, #tpu.memory_space<vmem>>, vector<16xf32>,
    tpu.vector_store %arg7[%swap3A_334, %swap3A_335], %broadcast_in_dim3A_9 {strides = array<i32>} : memref<16x128xf32, #tpu.memory_space<vmem>>, vector<16xf32>,
    %swap3A_337 = arith.constant 10 : i32
    %swap3A_338 = arith.index_cast %swap3A_337 : i32 to index
    %swap3A_339 = arith.constant 32 : index
    %swap3A_340 = tpu.vector_load %arg7[%swap3A_338, %swap3A_339] {strides = array<i32>} : memref<16x128xf32, #tpu.memory_space<vmem>>, vector<16xf32>,
    tpu.vector_store %arg7[%swap3A_338, %swap3A_339], %broadcast_in_dim3A_9 {strides = array<i32>} : memref<16x128xf32, #tpu.memory_space<vmem>>, vector<16xf32>,
    %swap3A_341 = arith.constant 10 : i32
    %swap3A_342 = arith.index_cast %swap3A_341 : i32 to index
    %swap3A_343 = arith.constant 48 : index
    %swap3A_344 = tpu.vector_load %arg7[%swap3A_342, %swap3A_343] {strides = array<i32>} : memref<16x128xf32, #tpu.memory_space<vmem>>, vector<16xf32>,
    tpu.vector_store %arg7[%swap3A_342, %swap3A_343], %broadcast_in_dim3A_9 {strides = array<i32>} : memref<16x128xf32, #tpu.memory_space<vmem>>, vector<16xf32>,
    %swap3A_345 = arith.constant 10 : i32
    %swap3A_346 = arith.index_cast %swap3A_345 : i32 to index
    %swap3A_347 = arith.constant 64 : index
    %swap3A_348 = tpu.vector_load %arg7[%swap3A_346, %swap3A_347] {strides = array<i32>} : memref<16x128xf32, #tpu.memory_space<vmem>>, vector<16xf32>,
    tpu.vector_store %arg7[%swap3A_346, %swap3A_347], %broadcast_in_dim3A_9 {strides = array<i32>} : memref<16x128xf32, #tpu.memory_space<vmem>>, vector<16xf32>,
    %swap3A_349 = arith.constant 10 : i32
    %swap3A_350 = arith.index_cast %swap3A_349 : i32 to index
    %swap3A_351 = arith.constant 80 : index
    %swap3A_352 = tpu.vector_load %arg7[%swap3A_350, %swap3A_351] {strides = array<i32>} : memref<16x128xf32, #tpu.memory_space<vmem>>, vector<16xf32>,
    tpu.vector_store %arg7[%swap3A_350, %swap3A_351], %broadcast_in_dim3A_9 {strides = array<i32>} : memref<16x128xf32, #tpu.memory_space<vmem>>, vector<16xf32>,
    %swap3A_353 = arith.constant 10 : i32
    %swap3A_354 = arith.index_cast %swap3A_353 : i32 to index
    %swap3A_355 = arith.constant 96 : index
    %swap3A_356 = tpu.vector_load %arg7[%swap3A_354, %swap3A_355] {strides = array<i32>} : memref<16x128xf32, #tpu.memory_space<vmem>>, vector<16xf32>,
    tpu.vector_store %arg7[%swap3A_354, %swap3A_355], %broadcast_in_dim3A_9 {strides = array<i32>} : memref<16x128xf32, #tpu.memory_space<vmem>>, vector<16xf32>,
    %swap3A_357 = arith.constant 10 : i32
    %swap3A_358 = arith.index_cast %swap3A_357 : i32 to index
    %swap3A_359 = arith.constant 112 : index
    %swap3A_360 = tpu.vector_load %arg7[%swap3A_358, %swap3A_359] {strides = array<i32>} : memref<16x128xf32, #tpu.memory_space<vmem>>, vector<16xf32>,
    tpu.vector_store %arg7[%swap3A_358, %swap3A_359], %broadcast_in_dim3A_9 {strides = array<i32>} : memref<16x128xf32, #tpu.memory_space<vmem>>, vector<16xf32>,
    %swap3A_361 = arith.constant 11 : i32
    %swap3A_362 = arith.index_cast %swap3A_361 : i32 to index
    %swap3A_363 = arith.constant 0 : index
    %swap3A_364 = tpu.vector_load %arg7[%swap3A_362, %swap3A_363] {strides = array<i32>} : memref<16x128xf32, #tpu.memory_space<vmem>>, vector<16xf32>,
    tpu.vector_store %arg7[%swap3A_362, %swap3A_363], %broadcast_in_dim3A_9 {strides = array<i32>} : memref<16x128xf32, #tpu.memory_space<vmem>>, vector<16xf32>,
    %swap3A_365 = arith.constant 11 : i32
    %swap3A_366 = arith.index_cast %swap3A_365 : i32 to index
    %swap3A_367 = arith.constant 16 : index
    %swap3A_368 = tpu.vector_load %arg7[%swap3A_366, %swap3A_367] {strides = array<i32>} : memref<16x128xf32, #tpu.memory_space<vmem>>, vector<16xf32>,
    tpu.vector_store %arg7[%swap3A_366, %swap3A_367], %broadcast_in_dim3A_9 {strides = array<i32>} : memref<16x128xf32, #tpu.memory_space<vmem>>, vector<16xf32>,
    %swap3A_369 = arith.constant 11 : i32
    %swap3A_370 = arith.index_cast %swap3A_369 : i32 to index
    %swap3A_371 = arith.constant 32 : index
    %swap3A_372 = tpu.vector_load %arg7[%swap3A_370, %swap3A_371] {strides = array<i32>} : memref<16x128xf32, #tpu.memory_space<vmem>>, vector<16xf32>,
    tpu.vector_store %arg7[%swap3A_370, %swap3A_371], %broadcast_in_dim3A_9 {strides = array<i32>} : memref<16x128xf32, #tpu.memory_space<vmem>>, vector<16xf32>,
    %swap3A_373 = arith.constant 11 : i32
    %swap3A_374 = arith.index_cast %swap3A_373 : i32 to index
    %swap3A_375 = arith.constant 48 : index
    %swap3A_376 = tpu.vector_load %arg7[%swap3A_374, %swap3A_375] {strides = array<i32>} : memref<16x128xf32, #tpu.memory_space<vmem>>, vector<16xf32>,
    tpu.vector_store %arg7[%swap3A_374, %swap3A_375], %broadcast_in_dim3A_9 {strides = array<i32>} : memref<16x128xf32, #tpu.memory_space<vmem>>, vector<16xf32>,
    %swap3A_377 = arith.constant 11 : i32
    %swap3A_378 = arith.index_cast %swap3A_377 : i32 to index
    %swap3A_379 = arith.constant 64 : index
    %swap3A_380 = tpu.vector_load %arg7[%swap3A_378, %swap3A_379] {strides = array<i32>} : memref<16x128xf32, #tpu.memory_space<vmem>>, vector<16xf32>,
    tpu.vector_store %arg7[%swap3A_378, %swap3A_379], %broadcast_in_dim3A_9 {strides = array<i32>} : memref<16x128xf32, #tpu.memory_space<vmem>>, vector<16xf32>,
    %swap3A_381 = arith.constant 11 : i32
    %swap3A_382 = arith.index_cast %swap3A_381 : i32 to index
    %swap3A_383 = arith.constant 80 : index
    %swap3A_384 = tpu.vector_load %arg7[%swap3A_382, %swap3A_383] {strides = array<i32>} : memref<16x128xf32, #tpu.memory_space<vmem>>, vector<16xf32>,
    tpu.vector_store %arg7[%swap3A_382, %swap3A_383], %broadcast_in_dim3A_9 {strides = array<i32>} : memref<16x128xf32, #tpu.memory_space<vmem>>, vector<16xf32>,
    %swap3A_385 = arith.constant 11 : i32
    %swap3A_386 = arith.index_cast %swap3A_385 : i32 to index
    %swap3A_387 = arith.constant 96 : index
    %swap3A_388 = tpu.vector_load %arg7[%swap3A_386, %swap3A_387] {strides = array<i32>} : memref<16x128xf32, #tpu.memory_space<vmem>>, vector<16xf32>,
    tpu.vector_store %arg7[%swap3A_386, %swap3A_387], %broadcast_in_dim3A_9 {strides = array<i32>} : memref<16x128xf32, #tpu.memory_space<vmem>>, vector<16xf32>,
    %swap3A_389 = arith.constant 11 : i32
    %swap3A_390 = arith.index_cast %swap3A_389 : i32 to index
    %swap3A_391 = arith.constant 112 : index
    %swap3A_392 = tpu.vector_load %arg7[%swap3A_390, %swap3A_391] {strides = array<i32>} : memref<16x128xf32, #tpu.memory_space<vmem>>, vector<16xf32>,
    tpu.vector_store %arg7[%swap3A_390, %swap3A_391], %broadcast_in_dim3A_9 {strides = array<i32>} : memref<16x128xf32, #tpu.memory_space<vmem>>, vector<16xf32>,
    %swap3A_393 = arith.constant 12 : i32
    %swap3A_394 = arith.index_cast %swap3A_393 : i32 to index
    %swap3A_395 = arith.constant 0 : index
    %swap3A_396 = tpu.vector_load %arg7[%swap3A_394, %swap3A_395] {strides = array<i32>} : memref<16x128xf32, #tpu.memory_space<vmem>>, vector<16xf32>,
    tpu.vector_store %arg7[%swap3A_394, %swap3A_395], %broadcast_in_dim3A_9 {strides = array<i32>} : memref<16x128xf32, #tpu.memory_space<vmem>>, vector<16xf32>,
    %swap3A_397 = arith.constant 12 : i32
    %swap3A_398 = arith.index_cast %swap3A_397 : i32 to index
    %swap3A_399 = arith.constant 16 : index
    %swap3A_400 = tpu.vector_load %arg7[%swap3A_398, %swap3A_399] {strides = array<i32>} : memref<16x128xf32, #tpu.memory_space<vmem>>, vector<16xf32>,
    tpu.vector_store %arg7[%swap3A_398, %swap3A_399], %broadcast_in_dim3A_9 {strides = array<i32>} : memref<16x128xf32, #tpu.memory_space<vmem>>, vector<16xf32>,
    %swap3A_401 = arith.constant 12 : i32
    %swap3A_402 = arith.index_cast %swap3A_401 : i32 to index
    %swap3A_403 = arith.constant 32 : index
    %swap3A_404 = tpu.vector_load %arg7[%swap3A_402, %swap3A_403] {strides = array<i32>} : memref<16x128xf32, #tpu.memory_space<vmem>>, vector<16xf32>,
    tpu.vector_store %arg7[%swap3A_402, %swap3A_403], %broadcast_in_dim3A_9 {strides = array<i32>} : memref<16x128xf32, #tpu.memory_space<vmem>>, vector<16xf32>,
    %swap3A_405 = arith.constant 12 : i32
    %swap3A_406 = arith.index_cast %swap3A_405 : i32 to index
    %swap3A_407 = arith.constant 48 : index
    %swap3A_408 = tpu.vector_load %arg7[%swap3A_406, %swap3A_407] {strides = array<i32>} : memref<16x128xf32, #tpu.memory_space<vmem>>, vector<16xf32>,
    tpu.vector_store %arg7[%swap3A_406, %swap3A_407], %broadcast_in_dim3A_9 {strides = array<i32>} : memref<16x128xf32, #tpu.memory_space<vmem>>, vector<16xf32>,
    %swap3A_409 = arith.constant 12 : i32
    %swap3A_410 = arith.index_cast %swap3A_409 : i32 to index
    %swap3A_411 = arith.constant 64 : index
    %swap3A_412 = tpu.vector_load %arg7[%swap3A_410, %swap3A_411] {strides = array<i32>} : memref<16x128xf32, #tpu.memory_space<vmem>>, vector<16xf32>,
    tpu.vector_store %arg7[%swap3A_410, %swap3A_411], %broadcast_in_dim3A_9 {strides = array<i32>} : memref<16x128xf32, #tpu.memory_space<vmem>>, vector<16xf32>,
    %swap3A_413 = arith.constant 12 : i32
    %swap3A_414 = arith.index_cast %swap3A_413 : i32 to index
    %swap3A_415 = arith.constant 80 : index
    %swap3A_416 = tpu.vector_load %arg7[%swap3A_414, %swap3A_415] {strides = array<i32>} : memref<16x128xf32, #tpu.memory_space<vmem>>, vector<16xf32>,
    tpu.vector_store %arg7[%swap3A_414, %swap3A_415], %broadcast_in_dim3A_9 {strides = array<i32>} : memref<16x128xf32, #tpu.memory_space<vmem>>, vector<16xf32>,
    %swap3A_417 = arith.constant 12 : i32
    %swap3A_418 = arith.index_cast %swap3A_417 : i32 to index
    %swap3A_419 = arith.constant 96 : index
    %swap3A_420 = tpu.vector_load %arg7[%swap3A_418, %swap3A_419] {strides = array<i32>} : memref<16x128xf32, #tpu.memory_space<vmem>>, vector<16xf32>,
    tpu.vector_store %arg7[%swap3A_418, %swap3A_419], %broadcast_in_dim3A_9 {strides = array<i32>} : memref<16x128xf32, #tpu.memory_space<vmem>>, vector<16xf32>,
    %swap3A_421 = arith.constant 12 : i32
    %swap3A_422 = arith.index_cast %swap3A_421 : i32 to index
    %swap3A_423 = arith.constant 112 : index
    %swap3A_424 = tpu.vector_load %arg7[%swap3A_422, %swap3A_423] {strides = array<i32>} : memref<16x128xf32, #tpu.memory_space<vmem>>, vector<16xf32>,
    tpu.vector_store %arg7[%swap3A_422, %swap3A_423], %broadcast_in_dim3A_9 {strides = array<i32>} : memref<16x128xf32, #tpu.memory_space<vmem>>, vector<16xf32>,
    %swap3A_425 = arith.constant 13 : i32
    %swap3A_426 = arith.index_cast %swap3A_425 : i32 to index
    %swap3A_427 = arith.constant 0 : index
    %swap3A_428 = tpu.vector_load %arg7[%swap3A_426, %swap3A_427] {strides = array<i32>} : memref<16x128xf32, #tpu.memory_space<vmem>>, vector<16xf32>,
    tpu.vector_store %arg7[%swap3A_426, %swap3A_427], %broadcast_in_dim3A_9 {strides = array<i32>} : memref<16x128xf32, #tpu.memory_space<vmem>>, vector<16xf32>,
    %swap3A_429 = arith.constant 13 : i32
    %swap3A_430 = arith.index_cast %swap3A_429 : i32 to index
    %swap3A_431 = arith.constant 16 : index
    %swap3A_432 = tpu.vector_load %arg7[%swap3A_430, %swap3A_431] {strides = array<i32>} : memref<16x128xf32, #tpu.memory_space<vmem>>, vector<16xf32>,
    tpu.vector_store %arg7[%swap3A_430, %swap3A_431], %broadcast_in_dim3A_9 {strides = array<i32>} : memref<16x128xf32, #tpu.memory_space<vmem>>, vector<16xf32>,
    %swap3A_433 = arith.constant 13 : i32
    %swap3A_434 = arith.index_cast %swap3A_433 : i32 to index
    %swap3A_435 = arith.constant 32 : index
    %swap3A_436 = tpu.vector_load %arg7[%swap3A_434, %swap3A_435] {strides = array<i32>} : memref<16x128xf32, #tpu.memory_space<vmem>>, vector<16xf32>,
    tpu.vector_store %arg7[%swap3A_434, %swap3A_435], %broadcast_in_dim3A_9 {strides = array<i32>} : memref<16x128xf32, #tpu.memory_space<vmem>>, vector<16xf32>,
    %swap3A_437 = arith.constant 13 : i32
    %swap3A_438 = arith.index_cast %swap3A_437 : i32 to index
    %swap3A_439 = arith.constant 48 : index
    %swap3A_440 = tpu.vector_load %arg7[%swap3A_438, %swap3A_439] {strides = array<i32>} : memref<16x128xf32, #tpu.memory_space<vmem>>, vector<16xf32>,
    tpu.vector_store %arg7[%swap3A_438, %swap3A_439], %broadcast_in_dim3A_9 {strides = array<i32>} : memref<16x128xf32, #tpu.memory_space<vmem>>, vector<16xf32>,
    %swap3A_441 = arith.constant 13 : i32
    %swap3A_442 = arith.index_cast %swap3A_441 : i32 to index
    %swap3A_443 = arith.constant 64 : index
    %swap3A_444 = tpu.vector_load %arg7[%swap3A_442, %swap3A_443] {strides = array<i32>} : memref<16x128xf32, #tpu.memory_space<vmem>>, vector<16xf32>,
    tpu.vector_store %arg7[%swap3A_442, %swap3A_443], %broadcast_in_dim3A_9 {strides = array<i32>} : memref<16x128xf32, #tpu.memory_space<vmem>>, vector<16xf32>,
    %swap3A_445 = arith.constant 13 : i32
    %swap3A_446 = arith.index_cast %swap3A_445 : i32 to index
    %swap3A_447 = arith.constant 80 : index
    %swap3A_448 = tpu.vector_load %arg7[%swap3A_446, %swap3A_447] {strides = array<i32>} : memref<16x128xf32, #tpu.memory_space<vmem>>, vector<16xf32>,
    tpu.vector_store %arg7[%swap3A_446, %swap3A_447], %broadcast_in_dim3A_9 {strides = array<i32>} : memref<16x128xf32, #tpu.memory_space<vmem>>, vector<16xf32>,
    %swap3A_449 = arith.constant 13 : i32
    %swap3A_450 = arith.index_cast %swap3A_449 : i32 to index
    %swap3A_451 = arith.constant 96 : index
    %swap3A_452 = tpu.vector_load %arg7[%swap3A_450, %swap3A_451] {strides = array<i32>} : memref<16x128xf32, #tpu.memory_space<vmem>>, vector<16xf32>,
    tpu.vector_store %arg7[%swap3A_450, %swap3A_451], %broadcast_in_dim3A_9 {strides = array<i32>} : memref<16x128xf32, #tpu.memory_space<vmem>>, vector<16xf32>,
    %swap3A_453 = arith.constant 13 : i32
    %swap3A_454 = arith.index_cast %swap3A_453 : i32 to index
    %swap3A_455 = arith.constant 112 : index
    %swap3A_456 = tpu.vector_load %arg7[%swap3A_454, %swap3A_455] {strides = array<i32>} : memref<16x128xf32, #tpu.memory_space<vmem>>, vector<16xf32>,
    tpu.vector_store %arg7[%swap3A_454, %swap3A_455], %broadcast_in_dim3A_9 {strides = array<i32>} : memref<16x128xf32, #tpu.memory_space<vmem>>, vector<16xf32>,
    %swap3A_457 = arith.constant 14 : i32
    %swap3A_458 = arith.index_cast %swap3A_457 : i32 to index
    %swap3A_459 = arith.constant 0 : index
    %swap3A_460 = tpu.vector_load %arg7[%swap3A_458, %swap3A_459] {strides = array<i32>} : memref<16x128xf32, #tpu.memory_space<vmem>>, vector<16xf32>,
    tpu.vector_store %arg7[%swap3A_458, %swap3A_459], %broadcast_in_dim3A_9 {strides = array<i32>} : memref<16x128xf32, #tpu.memory_space<vmem>>, vector<16xf32>,
    %swap3A_461 = arith.constant 14 : i32
    %swap3A_462 = arith.index_cast %swap3A_461 : i32 to index
    %swap3A_463 = arith.constant 16 : index
    %swap3A_464 = tpu.vector_load %arg7[%swap3A_462, %swap3A_463] {strides = array<i32>} : memref<16x128xf32, #tpu.memory_space<vmem>>, vector<16xf32>,
    tpu.vector_store %arg7[%swap3A_462, %swap3A_463], %broadcast_in_dim3A_9 {strides = array<i32>} : memref<16x128xf32, #tpu.memory_space<vmem>>, vector<16xf32>,
    %swap3A_465 = arith.constant 14 : i32
    %swap3A_466 = arith.index_cast %swap3A_465 : i32 to index
    %swap3A_467 = arith.constant 32 : index
    %swap3A_468 = tpu.vector_load %arg7[%swap3A_466, %swap3A_467] {strides = array<i32>} : memref<16x128xf32, #tpu.memory_space<vmem>>, vector<16xf32>,
    tpu.vector_store %arg7[%swap3A_466, %swap3A_467], %broadcast_in_dim3A_9 {strides = array<i32>} : memref<16x128xf32, #tpu.memory_space<vmem>>, vector<16xf32>,
    %swap3A_469 = arith.constant 14 : i32
    %swap3A_470 = arith.index_cast %swap3A_469 : i32 to index
    %swap3A_471 = arith.constant 48 : index
    %swap3A_472 = tpu.vector_load %arg7[%swap3A_470, %swap3A_471] {strides = array<i32>} : memref<16x128xf32, #tpu.memory_space<vmem>>, vector<16xf32>,
    tpu.vector_store %arg7[%swap3A_470, %swap3A_471], %broadcast_in_dim3A_9 {strides = array<i32>} : memref<16x128xf32, #tpu.memory_space<vmem>>, vector<16xf32>,
    %swap3A_473 = arith.constant 14 : i32
    %swap3A_474 = arith.index_cast %swap3A_473 : i32 to index
    %swap3A_475 = arith.constant 64 : index
    %swap3A_476 = tpu.vector_load %arg7[%swap3A_474, %swap3A_475] {strides = array<i32>} : memref<16x128xf32, #tpu.memory_space<vmem>>, vector<16xf32>,
    tpu.vector_store %arg7[%swap3A_474, %swap3A_475], %broadcast_in_dim3A_9 {strides = array<i32>} : memref<16x128xf32, #tpu.memory_space<vmem>>, vector<16xf32>,
    %swap3A_477 = arith.constant 14 : i32
    %swap3A_478 = arith.index_cast %swap3A_477 : i32 to index
    %swap3A_479 = arith.constant 80 : index
    %swap3A_480 = tpu.vector_load %arg7[%swap3A_478, %swap3A_479] {strides = array<i32>} : memref<16x128xf32, #tpu.memory_space<vmem>>, vector<16xf32>,
    tpu.vector_store %arg7[%swap3A_478, %swap3A_479], %broadcast_in_dim3A_9 {strides = array<i32>} : memref<16x128xf32, #tpu.memory_space<vmem>>, vector<16xf32>,
    %swap3A_481 = arith.constant 14 : i32
    %swap3A_482 = arith.index_cast %swap3A_481 : i32 to index
    %swap3A_483 = arith.constant 96 : index
    %swap3A_484 = tpu.vector_load %arg7[%swap3A_482, %swap3A_483] {strides = array<i32>} : memref<16x128xf32, #tpu.memory_space<vmem>>, vector<16xf32>,
    tpu.vector_store %arg7[%swap3A_482, %swap3A_483], %broadcast_in_dim3A_9 {strides = array<i32>} : memref<16x128xf32, #tpu.memory_space<vmem>>, vector<16xf32>,
    %swap3A_485 = arith.constant 14 : i32
    %swap3A_486 = arith.index_cast %swap3A_485 : i32 to index
    %swap3A_487 = arith.constant 112 : index
    %swap3A_488 = tpu.vector_load %arg7[%swap3A_486, %swap3A_487] {strides = array<i32>} : memref<16x128xf32, #tpu.memory_space<vmem>>, vector<16xf32>,
    tpu.vector_store %arg7[%swap3A_486, %swap3A_487], %broadcast_in_dim3A_9 {strides = array<i32>} : memref<16x128xf32, #tpu.memory_space<vmem>>, vector<16xf32>,
    %swap3A_489 = arith.constant 15 : i32
    %swap3A_490 = arith.index_cast %swap3A_489 : i32 to index
    %swap3A_491 = arith.constant 0 : index
    %swap3A_492 = tpu.vector_load %arg7[%swap3A_490, %swap3A_491] {strides = array<i32>} : memref<16x128xf32, #tpu.memory_space<vmem>>, vector<16xf32>,
    tpu.vector_store %arg7[%swap3A_490, %swap3A_491], %broadcast_in_dim3A_9 {strides = array<i32>} : memref<16x128xf32, #tpu.memory_space<vmem>>, vector<16xf32>,
    %swap3A_493 = arith.constant 15 : i32
    %swap3A_494 = arith.index_cast %swap3A_493 : i32 to index
    %swap3A_495 = arith.constant 16 : index
    %swap3A_496 = tpu.vector_load %arg7[%swap3A_494, %swap3A_495] {strides = array<i32>} : memref<16x128xf32, #tpu.memory_space<vmem>>, vector<16xf32>,
    tpu.vector_store %arg7[%swap3A_494, %swap3A_495], %broadcast_in_dim3A_9 {strides = array<i32>} : memref<16x128xf32, #tpu.memory_space<vmem>>, vector<16xf32>,
    %swap3A_497 = arith.constant 15 : i32
    %swap3A_498 = arith.index_cast %swap3A_497 : i32 to index
    %swap3A_499 = arith.constant 32 : index
    %swap3A_500 = tpu.vector_load %arg7[%swap3A_498, %swap3A_499] {strides = array<i32>} : memref<16x128xf32, #tpu.memory_space<vmem>>, vector<16xf32>,
    tpu.vector_store %arg7[%swap3A_498, %swap3A_499], %broadcast_in_dim3A_9 {strides = array<i32>} : memref<16x128xf32, #tpu.memory_space<vmem>>, vector<16xf32>,
    %swap3A_501 = arith.constant 15 : i32
    %swap3A_502 = arith.index_cast %swap3A_501 : i32 to index
    %swap3A_503 = arith.constant 48 : index
    %swap3A_504 = tpu.vector_load %arg7[%swap3A_502, %swap3A_503] {strides = array<i32>} : memref<16x128xf32, #tpu.memory_space<vmem>>, vector<16xf32>,
    tpu.vector_store %arg7[%swap3A_502, %swap3A_503], %broadcast_in_dim3A_9 {strides = array<i32>} : memref<16x128xf32, #tpu.memory_space<vmem>>, vector<16xf32>,
    %swap3A_505 = arith.constant 15 : i32
    %swap3A_506 = arith.index_cast %swap3A_505 : i32 to index
    %swap3A_507 = arith.constant 64 : index
    %swap3A_508 = tpu.vector_load %arg7[%swap3A_506, %swap3A_507] {strides = array<i32>} : memref<16x128xf32, #tpu.memory_space<vmem>>, vector<16xf32>,
    tpu.vector_store %arg7[%swap3A_506, %swap3A_507], %broadcast_in_dim3A_9 {strides = array<i32>} : memref<16x128xf32, #tpu.memory_space<vmem>>, vector<16xf32>,
    %swap3A_509 = arith.constant 15 : i32
    %swap3A_510 = arith.index_cast %swap3A_509 : i32 to index
    %swap3A_511 = arith.constant 80 : index
    %swap3A_512 = tpu.vector_load %arg7[%swap3A_510, %swap3A_511] {strides = array<i32>} : memref<16x128xf32, #tpu.memory_space<vmem>>, vector<16xf32>,
    tpu.vector_store %arg7[%swap3A_510, %swap3A_511], %broadcast_in_dim3A_9 {strides = array<i32>} : memref<16x128xf32, #tpu.memory_space<vmem>>, vector<16xf32>,
    %swap3A_513 = arith.constant 15 : i32
    %swap3A_514 = arith.index_cast %swap3A_513 : i32 to index
    %swap3A_515 = arith.constant 96 : index
    %swap3A_516 = tpu.vector_load %arg7[%swap3A_514, %swap3A_515] {strides = array<i32>} : memref<16x128xf32, #tpu.memory_space<vmem>>, vector<16xf32>,
    tpu.vector_store %arg7[%swap3A_514, %swap3A_515], %broadcast_in_dim3A_9 {strides = array<i32>} : memref<16x128xf32, #tpu.memory_space<vmem>>, vector<16xf32>,
    %swap3A_517 = arith.constant 15 : i32
    %swap3A_518 = arith.index_cast %swap3A_517 : i32 to index
    %swap3A_519 = arith.constant 112 : index
    %swap3A_520 = tpu.vector_load %arg7[%swap3A_518, %swap3A_519] {strides = array<i32>} : memref<16x128xf32, #tpu.memory_space<vmem>>, vector<16xf32>,
    tpu.vector_store %arg7[%swap3A_518, %swap3A_519], %broadcast_in_dim3A_9 {strides = array<i32>} : memref<16x128xf32, #tpu.memory_space<vmem>>, vector<16xf32>,
    "tpu.region"() ({
      %run_scoped3A = tpu.sem_alloc : memref<!tpu.dma_semaphore, #tpu.memory_space<semaphore_mem>>
      %dma_start3A_867 = arith.constant 0 : i32
      %dma_start3A_868 = arith.constant 0 : i32
      %dma_start3A_869 = tpu.memref_slice %arg3[%add3A, %dma_start3A_867, %dma_start3A_868] : memref<32x64x128xi32, #tpu.memory_space<hbm>> -> memref<1x64x128xi32, #tpu.memory_space<hbm>>
      %dma_start3A_870 = tpu.memref_squeeze %dma_start3A_869 : memref<1x64x128xi32, #tpu.memory_space<hbm>> -> memref<64x128xi32, #tpu.memory_space<hbm>>
      %dma_start3A_871 = arith.constant 0 : i32
      %dma_start3A_872 = arith.constant 0 : i32
      %dma_start3A_873 = tpu.memref_slice %arg3[%add3A, %dma_start3A_871, %dma_start3A_872] : memref<32x64x128xi32, #tpu.memory_space<hbm>> -> memref<1x64x128xi32, #tpu.memory_space<hbm>>
      %dma_start3A_874 = tpu.memref_squeeze %dma_start3A_873 : memref<1x64x128xi32, #tpu.memory_space<hbm>> -> memref<64x128xi32, #tpu.memory_space<hbm>>
      tpu.enqueue_dma source(%dma_start3A_874 : memref<64x128xi32, #tpu.memory_space<hbm>>) target(%arg5 : memref<64x128xi32, #tpu.memory_space<vmem>>) target_semaphore(%run_scoped3A : memref<!tpu.dma_semaphore, #tpu.memory_space<semaphore_mem>>)
      %dma_wait3A_875 = arith.constant 0 : i32
      %dma_wait3A_876 = arith.constant 0 : i32
      %dma_wait3A_877 = tpu.memref_slice %arg3[%add3A, %dma_wait3A_875, %dma_wait3A_876] : memref<32x64x128xi32, #tpu.memory_space<hbm>> -> memref<1x64x128xi32, #tpu.memory_space<hbm>>
      %dma_wait3A_878 = tpu.memref_squeeze %dma_wait3A_877 : memref<1x64x128xi32, #tpu.memory_space<hbm>> -> memref<64x128xi32, #tpu.memory_space<hbm>>
      %dma_wait3A_879 = arith.constant 0 : i32
      %dma_wait3A_880 = arith.constant 0 : i32
      %dma_wait3A_881 = tpu.memref_slice %arg3[%add3A, %dma_wait3A_879, %dma_wait3A_880] : memref<32x64x128xi32, #tpu.memory_space<hbm>> -> memref<1x64x128xi32, #tpu.memory_space<hbm>>
      %dma_wait3A_882 = tpu.memref_squeeze %dma_wait3A_881 : memref<1x64x128xi32, #tpu.memory_space<hbm>> -> memref<64x128xi32, #tpu.memory_space<hbm>>
      tpu.wait_dma2 semaphore(%run_scoped3A : memref<!tpu.dma_semaphore, #tpu.memory_space<semaphore_mem>>) src(%dma_wait3A_882 : memref<64x128xi32, #tpu.memory_space<hbm>>) dst(%arg5 : memref<64x128xi32, #tpu.memory_space<vmem>>)
      tpu.yield
    }) : () -> ()
    %broadcast_in_dim3A_521 = arith.constant 0 : i32
    %broadcast_in_dim3A_522 = vector.broadcast %broadcast_in_dim3A_521 : i32 to vector<16xi32>
    %get3A = arith.constant 0 : i32
    %get3A_523 = arith.index_cast %get3A : i32 to index
    %get3A_524 = arith.constant 0 : index
    %get3A_525 = tpu.vector_load %arg5[%get3A_523, %get3A_524] {strides = array<i32>} : memref<64x128xi32, #tpu.memory_space<vmem>>, vector<16xi32>,
    %eq3A = arith.constant 0 : i32
    %eq3A_526 = vector.broadcast %eq3A : i32 to vector<16xi32>
    %eq3A_527 = arith.cmpi eq, %get3A_525, %eq3A_526 : vector<16xi32>
    %select_n3A = arith.select %eq3A_527, %broadcast_in_dim3A_5, %broadcast_in_dim3A_7 : vector<16xi1>, vector<16xi32>
    %or3A = arith.ori %broadcast_in_dim3A_522, %select_n3A : vector<16xi32>
    %add3A_528 = vector.broadcast %mul3A_2 : i32 to vector<16xi32>
    %add3A_529 = arith.addi %get3A_525, %add3A_528 : vector<16xi32>
    %swap3A_530 = arith.constant 0 : i32
    %swap3A_531 = arith.index_cast %swap3A_530 : i32 to index
    %swap3A_532 = arith.constant 0 : index
    %swap3A_533 = tpu.vector_load %arg5[%swap3A_531, %swap3A_532] {strides = array<i32>} : memref<64x128xi32, #tpu.memory_space<vmem>>, vector<16xi32>,
    tpu.vector_store %arg5[%swap3A_531, %swap3A_532], %add3A_529 {strides = array<i32>} : memref<64x128xi32, #tpu.memory_space<vmem>>, vector<16xi32>,
    %get3A_534 = arith.constant 0 : i32
    %get3A_535 = arith.index_cast %get3A_534 : i32 to index
    %get3A_536 = arith.constant 16 : index
    %get3A_537 = tpu.vector_load %arg5[%get3A_535, %get3A_536] {strides = array<i32>} : memref<64x128xi32, #tpu.memory_space<vmem>>, vector<16xi32>,
    %eq3A_538 = arith.constant 0 : i32
    %eq3A_539 = vector.broadcast %eq3A_538 : i32 to vector<16xi32>
    %eq3A_540 = arith.cmpi eq, %get3A_537, %eq3A_539 : vector<16xi32>
    %select_n3A_541 = arith.select %eq3A_540, %broadcast_in_dim3A_5, %broadcast_in_dim3A_7 : vector<16xi1>, vector<16xi32>
    %or3A_542 = arith.ori %or3A, %select_n3A_541 : vector<16xi32>
    %add3A_543 = vector.broadcast %mul3A_2 : i32 to vector<16xi32>
    %add3A_544 = arith.addi %get3A_537, %add3A_543 : vector<16xi32>
    %swap3A_545 = arith.constant 0 : i32
    %swap3A_546 = arith.index_cast %swap3A_545 : i32 to index
    %swap3A_547 = arith.constant 16 : index
    %swap3A_548 = tpu.vector_load %arg5[%swap3A_546, %swap3A_547] {strides = array<i32>} : memref<64x128xi32, #tpu.memory_space<vmem>>, vector<16xi32>,
    tpu.vector_store %arg5[%swap3A_546, %swap3A_547], %add3A_544 {strides = array<i32>} : memref<64x128xi32, #tpu.memory_space<vmem>>, vector<16xi32>,
    %get3A_549 = arith.constant 0 : i32
    %get3A_550 = arith.index_cast %get3A_549 : i32 to index
    %get3A_551 = arith.constant 32 : index
    %get3A_552 = tpu.vector_load %arg5[%get3A_550, %get3A_551] {strides = array<i32>} : memref<64x128xi32, #tpu.memory_space<vmem>>, vector<16xi32>,
    %eq3A_553 = arith.constant 0 : i32
    %eq3A_554 = vector.broadcast %eq3A_553 : i32 to vector<16xi32>
    %eq3A_555 = arith.cmpi eq, %get3A_552, %eq3A_554 : vector<16xi32>
    %select_n3A_556 = arith.select %eq3A_555, %broadcast_in_dim3A_5, %broadcast_in_dim3A_7 : vector<16xi1>, vector<16xi32>
    %or3A_557 = arith.ori %or3A_542, %select_n3A_556 : vector<16xi32>
    %add3A_558 = vector.broadcast %mul3A_2 : i32 to vector<16xi32>
    %add3A_559 = arith.addi %get3A_552, %add3A_558 : vector<16xi32>
    %swap3A_560 = arith.constant 0 : i32
    %swap3A_561 = arith.index_cast %swap3A_560 : i32 to index
    %swap3A_562 = arith.constant 32 : index
    %swap3A_563 = tpu.vector_load %arg5[%swap3A_561, %swap3A_562] {strides = array<i32>} : memref<64x128xi32, #tpu.memory_space<vmem>>, vector<16xi32>,
    tpu.vector_store %arg5[%swap3A_561, %swap3A_562], %add3A_559 {strides = array<i32>} : memref<64x128xi32, #tpu.memory_space<vmem>>, vector<16xi32>,
    %get3A_564 = arith.constant 0 : i32
    %get3A_565 = arith.index_cast %get3A_564 : i32 to index
    %get3A_566 = arith.constant 48 : index
    %get3A_567 = tpu.vector_load %arg5[%get3A_565, %get3A_566] {strides = array<i32>} : memref<64x128xi32, #tpu.memory_space<vmem>>, vector<16xi32>,
    %eq3A_568 = arith.constant 0 : i32
    %eq3A_569 = vector.broadcast %eq3A_568 : i32 to vector<16xi32>
    %eq3A_570 = arith.cmpi eq, %get3A_567, %eq3A_569 : vector<16xi32>
    %select_n3A_571 = arith.select %eq3A_570, %broadcast_in_dim3A_5, %broadcast_in_dim3A_7 : vector<16xi1>, vector<16xi32>
    %or3A_572 = arith.ori %or3A_557, %select_n3A_571 : vector<16xi32>
    %add3A_573 = vector.broadcast %mul3A_2 : i32 to vector<16xi32>
    %add3A_574 = arith.addi %get3A_567, %add3A_573 : vector<16xi32>
    %swap3A_575 = arith.constant 0 : i32
    %swap3A_576 = arith.index_cast %swap3A_575 : i32 to index
    %swap3A_577 = arith.constant 48 : index
    %swap3A_578 = tpu.vector_load %arg5[%swap3A_576, %swap3A_577] {strides = array<i32>} : memref<64x128xi32, #tpu.memory_space<vmem>>, vector<16xi32>,
    tpu.vector_store %arg5[%swap3A_576, %swap3A_577], %add3A_574 {strides = array<i32>} : memref<64x128xi32, #tpu.memory_space<vmem>>, vector<16xi32>,
    %get3A_579 = arith.constant 0 : i32
    %get3A_580 = arith.index_cast %get3A_579 : i32 to index
    %get3A_581 = arith.constant 64 : index
    %get3A_582 = tpu.vector_load %arg5[%get3A_580, %get3A_581] {strides = array<i32>} : memref<64x128xi32, #tpu.memory_space<vmem>>, vector<16xi32>,
    %eq3A_583 = arith.constant 0 : i32
    %eq3A_584 = vector.broadcast %eq3A_583 : i32 to vector<16xi32>
    %eq3A_585 = arith.cmpi eq, %get3A_582, %eq3A_584 : vector<16xi32>
    %select_n3A_586 = arith.select %eq3A_585, %broadcast_in_dim3A_5, %broadcast_in_dim3A_7 : vector<16xi1>, vector<16xi32>
    %or3A_587 = arith.ori %or3A_572, %select_n3A_586 : vector<16xi32>
    %add3A_588 = vector.broadcast %mul3A_2 : i32 to vector<16xi32>
    %add3A_589 = arith.addi %get3A_582, %add3A_588 : vector<16xi32>
    %swap3A_590 = arith.constant 0 : i32
    %swap3A_591 = arith.index_cast %swap3A_590 : i32 to index
    %swap3A_592 = arith.constant 64 : index
    %swap3A_593 = tpu.vector_load %arg5[%swap3A_591, %swap3A_592] {strides = array<i32>} : memref<64x128xi32, #tpu.memory_space<vmem>>, vector<16xi32>,
    tpu.vector_store %arg5[%swap3A_591, %swap3A_592], %add3A_589 {strides = array<i32>} : memref<64x128xi32, #tpu.memory_space<vmem>>, vector<16xi32>,
    %get3A_594 = arith.constant 0 : i32
    %get3A_595 = arith.index_cast %get3A_594 : i32 to index
    %get3A_596 = arith.constant 80 : index
    %get3A_597 = tpu.vector_load %arg5[%get3A_595, %get3A_596] {strides = array<i32>} : memref<64x128xi32, #tpu.memory_space<vmem>>, vector<16xi32>,
    %eq3A_598 = arith.constant 0 : i32
    %eq3A_599 = vector.broadcast %eq3A_598 : i32 to vector<16xi32>
    %eq3A_600 = arith.cmpi eq, %get3A_597, %eq3A_599 : vector<16xi32>
    %select_n3A_601 = arith.select %eq3A_600, %broadcast_in_dim3A_5, %broadcast_in_dim3A_7 : vector<16xi1>, vector<16xi32>
    %or3A_602 = arith.ori %or3A_587, %select_n3A_601 : vector<16xi32>
    %add3A_603 = vector.broadcast %mul3A_2 : i32 to vector<16xi32>
    %add3A_604 = arith.addi %get3A_597, %add3A_603 : vector<16xi32>
    %swap3A_605 = arith.constant 0 : i32
    %swap3A_606 = arith.index_cast %swap3A_605 : i32 to index
    %swap3A_607 = arith.constant 80 : index
    %swap3A_608 = tpu.vector_load %arg5[%swap3A_606, %swap3A_607] {strides = array<i32>} : memref<64x128xi32, #tpu.memory_space<vmem>>, vector<16xi32>,
    tpu.vector_store %arg5[%swap3A_606, %swap3A_607], %add3A_604 {strides = array<i32>} : memref<64x128xi32, #tpu.memory_space<vmem>>, vector<16xi32>,
    %get3A_609 = arith.constant 0 : i32
    %get3A_610 = arith.index_cast %get3A_609 : i32 to index
    %get3A_611 = arith.constant 96 : index
    %get3A_612 = tpu.vector_load %arg5[%get3A_610, %get3A_611] {strides = array<i32>} : memref<64x128xi32, #tpu.memory_space<vmem>>, vector<16xi32>,
    %eq3A_613 = arith.constant 0 : i32
    %eq3A_614 = vector.broadcast %eq3A_613 : i32 to vector<16xi32>
    %eq3A_615 = arith.cmpi eq, %get3A_612, %eq3A_614 : vector<16xi32>
    %select_n3A_616 = arith.select %eq3A_615, %broadcast_in_dim3A_5, %broadcast_in_dim3A_7 : vector<16xi1>, vector<16xi32>
    %or3A_617 = arith.ori %or3A_602, %select_n3A_616 : vector<16xi32>
    %add3A_618 = vector.broadcast %mul3A_2 : i32 to vector<16xi32>
    %add3A_619 = arith.addi %get3A_612, %add3A_618 : vector<16xi32>
    %swap3A_620 = arith.constant 0 : i32
    %swap3A_621 = arith.index_cast %swap3A_620 : i32 to index
    %swap3A_622 = arith.constant 96 : index
    %swap3A_623 = tpu.vector_load %arg5[%swap3A_621, %swap3A_622] {strides = array<i32>} : memref<64x128xi32, #tpu.memory_space<vmem>>, vector<16xi32>,
    tpu.vector_store %arg5[%swap3A_621, %swap3A_622], %add3A_619 {strides = array<i32>} : memref<64x128xi32, #tpu.memory_space<vmem>>, vector<16xi32>,
    %get3A_624 = arith.constant 0 : i32
    %get3A_625 = arith.index_cast %get3A_624 : i32 to index
    %get3A_626 = arith.constant 112 : index
    %get3A_627 = tpu.vector_load %arg5[%get3A_625, %get3A_626] {strides = array<i32>} : memref<64x128xi32, #tpu.memory_space<vmem>>, vector<16xi32>,
    %eq3A_628 = arith.constant 0 : i32
    %eq3A_629 = vector.broadcast %eq3A_628 : i32 to vector<16xi32>
    %eq3A_630 = arith.cmpi eq, %get3A_627, %eq3A_629 : vector<16xi32>
    %select_n3A_631 = arith.select %eq3A_630, %broadcast_in_dim3A_5, %broadcast_in_dim3A_7 : vector<16xi1>, vector<16xi32>
    %or3A_632 = arith.ori %or3A_617, %select_n3A_631 : vector<16xi32>
    %add3A_633 = vector.broadcast %mul3A_2 : i32 to vector<16xi32>
    %add3A_634 = arith.addi %get3A_627, %add3A_633 : vector<16xi32>
    %swap3A_635 = arith.constant 0 : i32
    %swap3A_636 = arith.index_cast %swap3A_635 : i32 to index
    %swap3A_637 = arith.constant 112 : index
    %swap3A_638 = tpu.vector_load %arg5[%swap3A_636, %swap3A_637] {strides = array<i32>} : memref<64x128xi32, #tpu.memory_space<vmem>>, vector<16xi32>,
    tpu.vector_store %arg5[%swap3A_636, %swap3A_637], %add3A_634 {strides = array<i32>} : memref<64x128xi32, #tpu.memory_space<vmem>>, vector<16xi32>,
    %reduce_sum3A = arith.constant true
    %reduce_sum3A_639 = vector.broadcast %reduce_sum3A : i1 to vector<16xi1>
    %reduce_sum3A_640 = tpu.scan <sum>, %or3A_632 masked %reduce_sum3A_639 : vector<16xi32>, vector<16xi1> -> vector<16xi32>
    %reduce_sum3A_641 = vector.extract %reduce_sum3A_640[15] : i32 from vector<16xi32>
    %swap3A_642 = arith.constant 0 : i32
    %swap3A_643 = arith.index_cast %swap3A_642 : i32 to index
    %swap3A_644 = memref.load %arg9[%swap3A_643] : memref<64xi32, #tpu.memory_space<smem>>
    memref.store %reduce_sum3A_641, %arg9[%swap3A_643] : memref<64xi32, #tpu.memory_space<smem>>
    %dma_start3A = arith.constant 0 : i32
    %dma_start3A_645 = arith.constant 0 : i32
    %dma_start3A_646 = arith.constant 0 : i32
    %dma_start3A_647 = arith.constant 0 : i32
    %dma_start3A_648 = tpu.memref_slice %arg6[%dma_start3A_645, %dma_start3A_646, %dma_start3A_647] : memref<4x128x128xf32, #tpu.memory_space<vmem>> -> memref<1x128x128xf32, #tpu.memory_space<vmem>>
    %dma_start3A_649 = tpu.memref_squeeze %dma_start3A_648 : memref<1x128x128xf32, #tpu.memory_space<vmem>> -> memref<128x128xf32, #tpu.memory_space<vmem>>
    %dma_start3A_650 = arith.constant 0 : i32
    %dma_start3A_651 = tpu.memref_slice %arg5[%dma_start3A, %dma_start3A_650] : memref<64x128xi32, #tpu.memory_space<vmem>> -> memref<1x128xi32, #tpu.memory_space<vmem>>
    %dma_start3A_652 = tpu.memref_squeeze %dma_start3A_651 : memref<1x128xi32, #tpu.memory_space<vmem>> -> memref<128xi32, #tpu.memory_space<vmem>>
    %dma_start3A_653 = arith.constant 0 : i32
    %dma_start3A_654 = arith.constant 0 : i32
    %dma_start3A_655 = tpu.memref_slice %arg2[%dma_start3A_653, %dma_start3A_654] : memref<32768x128xf32, #tpu.memory_space<hbm>> -> memref<32768x128xf32, #tpu.memory_space<hbm>>
    tpu.enqueue_indirect_dma source(%dma_start3A_655 : memref<32768x128xf32, #tpu.memory_space<hbm>>) target(%dma_start3A_649 : memref<128x128xf32, #tpu.memory_space<vmem>>) offsets(%dma_start3A_652 : memref<128xi32, #tpu.memory_space<vmem>>) semaphore(%arg10 : memref<!tpu.dma_semaphore, #tpu.memory_space<semaphore_mem>>)
    %broadcast_in_dim3A_656 = arith.constant 0 : i32
    %broadcast_in_dim3A_657 = vector.broadcast %broadcast_in_dim3A_656 : i32 to vector<16xi32>
    %get3A_658 = arith.constant 1 : i32
    %get3A_659 = arith.index_cast %get3A_658 : i32 to index
    %get3A_660 = arith.constant 0 : index
    %get3A_661 = tpu.vector_load %arg5[%get3A_659, %get3A_660] {strides = array<i32>} : memref<64x128xi32, #tpu.memory_space<vmem>>, vector<16xi32>,
    %eq3A_662 = arith.constant 0 : i32
    %eq3A_663 = vector.broadcast %eq3A_662 : i32 to vector<16xi32>
    %eq3A_664 = arith.cmpi eq, %get3A_661, %eq3A_663 : vector<16xi32>
    %select_n3A_665 = arith.select %eq3A_664, %broadcast_in_dim3A_5, %broadcast_in_dim3A_7 : vector<16xi1>, vector<16xi32>
    %or3A_666 = arith.ori %broadcast_in_dim3A_657, %select_n3A_665 : vector<16xi32>
    %add3A_667 = vector.broadcast %mul3A_2 : i32 to vector<16xi32>
    %add3A_668 = arith.addi %get3A_661, %add3A_667 : vector<16xi32>
    %swap3A_669 = arith.constant 1 : i32
    %swap3A_670 = arith.index_cast %swap3A_669 : i32 to index
    %swap3A_671 = arith.constant 0 : index
    %swap3A_672 = tpu.vector_load %arg5[%swap3A_670, %swap3A_671] {strides = array<i32>} : memref<64x128xi32, #tpu.memory_space<vmem>>, vector<16xi32>,
    tpu.vector_store %arg5[%swap3A_670, %swap3A_671], %add3A_668 {strides = array<i32>} : memref<64x128xi32, #tpu.memory_space<vmem>>, vector<16xi32>,
    %get3A_673 = arith.constant 1 : i32
    %get3A_674 = arith.index_cast %get3A_673 : i32 to index
    %get3A_675 = arith.constant 16 : index
    %get3A_676 = tpu.vector_load %arg5[%get3A_674, %get3A_675] {strides = array<i32>} : memref<64x128xi32, #tpu.memory_space<vmem>>, vector<16xi32>,
    %eq3A_677 = arith.constant 0 : i32
    %eq3A_678 = vector.broadcast %eq3A_677 : i32 to vector<16xi32>
    %eq3A_679 = arith.cmpi eq, %get3A_676, %eq3A_678 : vector<16xi32>
    %select_n3A_680 = arith.select %eq3A_679, %broadcast_in_dim3A_5, %broadcast_in_dim3A_7 : vector<16xi1>, vector<16xi32>
    %or3A_681 = arith.ori %or3A_666, %select_n3A_680 : vector<16xi32>
    %add3A_682 = vector.broadcast %mul3A_2 : i32 to vector<16xi32>
    %add3A_683 = arith.addi %get3A_676, %add3A_682 : vector<16xi32>
    %swap3A_684 = arith.constant 1 : i32
    %swap3A_685 = arith.index_cast %swap3A_684 : i32 to index
    %swap3A_686 = arith.constant 16 : index
    %swap3A_687 = tpu.vector_load %arg5[%swap3A_685, %swap3A_686] {strides = array<i32>} : memref<64x128xi32, #tpu.memory_space<vmem>>, vector<16xi32>,
    tpu.vector_store %arg5[%swap3A_685, %swap3A_686], %add3A_683 {strides = array<i32>} : memref<64x128xi32, #tpu.memory_space<vmem>>, vector<16xi32>,
    %get3A_688 = arith.constant 1 : i32
    %get3A_689 = arith.index_cast %get3A_688 : i32 to index
    %get3A_690 = arith.constant 32 : index
    %get3A_691 = tpu.vector_load %arg5[%get3A_689, %get3A_690] {strides = array<i32>} : memref<64x128xi32, #tpu.memory_space<vmem>>, vector<16xi32>,
    %eq3A_692 = arith.constant 0 : i32
    %eq3A_693 = vector.broadcast %eq3A_692 : i32 to vector<16xi32>
    %eq3A_694 = arith.cmpi eq, %get3A_691, %eq3A_693 : vector<16xi32>
    %select_n3A_695 = arith.select %eq3A_694, %broadcast_in_dim3A_5, %broadcast_in_dim3A_7 : vector<16xi1>, vector<16xi32>
    %or3A_696 = arith.ori %or3A_681, %select_n3A_695 : vector<16xi32>
    %add3A_697 = vector.broadcast %mul3A_2 : i32 to vector<16xi32>
    %add3A_698 = arith.addi %get3A_691, %add3A_697 : vector<16xi32>
    %swap3A_699 = arith.constant 1 : i32
    %swap3A_700 = arith.index_cast %swap3A_699 : i32 to index
    %swap3A_701 = arith.constant 32 : index
    %swap3A_702 = tpu.vector_load %arg5[%swap3A_700, %swap3A_701] {strides = array<i32>} : memref<64x128xi32, #tpu.memory_space<vmem>>, vector<16xi32>,
    tpu.vector_store %arg5[%swap3A_700, %swap3A_701], %add3A_698 {strides = array<i32>} : memref<64x128xi32, #tpu.memory_space<vmem>>, vector<16xi32>,
    %get3A_703 = arith.constant 1 : i32
    %get3A_704 = arith.index_cast %get3A_703 : i32 to index
    %get3A_705 = arith.constant 48 : index
    %get3A_706 = tpu.vector_load %arg5[%get3A_704, %get3A_705] {strides = array<i32>} : memref<64x128xi32, #tpu.memory_space<vmem>>, vector<16xi32>,
    %eq3A_707 = arith.constant 0 : i32
    %eq3A_708 = vector.broadcast %eq3A_707 : i32 to vector<16xi32>
    %eq3A_709 = arith.cmpi eq, %get3A_706, %eq3A_708 : vector<16xi32>
    %select_n3A_710 = arith.select %eq3A_709, %broadcast_in_dim3A_5, %broadcast_in_dim3A_7 : vector<16xi1>, vector<16xi32>
    %or3A_711 = arith.ori %or3A_696, %select_n3A_710 : vector<16xi32>
    %add3A_712 = vector.broadcast %mul3A_2 : i32 to vector<16xi32>
    %add3A_713 = arith.addi %get3A_706, %add3A_712 : vector<16xi32>
    %swap3A_714 = arith.constant 1 : i32
    %swap3A_715 = arith.index_cast %swap3A_714 : i32 to index
    %swap3A_716 = arith.constant 48 : index
    %swap3A_717 = tpu.vector_load %arg5[%swap3A_715, %swap3A_716] {strides = array<i32>} : memref<64x128xi32, #tpu.memory_space<vmem>>, vector<16xi32>,
    tpu.vector_store %arg5[%swap3A_715, %swap3A_716], %add3A_713 {strides = array<i32>} : memref<64x128xi32, #tpu.memory_space<vmem>>, vector<16xi32>,
    %get3A_718 = arith.constant 1 : i32
    %get3A_719 = arith.index_cast %get3A_718 : i32 to index
    %get3A_720 = arith.constant 64 : index
    %get3A_721 = tpu.vector_load %arg5[%get3A_719, %get3A_720] {strides = array<i32>} : memref<64x128xi32, #tpu.memory_space<vmem>>, vector<16xi32>,
    %eq3A_722 = arith.constant 0 : i32
    %eq3A_723 = vector.broadcast %eq3A_722 : i32 to vector<16xi32>
    %eq3A_724 = arith.cmpi eq, %get3A_721, %eq3A_723 : vector<16xi32>
    %select_n3A_725 = arith.select %eq3A_724, %broadcast_in_dim3A_5, %broadcast_in_dim3A_7 : vector<16xi1>, vector<16xi32>
    %or3A_726 = arith.ori %or3A_711, %select_n3A_725 : vector<16xi32>
    %add3A_727 = vector.broadcast %mul3A_2 : i32 to vector<16xi32>
    %add3A_728 = arith.addi %get3A_721, %add3A_727 : vector<16xi32>
    %swap3A_729 = arith.constant 1 : i32
    %swap3A_730 = arith.index_cast %swap3A_729 : i32 to index
    %swap3A_731 = arith.constant 64 : index
    %swap3A_732 = tpu.vector_load %arg5[%swap3A_730, %swap3A_731] {strides = array<i32>} : memref<64x128xi32, #tpu.memory_space<vmem>>, vector<16xi32>,
    tpu.vector_store %arg5[%swap3A_730, %swap3A_731], %add3A_728 {strides = array<i32>} : memref<64x128xi32, #tpu.memory_space<vmem>>, vector<16xi32>,
    %get3A_733 = arith.constant 1 : i32
    %get3A_734 = arith.index_cast %get3A_733 : i32 to index
    %get3A_735 = arith.constant 80 : index
    %get3A_736 = tpu.vector_load %arg5[%get3A_734, %get3A_735] {strides = array<i32>} : memref<64x128xi32, #tpu.memory_space<vmem>>, vector<16xi32>,
    %eq3A_737 = arith.constant 0 : i32
    %eq3A_738 = vector.broadcast %eq3A_737 : i32 to vector<16xi32>
    %eq3A_739 = arith.cmpi eq, %get3A_736, %eq3A_738 : vector<16xi32>
    %select_n3A_740 = arith.select %eq3A_739, %broadcast_in_dim3A_5, %broadcast_in_dim3A_7 : vector<16xi1>, vector<16xi32>
    %or3A_741 = arith.ori %or3A_726, %select_n3A_740 : vector<16xi32>
    %add3A_742 = vector.broadcast %mul3A_2 : i32 to vector<16xi32>
    %add3A_743 = arith.addi %get3A_736, %add3A_742 : vector<16xi32>
    %swap3A_744 = arith.constant 1 : i32
    %swap3A_745 = arith.index_cast %swap3A_744 : i32 to index
    %swap3A_746 = arith.constant 80 : index
    %swap3A_747 = tpu.vector_load %arg5[%swap3A_745, %swap3A_746] {strides = array<i32>} : memref<64x128xi32, #tpu.memory_space<vmem>>, vector<16xi32>,
    tpu.vector_store %arg5[%swap3A_745, %swap3A_746], %add3A_743 {strides = array<i32>} : memref<64x128xi32, #tpu.memory_space<vmem>>, vector<16xi32>,
    %get3A_748 = arith.constant 1 : i32
    %get3A_749 = arith.index_cast %get3A_748 : i32 to index
    %get3A_750 = arith.constant 96 : index
    %get3A_751 = tpu.vector_load %arg5[%get3A_749, %get3A_750] {strides = array<i32>} : memref<64x128xi32, #tpu.memory_space<vmem>>, vector<16xi32>,
    %eq3A_752 = arith.constant 0 : i32
    %eq3A_753 = vector.broadcast %eq3A_752 : i32 to vector<16xi32>
    %eq3A_754 = arith.cmpi eq, %get3A_751, %eq3A_753 : vector<16xi32>
    %select_n3A_755 = arith.select %eq3A_754, %broadcast_in_dim3A_5, %broadcast_in_dim3A_7 : vector<16xi1>, vector<16xi32>
    %or3A_756 = arith.ori %or3A_741, %select_n3A_755 : vector<16xi32>
    %add3A_757 = vector.broadcast %mul3A_2 : i32 to vector<16xi32>
    %add3A_758 = arith.addi %get3A_751, %add3A_757 : vector<16xi32>
    %swap3A_759 = arith.constant 1 : i32
    %swap3A_760 = arith.index_cast %swap3A_759 : i32 to index
    %swap3A_761 = arith.constant 96 : index
    %swap3A_762 = tpu.vector_load %arg5[%swap3A_760, %swap3A_761] {strides = array<i32>} : memref<64x128xi32, #tpu.memory_space<vmem>>, vector<16xi32>,
    tpu.vector_store %arg5[%swap3A_760, %swap3A_761], %add3A_758 {strides = array<i32>} : memref<64x128xi32, #tpu.memory_space<vmem>>, vector<16xi32>,
    %get3A_763 = arith.constant 1 : i32
    %get3A_764 = arith.index_cast %get3A_763 : i32 to index
    %get3A_765 = arith.constant 112 : index
    %get3A_766 = tpu.vector_load %arg5[%get3A_764, %get3A_765] {strides = array<i32>} : memref<64x128xi32, #tpu.memory_space<vmem>>, vector<16xi32>,
    %eq3A_767 = arith.constant 0 : i32
    %eq3A_768 = vector.broadcast %eq3A_767 : i32 to vector<16xi32>
    %eq3A_769 = arith.cmpi eq, %get3A_766, %eq3A_768 : vector<16xi32>
    %select_n3A_770 = arith.select %eq3A_769, %broadcast_in_dim3A_5, %broadcast_in_dim3A_7 : vector<16xi1>, vector<16xi32>
    %or3A_771 = arith.ori %or3A_756, %select_n3A_770 : vector<16xi32>
    %add3A_772 = vector.broadcast %mul3A_2 : i32 to vector<16xi32>
    %add3A_773 = arith.addi %get3A_766, %add3A_772 : vector<16xi32>
    %swap3A_774 = arith.constant 1 : i32
    %swap3A_775 = arith.index_cast %swap3A_774 : i32 to index
    %swap3A_776 = arith.constant 112 : index
    %swap3A_777 = tpu.vector_load %arg5[%swap3A_775, %swap3A_776] {strides = array<i32>} : memref<64x128xi32, #tpu.memory_space<vmem>>, vector<16xi32>,
    tpu.vector_store %arg5[%swap3A_775, %swap3A_776], %add3A_773 {strides = array<i32>} : memref<64x128xi32, #tpu.memory_space<vmem>>, vector<16xi32>,
    %reduce_sum3A_778 = arith.constant true
    %reduce_sum3A_779 = vector.broadcast %reduce_sum3A_778 : i1 to vector<16xi1>
    %reduce_sum3A_780 = tpu.scan <sum>, %or3A_771 masked %reduce_sum3A_779 : vector<16xi32>, vector<16xi1> -> vector<16xi32>
    %reduce_sum3A_781 = vector.extract %reduce_sum3A_780[15] : i32 from vector<16xi32>
    %swap3A_782 = arith.constant 1 : i32
    %swap3A_783 = arith.index_cast %swap3A_782 : i32 to index
    %swap3A_784 = memref.load %arg9[%swap3A_783] : memref<64xi32, #tpu.memory_space<smem>>
    memref.store %reduce_sum3A_781, %arg9[%swap3A_783] : memref<64xi32, #tpu.memory_space<smem>>
    %dma_start3A_785 = arith.constant 1 : i32
    %dma_start3A_786 = arith.constant 1 : i32
    %dma_start3A_787 = arith.constant 0 : i32
    %dma_start3A_788 = arith.constant 0 : i32
    %dma_start3A_789 = tpu.memref_slice %arg6[%dma_start3A_786, %dma_start3A_787, %dma_start3A_788] : memref<4x128x128xf32, #tpu.memory_space<vmem>> -> memref<1x128x128xf32, #tpu.memory_space<vmem>>
    %dma_start3A_790 = tpu.memref_squeeze %dma_start3A_789 : memref<1x128x128xf32, #tpu.memory_space<vmem>> -> memref<128x128xf32, #tpu.memory_space<vmem>>
    %dma_start3A_791 = arith.constant 0 : i32
    %dma_start3A_792 = tpu.memref_slice %arg5[%dma_start3A_785, %dma_start3A_791] : memref<64x128xi32, #tpu.memory_space<vmem>> -> memref<1x128xi32, #tpu.memory_space<vmem>>
    %dma_start3A_793 = tpu.memref_squeeze %dma_start3A_792 : memref<1x128xi32, #tpu.memory_space<vmem>> -> memref<128xi32, #tpu.memory_space<vmem>>
    %dma_start3A_794 = arith.constant 0 : i32
    %dma_start3A_795 = arith.constant 0 : i32
    %dma_start3A_796 = tpu.memref_slice %arg2[%dma_start3A_794, %dma_start3A_795] : memref<32768x128xf32, #tpu.memory_space<hbm>> -> memref<32768x128xf32, #tpu.memory_space<hbm>>
    tpu.enqueue_indirect_dma source(%dma_start3A_796 : memref<32768x128xf32, #tpu.memory_space<hbm>>) target(%dma_start3A_790 : memref<128x128xf32, #tpu.memory_space<vmem>>) offsets(%dma_start3A_793 : memref<128xi32, #tpu.memory_space<vmem>>) semaphore(%arg11 : memref<!tpu.dma_semaphore, #tpu.memory_space<semaphore_mem>>)
    %scan3A = arith.constant 0 : i32
    %scan3A_797 = arith.constant 0 : i32
    %scan3A_798 = arith.constant 16 : i32
    %scan3A_799 = arith.addi %scan3A_797, %scan3A_798 : i32
    %scan3A_800 = arith.constant 1 : i32
    scf.for %scan3A_867 = %scan3A_797 to %scan3A_799 step %scan3A_800  : i32 {
      %mul3A_868 = arith.constant 4 : i32
      %mul3A_869 = arith.muli %scan3A_867, %mul3A_868 : i32
      %add3A_870 = arith.constant 0 : i32
      %add3A_871 = arith.addi %mul3A_869, %add3A_870 : i32
      %add3A_872 = arith.constant 2 : i32
      %add3A_873 = arith.addi %add3A_871, %add3A_872 : i32
      %lt3A = arith.constant 64 : i32
      %lt3A_874 = arith.cmpi slt, %add3A_873, %lt3A : i32
      %convert_element_type3A = arith.extui %lt3A_874 : i1 to i32
      %cond3A = arith.constant 0 : i32
      %cond3A_875 = arith.cmpi ne, %convert_element_type3A, %cond3A : i32
      scf.if %cond3A_875 {
        %broadcast_in_dim3A_1017 = arith.constant 0 : i32
        %broadcast_in_dim3A_1018 = vector.broadcast %broadcast_in_dim3A_1017 : i32 to vector<16xi32>
        %get3A_1019 = arith.index_cast %add3A_873 : i32 to index
        %get3A_1020 = arith.constant 0 : index
        %get3A_1021 = tpu.vector_load %arg5[%get3A_1019, %get3A_1020] {strides = array<i32>} : memref<64x128xi32, #tpu.memory_space<vmem>>, vector<16xi32>,
        %eq3A_1022 = arith.constant 0 : i32
        %eq3A_1023 = vector.broadcast %eq3A_1022 : i32 to vector<16xi32>
        %eq3A_1024 = arith.cmpi eq, %get3A_1021, %eq3A_1023 : vector<16xi32>
        %select_n3A_1025 = arith.select %eq3A_1024, %broadcast_in_dim3A_5, %broadcast_in_dim3A_7 : vector<16xi1>, vector<16xi32>
        %or3A_1026 = arith.ori %broadcast_in_dim3A_1018, %select_n3A_1025 : vector<16xi32>
        %add3A_1027 = vector.broadcast %mul3A_2 : i32 to vector<16xi32>
        %add3A_1028 = arith.addi %get3A_1021, %add3A_1027 : vector<16xi32>
        %swap3A_1029 = arith.index_cast %add3A_873 : i32 to index
        %swap3A_1030 = arith.constant 0 : index
        %swap3A_1031 = tpu.vector_load %arg5[%swap3A_1029, %swap3A_1030] {strides = array<i32>} : memref<64x128xi32, #tpu.memory_space<vmem>>, vector<16xi32>,
        tpu.vector_store %arg5[%swap3A_1029, %swap3A_1030], %add3A_1028 {strides = array<i32>} : memref<64x128xi32, #tpu.memory_space<vmem>>, vector<16xi32>,
        %get3A_1032 = arith.index_cast %add3A_873 : i32 to index
        %get3A_1033 = arith.constant 16 : index
        %get3A_1034 = tpu.vector_load %arg5[%get3A_1032, %get3A_1033] {strides = array<i32>} : memref<64x128xi32, #tpu.memory_space<vmem>>, vector<16xi32>,
        %eq3A_1035 = arith.constant 0 : i32
        %eq3A_1036 = vector.broadcast %eq3A_1035 : i32 to vector<16xi32>
        %eq3A_1037 = arith.cmpi eq, %get3A_1034, %eq3A_1036 : vector<16xi32>
        %select_n3A_1038 = arith.select %eq3A_1037, %broadcast_in_dim3A_5, %broadcast_in_dim3A_7 : vector<16xi1>, vector<16xi32>
        %or3A_1039 = arith.ori %or3A_1026, %select_n3A_1038 : vector<16xi32>
        %add3A_1040 = vector.broadcast %mul3A_2 : i32 to vector<16xi32>
        %add3A_1041 = arith.addi %get3A_1034, %add3A_1040 : vector<16xi32>
        %swap3A_1042 = arith.index_cast %add3A_873 : i32 to index
        %swap3A_1043 = arith.constant 16 : index
        %swap3A_1044 = tpu.vector_load %arg5[%swap3A_1042, %swap3A_1043] {strides = array<i32>} : memref<64x128xi32, #tpu.memory_space<vmem>>, vector<16xi32>,
        tpu.vector_store %arg5[%swap3A_1042, %swap3A_1043], %add3A_1041 {strides = array<i32>} : memref<64x128xi32, #tpu.memory_space<vmem>>, vector<16xi32>,
        %get3A_1045 = arith.index_cast %add3A_873 : i32 to index
        %get3A_1046 = arith.constant 32 : index
        %get3A_1047 = tpu.vector_load %arg5[%get3A_1045, %get3A_1046] {strides = array<i32>} : memref<64x128xi32, #tpu.memory_space<vmem>>, vector<16xi32>,
        %eq3A_1048 = arith.constant 0 : i32
        %eq3A_1049 = vector.broadcast %eq3A_1048 : i32 to vector<16xi32>
        %eq3A_1050 = arith.cmpi eq, %get3A_1047, %eq3A_1049 : vector<16xi32>
        %select_n3A_1051 = arith.select %eq3A_1050, %broadcast_in_dim3A_5, %broadcast_in_dim3A_7 : vector<16xi1>, vector<16xi32>
        %or3A_1052 = arith.ori %or3A_1039, %select_n3A_1051 : vector<16xi32>
        %add3A_1053 = vector.broadcast %mul3A_2 : i32 to vector<16xi32>
        %add3A_1054 = arith.addi %get3A_1047, %add3A_1053 : vector<16xi32>
        %swap3A_1055 = arith.index_cast %add3A_873 : i32 to index
        %swap3A_1056 = arith.constant 32 : index
        %swap3A_1057 = tpu.vector_load %arg5[%swap3A_1055, %swap3A_1056] {strides = array<i32>} : memref<64x128xi32, #tpu.memory_space<vmem>>, vector<16xi32>,
        tpu.vector_store %arg5[%swap3A_1055, %swap3A_1056], %add3A_1054 {strides = array<i32>} : memref<64x128xi32, #tpu.memory_space<vmem>>, vector<16xi32>,
        %get3A_1058 = arith.index_cast %add3A_873 : i32 to index
        %get3A_1059 = arith.constant 48 : index
        %get3A_1060 = tpu.vector_load %arg5[%get3A_1058, %get3A_1059] {strides = array<i32>} : memref<64x128xi32, #tpu.memory_space<vmem>>, vector<16xi32>,
        %eq3A_1061 = arith.constant 0 : i32
        %eq3A_1062 = vector.broadcast %eq3A_1061 : i32 to vector<16xi32>
        %eq3A_1063 = arith.cmpi eq, %get3A_1060, %eq3A_1062 : vector<16xi32>
        %select_n3A_1064 = arith.select %eq3A_1063, %broadcast_in_dim3A_5, %broadcast_in_dim3A_7 : vector<16xi1>, vector<16xi32>
        %or3A_1065 = arith.ori %or3A_1052, %select_n3A_1064 : vector<16xi32>
        %add3A_1066 = vector.broadcast %mul3A_2 : i32 to vector<16xi32>
        %add3A_1067 = arith.addi %get3A_1060, %add3A_1066 : vector<16xi32>
        %swap3A_1068 = arith.index_cast %add3A_873 : i32 to index
        %swap3A_1069 = arith.constant 48 : index
        %swap3A_1070 = tpu.vector_load %arg5[%swap3A_1068, %swap3A_1069] {strides = array<i32>} : memref<64x128xi32, #tpu.memory_space<vmem>>, vector<16xi32>,
        tpu.vector_store %arg5[%swap3A_1068, %swap3A_1069], %add3A_1067 {strides = array<i32>} : memref<64x128xi32, #tpu.memory_space<vmem>>, vector<16xi32>,
        %get3A_1071 = arith.index_cast %add3A_873 : i32 to index
        %get3A_1072 = arith.constant 64 : index
        %get3A_1073 = tpu.vector_load %arg5[%get3A_1071, %get3A_1072] {strides = array<i32>} : memref<64x128xi32, #tpu.memory_space<vmem>>, vector<16xi32>,
        %eq3A_1074 = arith.constant 0 : i32
        %eq3A_1075 = vector.broadcast %eq3A_1074 : i32 to vector<16xi32>
        %eq3A_1076 = arith.cmpi eq, %get3A_1073, %eq3A_1075 : vector<16xi32>
        %select_n3A_1077 = arith.select %eq3A_1076, %broadcast_in_dim3A_5, %broadcast_in_dim3A_7 : vector<16xi1>, vector<16xi32>
        %or3A_1078 = arith.ori %or3A_1065, %select_n3A_1077 : vector<16xi32>
        %add3A_1079 = vector.broadcast %mul3A_2 : i32 to vector<16xi32>
        %add3A_1080 = arith.addi %get3A_1073, %add3A_1079 : vector<16xi32>
        %swap3A_1081 = arith.index_cast %add3A_873 : i32 to index
        %swap3A_1082 = arith.constant 64 : index
        %swap3A_1083 = tpu.vector_load %arg5[%swap3A_1081, %swap3A_1082] {strides = array<i32>} : memref<64x128xi32, #tpu.memory_space<vmem>>, vector<16xi32>,
        tpu.vector_store %arg5[%swap3A_1081, %swap3A_1082], %add3A_1080 {strides = array<i32>} : memref<64x128xi32, #tpu.memory_space<vmem>>, vector<16xi32>,
        %get3A_1084 = arith.index_cast %add3A_873 : i32 to index
        %get3A_1085 = arith.constant 80 : index
        %get3A_1086 = tpu.vector_load %arg5[%get3A_1084, %get3A_1085] {strides = array<i32>} : memref<64x128xi32, #tpu.memory_space<vmem>>, vector<16xi32>,
        %eq3A_1087 = arith.constant 0 : i32
        %eq3A_1088 = vector.broadcast %eq3A_1087 : i32 to vector<16xi32>
        %eq3A_1089 = arith.cmpi eq, %get3A_1086, %eq3A_1088 : vector<16xi32>
        %select_n3A_1090 = arith.select %eq3A_1089, %broadcast_in_dim3A_5, %broadcast_in_dim3A_7 : vector<16xi1>, vector<16xi32>
        %or3A_1091 = arith.ori %or3A_1078, %select_n3A_1090 : vector<16xi32>
        %add3A_1092 = vector.broadcast %mul3A_2 : i32 to vector<16xi32>
        %add3A_1093 = arith.addi %get3A_1086, %add3A_1092 : vector<16xi32>
        %swap3A_1094 = arith.index_cast %add3A_873 : i32 to index
        %swap3A_1095 = arith.constant 80 : index
        %swap3A_1096 = tpu.vector_load %arg5[%swap3A_1094, %swap3A_1095] {strides = array<i32>} : memref<64x128xi32, #tpu.memory_space<vmem>>, vector<16xi32>,
        tpu.vector_store %arg5[%swap3A_1094, %swap3A_1095], %add3A_1093 {strides = array<i32>} : memref<64x128xi32, #tpu.memory_space<vmem>>, vector<16xi32>,
        %get3A_1097 = arith.index_cast %add3A_873 : i32 to index
        %get3A_1098 = arith.constant 96 : index
        %get3A_1099 = tpu.vector_load %arg5[%get3A_1097, %get3A_1098] {strides = array<i32>} : memref<64x128xi32, #tpu.memory_space<vmem>>, vector<16xi32>,
        %eq3A_1100 = arith.constant 0 : i32
        %eq3A_1101 = vector.broadcast %eq3A_1100 : i32 to vector<16xi32>
        %eq3A_1102 = arith.cmpi eq, %get3A_1099, %eq3A_1101 : vector<16xi32>
        %select_n3A_1103 = arith.select %eq3A_1102, %broadcast_in_dim3A_5, %broadcast_in_dim3A_7 : vector<16xi1>, vector<16xi32>
        %or3A_1104 = arith.ori %or3A_1091, %select_n3A_1103 : vector<16xi32>
        %add3A_1105 = vector.broadcast %mul3A_2 : i32 to vector<16xi32>
        %add3A_1106 = arith.addi %get3A_1099, %add3A_1105 : vector<16xi32>
        %swap3A_1107 = arith.index_cast %add3A_873 : i32 to index
        %swap3A_1108 = arith.constant 96 : index
        %swap3A_1109 = tpu.vector_load %arg5[%swap3A_1107, %swap3A_1108] {strides = array<i32>} : memref<64x128xi32, #tpu.memory_space<vmem>>, vector<16xi32>,
        tpu.vector_store %arg5[%swap3A_1107, %swap3A_1108], %add3A_1106 {strides = array<i32>} : memref<64x128xi32, #tpu.memory_space<vmem>>, vector<16xi32>,
        %get3A_1110 = arith.index_cast %add3A_873 : i32 to index
        %get3A_1111 = arith.constant 112 : index
        %get3A_1112 = tpu.vector_load %arg5[%get3A_1110, %get3A_1111] {strides = array<i32>} : memref<64x128xi32, #tpu.memory_space<vmem>>, vector<16xi32>,
        %eq3A_1113 = arith.constant 0 : i32
        %eq3A_1114 = vector.broadcast %eq3A_1113 : i32 to vector<16xi32>
        %eq3A_1115 = arith.cmpi eq, %get3A_1112, %eq3A_1114 : vector<16xi32>
        %select_n3A_1116 = arith.select %eq3A_1115, %broadcast_in_dim3A_5, %broadcast_in_dim3A_7 : vector<16xi1>, vector<16xi32>
        %or3A_1117 = arith.ori %or3A_1104, %select_n3A_1116 : vector<16xi32>
        %add3A_1118 = vector.broadcast %mul3A_2 : i32 to vector<16xi32>
        %add3A_1119 = arith.addi %get3A_1112, %add3A_1118 : vector<16xi32>
        %swap3A_1120 = arith.index_cast %add3A_873 : i32 to index
        %swap3A_1121 = arith.constant 112 : index
        %swap3A_1122 = tpu.vector_load %arg5[%swap3A_1120, %swap3A_1121] {strides = array<i32>} : memref<64x128xi32, #tpu.memory_space<vmem>>, vector<16xi32>,
        tpu.vector_store %arg5[%swap3A_1120, %swap3A_1121], %add3A_1119 {strides = array<i32>} : memref<64x128xi32, #tpu.memory_space<vmem>>, vector<16xi32>,
        %reduce_sum3A_1123 = arith.constant true
        %reduce_sum3A_1124 = vector.broadcast %reduce_sum3A_1123 : i1 to vector<16xi1>
        %reduce_sum3A_1125 = tpu.scan <sum>, %or3A_1117 masked %reduce_sum3A_1124 : vector<16xi32>, vector<16xi1> -> vector<16xi32>
        %reduce_sum3A_1126 = vector.extract %reduce_sum3A_1125[15] : i32 from vector<16xi32>
        %swap3A_1127 = arith.index_cast %add3A_873 : i32 to index
        %swap3A_1128 = memref.load %arg9[%swap3A_1127] : memref<64xi32, #tpu.memory_space<smem>>
        memref.store %reduce_sum3A_1126, %arg9[%swap3A_1127] : memref<64xi32, #tpu.memory_space<smem>>
        %ge3A = arith.constant 4 : i32
        %ge3A_1129 = arith.cmpi sge, %add3A_873, %ge3A : i32
        %convert_element_type3A_1130 = arith.extui %ge3A_1129 : i1 to i32
        %cond3A_1131 = arith.constant 0 : i32
        %cond3A_1132 = arith.cmpi ne, %convert_element_type3A_1130, %cond3A_1131 : i32
        scf.if %cond3A_1132 {
          %sub3A = arith.constant 4 : i32
          %sub3A_1144 = arith.subi %add3A_873, %sub3A : i32
          %mul3A_1145 = arith.constant 128 : i32
          %mul3A_1146 = arith.muli %sub3A_1144, %mul3A_1145 : i32
          %add3A_1147 = arith.addi %mul3A_4, %mul3A_1146 : i32
          %dma_wait3A_1148 = arith.constant 2 : i32
          %dma_wait3A_1149 = arith.constant 0 : i32
          %dma_wait3A_1150 = arith.constant 0 : i32
          %dma_wait3A_1151 = tpu.memref_slice %arg6[%dma_wait3A_1148, %dma_wait3A_1149, %dma_wait3A_1150] : memref<4x128x128xf32, #tpu.memory_space<vmem>> -> memref<1x128x128xf32, #tpu.memory_space<vmem>>
          %dma_wait3A_1152 = tpu.memref_squeeze %dma_wait3A_1151 : memref<1x128x128xf32, #tpu.memory_space<vmem>> -> memref<128x128xf32, #tpu.memory_space<vmem>>
          %dma_wait3A_1153 = arith.constant 0 : i32
          %dma_wait3A_1154 = tpu.memref_slice %arg4[%add3A_1147, %dma_wait3A_1153] : memref<262144x128xf32, #tpu.memory_space<hbm>> -> memref<128x128xf32, #tpu.memory_space<hbm>>
          %dma_wait3A_1155 = arith.constant 0 : i32
          %dma_wait3A_1156 = tpu.memref_slice %arg4[%add3A_1147, %dma_wait3A_1155] : memref<262144x128xf32, #tpu.memory_space<hbm>> -> memref<128x128xf32, #tpu.memory_space<hbm>>
          %dma_wait3A_1157 = arith.constant 0 : i32
          %dma_wait3A_1158 = arith.constant 0 : i32
          %dma_wait3A_1159 = tpu.memref_slice %arg6[%dma_wait3A_1148, %dma_wait3A_1157, %dma_wait3A_1158] : memref<4x128x128xf32, #tpu.memory_space<vmem>> -> memref<1x128x128xf32, #tpu.memory_space<vmem>>
          %dma_wait3A_1160 = tpu.memref_squeeze %dma_wait3A_1159 : memref<1x128x128xf32, #tpu.memory_space<vmem>> -> memref<128x128xf32, #tpu.memory_space<vmem>>
          tpu.wait_dma2 semaphore(%arg16 : memref<!tpu.dma_semaphore, #tpu.memory_space<semaphore_mem>>) src(%dma_wait3A_1160 : memref<128x128xf32, #tpu.memory_space<vmem>>) dst(%dma_wait3A_1156 : memref<128x128xf32, #tpu.memory_space<hbm>>)
        } else {
        }
        %dma_start3A_1133 = arith.constant 2 : i32
        %dma_start3A_1134 = arith.constant 0 : i32
        %dma_start3A_1135 = arith.constant 0 : i32
        %dma_start3A_1136 = tpu.memref_slice %arg6[%dma_start3A_1133, %dma_start3A_1134, %dma_start3A_1135] : memref<4x128x128xf32, #tpu.memory_space<vmem>> -> memref<1x128x128xf32, #tpu.memory_space<vmem>>
        %dma_start3A_1137 = tpu.memref_squeeze %dma_start3A_1136 : memref<1x128x128xf32, #tpu.memory_space<vmem>> -> memref<128x128xf32, #tpu.memory_space<vmem>>
        %dma_start3A_1138 = arith.constant 0 : i32
        %dma_start3A_1139 = tpu.memref_slice %arg5[%add3A_873, %dma_start3A_1138] : memref<64x128xi32, #tpu.memory_space<vmem>> -> memref<1x128xi32, #tpu.memory_space<vmem>>
        %dma_start3A_1140 = tpu.memref_squeeze %dma_start3A_1139 : memref<1x128xi32, #tpu.memory_space<vmem>> -> memref<128xi32, #tpu.memory_space<vmem>>
        %dma_start3A_1141 = arith.constant 0 : i32
        %dma_start3A_1142 = arith.constant 0 : i32
        %dma_start3A_1143 = tpu.memref_slice %arg2[%dma_start3A_1141, %dma_start3A_1142] : memref<32768x128xf32, #tpu.memory_space<hbm>> -> memref<32768x128xf32, #tpu.memory_space<hbm>>
        tpu.enqueue_indirect_dma source(%dma_start3A_1143 : memref<32768x128xf32, #tpu.memory_space<hbm>>) target(%dma_start3A_1137 : memref<128x128xf32, #tpu.memory_space<vmem>>) offsets(%dma_start3A_1140 : memref<128xi32, #tpu.memory_space<vmem>>) semaphore(%arg12 : memref<!tpu.dma_semaphore, #tpu.memory_space<semaphore_mem>>)
      } else {
      }
      %dma_wait3A_876 = arith.constant 0 : i32
      %dma_wait3A_877 = arith.constant 0 : i32
      %dma_wait3A_878 = arith.constant 0 : i32
      %dma_wait3A_879 = tpu.memref_slice %arg6[%dma_wait3A_876, %dma_wait3A_877, %dma_wait3A_878] : memref<4x128x128xf32, #tpu.memory_space<vmem>> -> memref<1x128x128xf32, #tpu.memory_space<vmem>>
      %dma_wait3A_880 = tpu.memref_squeeze %dma_wait3A_879 : memref<1x128x128xf32, #tpu.memory_space<vmem>> -> memref<128x128xf32, #tpu.memory_space<vmem>>
      %dma_wait3A_881 = arith.constant 0 : i32
      %dma_wait3A_882 = tpu.memref_slice %arg5[%add3A_871, %dma_wait3A_881] : memref<64x128xi32, #tpu.memory_space<vmem>> -> memref<1x128xi32, #tpu.memory_space<vmem>>
      %dma_wait3A_883 = tpu.memref_squeeze %dma_wait3A_882 : memref<1x128xi32, #tpu.memory_space<vmem>> -> memref<128xi32, #tpu.memory_space<vmem>>
      %dma_wait3A_884 = arith.constant 0 : i32
      %dma_wait3A_885 = arith.constant 0 : i32
      %dma_wait3A_886 = tpu.memref_slice %arg2[%dma_wait3A_884, %dma_wait3A_885] : memref<32768x128xf32, #tpu.memory_space<hbm>> -> memref<32768x128xf32, #tpu.memory_space<hbm>>
      tpu.wait_indirect_dma semaphore(%arg10 : memref<!tpu.dma_semaphore, #tpu.memory_space<semaphore_mem>>) src(%dma_wait3A_886 : memref<32768x128xf32, #tpu.memory_space<hbm>>) dst(%dma_wait3A_880 : memref<128x128xf32, #tpu.memory_space<vmem>>)
      %mul3A_887 = arith.constant 128 : i32
      %mul3A_888 = arith.muli %add3A_871, %mul3A_887 : i32
      %add3A_889 = arith.addi %mul3A_4, %mul3A_888 : i32
      %dma_start3A_890 = arith.constant 0 : i32
      %dma_start3A_891 = arith.constant 0 : i32
      %dma_start3A_892 = arith.constant 0 : i32
      %dma_start3A_893 = tpu.memref_slice %arg6[%dma_start3A_890, %dma_start3A_891, %dma_start3A_892] : memref<4x128x128xf32, #tpu.memory_space<vmem>> -> memref<1x128x128xf32, #tpu.memory_space<vmem>>
      %dma_start3A_894 = tpu.memref_squeeze %dma_start3A_893 : memref<1x128x128xf32, #tpu.memory_space<vmem>> -> memref<128x128xf32, #tpu.memory_space<vmem>>
      %dma_start3A_895 = arith.constant 0 : i32
      %dma_start3A_896 = tpu.memref_slice %arg4[%add3A_889, %dma_start3A_895] : memref<262144x128xf32, #tpu.memory_space<hbm>> -> memref<128x128xf32, #tpu.memory_space<hbm>>
      %dma_start3A_897 = arith.constant 0 : i32
      %dma_start3A_898 = tpu.memref_slice %arg4[%add3A_889, %dma_start3A_897] : memref<262144x128xf32, #tpu.memory_space<hbm>> -> memref<128x128xf32, #tpu.memory_space<hbm>>
      %dma_start3A_899 = arith.constant 0 : i32
      %dma_start3A_900 = arith.constant 0 : i32
      %dma_start3A_901 = tpu.memref_slice %arg6[%dma_start3A_890, %dma_start3A_899, %dma_start3A_900] : memref<4x128x128xf32, #tpu.memory_space<vmem>> -> memref<1x128x128xf32, #tpu.memory_space<vmem>>
      %dma_start3A_902 = tpu.memref_squeeze %dma_start3A_901 : memref<1x128x128xf32, #tpu.memory_space<vmem>> -> memref<128x128xf32, #tpu.memory_space<vmem>>
      tpu.enqueue_dma source(%dma_start3A_902 : memref<128x128xf32, #tpu.memory_space<vmem>>) target(%dma_start3A_898 : memref<128x128xf32, #tpu.memory_space<hbm>>) target_semaphore(%arg14 : memref<!tpu.dma_semaphore, #tpu.memory_space<semaphore_mem>>)
      %mul3A_903 = arith.constant 4 : i32
      %mul3A_904 = arith.muli %scan3A_867, %mul3A_903 : i32
      %add3A_905 = arith.constant 1 : i32
      %add3A_906 = arith.addi %mul3A_904, %add3A_905 : i32
      %add3A_907 = arith.constant 2 : i32
      %add3A_908 = arith.addi %add3A_906, %add3A_907 : i32
      %lt3A_909 = arith.constant 64 : i32
      %lt3A_910 = arith.cmpi slt, %add3A_908, %lt3A_909 : i32
      %convert_element_type3A_911 = arith.extui %lt3A_910 : i1 to i32
      %cond3A_912 = arith.constant 0 : i32
      %cond3A_913 = arith.cmpi ne, %convert_element_type3A_911, %cond3A_912 : i32
      scf.if %cond3A_913 {
        %broadcast_in_dim3A_1017 = arith.constant 0 : i32
        %broadcast_in_dim3A_1018 = vector.broadcast %broadcast_in_dim3A_1017 : i32 to vector<16xi32>
        %get3A_1019 = arith.index_cast %add3A_908 : i32 to index
        %get3A_1020 = arith.constant 0 : index
        %get3A_1021 = tpu.vector_load %arg5[%get3A_1019, %get3A_1020] {strides = array<i32>} : memref<64x128xi32, #tpu.memory_space<vmem>>, vector<16xi32>,
        %eq3A_1022 = arith.constant 0 : i32
        %eq3A_1023 = vector.broadcast %eq3A_1022 : i32 to vector<16xi32>
        %eq3A_1024 = arith.cmpi eq, %get3A_1021, %eq3A_1023 : vector<16xi32>
        %select_n3A_1025 = arith.select %eq3A_1024, %broadcast_in_dim3A_5, %broadcast_in_dim3A_7 : vector<16xi1>, vector<16xi32>
        %or3A_1026 = arith.ori %broadcast_in_dim3A_1018, %select_n3A_1025 : vector<16xi32>
        %add3A_1027 = vector.broadcast %mul3A_2 : i32 to vector<16xi32>
        %add3A_1028 = arith.addi %get3A_1021, %add3A_1027 : vector<16xi32>
        %swap3A_1029 = arith.index_cast %add3A_908 : i32 to index
        %swap3A_1030 = arith.constant 0 : index
        %swap3A_1031 = tpu.vector_load %arg5[%swap3A_1029, %swap3A_1030] {strides = array<i32>} : memref<64x128xi32, #tpu.memory_space<vmem>>, vector<16xi32>,
        tpu.vector_store %arg5[%swap3A_1029, %swap3A_1030], %add3A_1028 {strides = array<i32>} : memref<64x128xi32, #tpu.memory_space<vmem>>, vector<16xi32>,
        %get3A_1032 = arith.index_cast %add3A_908 : i32 to index
        %get3A_1033 = arith.constant 16 : index
        %get3A_1034 = tpu.vector_load %arg5[%get3A_1032, %get3A_1033] {strides = array<i32>} : memref<64x128xi32, #tpu.memory_space<vmem>>, vector<16xi32>,
        %eq3A_1035 = arith.constant 0 : i32
        %eq3A_1036 = vector.broadcast %eq3A_1035 : i32 to vector<16xi32>
        %eq3A_1037 = arith.cmpi eq, %get3A_1034, %eq3A_1036 : vector<16xi32>
        %select_n3A_1038 = arith.select %eq3A_1037, %broadcast_in_dim3A_5, %broadcast_in_dim3A_7 : vector<16xi1>, vector<16xi32>
        %or3A_1039 = arith.ori %or3A_1026, %select_n3A_1038 : vector<16xi32>
        %add3A_1040 = vector.broadcast %mul3A_2 : i32 to vector<16xi32>
        %add3A_1041 = arith.addi %get3A_1034, %add3A_1040 : vector<16xi32>
        %swap3A_1042 = arith.index_cast %add3A_908 : i32 to index
        %swap3A_1043 = arith.constant 16 : index
        %swap3A_1044 = tpu.vector_load %arg5[%swap3A_1042, %swap3A_1043] {strides = array<i32>} : memref<64x128xi32, #tpu.memory_space<vmem>>, vector<16xi32>,
        tpu.vector_store %arg5[%swap3A_1042, %swap3A_1043], %add3A_1041 {strides = array<i32>} : memref<64x128xi32, #tpu.memory_space<vmem>>, vector<16xi32>,
        %get3A_1045 = arith.index_cast %add3A_908 : i32 to index
        %get3A_1046 = arith.constant 32 : index
        %get3A_1047 = tpu.vector_load %arg5[%get3A_1045, %get3A_1046] {strides = array<i32>} : memref<64x128xi32, #tpu.memory_space<vmem>>, vector<16xi32>,
        %eq3A_1048 = arith.constant 0 : i32
        %eq3A_1049 = vector.broadcast %eq3A_1048 : i32 to vector<16xi32>
        %eq3A_1050 = arith.cmpi eq, %get3A_1047, %eq3A_1049 : vector<16xi32>
        %select_n3A_1051 = arith.select %eq3A_1050, %broadcast_in_dim3A_5, %broadcast_in_dim3A_7 : vector<16xi1>, vector<16xi32>
        %or3A_1052 = arith.ori %or3A_1039, %select_n3A_1051 : vector<16xi32>
        %add3A_1053 = vector.broadcast %mul3A_2 : i32 to vector<16xi32>
        %add3A_1054 = arith.addi %get3A_1047, %add3A_1053 : vector<16xi32>
        %swap3A_1055 = arith.index_cast %add3A_908 : i32 to index
        %swap3A_1056 = arith.constant 32 : index
        %swap3A_1057 = tpu.vector_load %arg5[%swap3A_1055, %swap3A_1056] {strides = array<i32>} : memref<64x128xi32, #tpu.memory_space<vmem>>, vector<16xi32>,
        tpu.vector_store %arg5[%swap3A_1055, %swap3A_1056], %add3A_1054 {strides = array<i32>} : memref<64x128xi32, #tpu.memory_space<vmem>>, vector<16xi32>,
        %get3A_1058 = arith.index_cast %add3A_908 : i32 to index
        %get3A_1059 = arith.constant 48 : index
        %get3A_1060 = tpu.vector_load %arg5[%get3A_1058, %get3A_1059] {strides = array<i32>} : memref<64x128xi32, #tpu.memory_space<vmem>>, vector<16xi32>,
        %eq3A_1061 = arith.constant 0 : i32
        %eq3A_1062 = vector.broadcast %eq3A_1061 : i32 to vector<16xi32>
        %eq3A_1063 = arith.cmpi eq, %get3A_1060, %eq3A_1062 : vector<16xi32>
        %select_n3A_1064 = arith.select %eq3A_1063, %broadcast_in_dim3A_5, %broadcast_in_dim3A_7 : vector<16xi1>, vector<16xi32>
        %or3A_1065 = arith.ori %or3A_1052, %select_n3A_1064 : vector<16xi32>
        %add3A_1066 = vector.broadcast %mul3A_2 : i32 to vector<16xi32>
        %add3A_1067 = arith.addi %get3A_1060, %add3A_1066 : vector<16xi32>
        %swap3A_1068 = arith.index_cast %add3A_908 : i32 to index
        %swap3A_1069 = arith.constant 48 : index
        %swap3A_1070 = tpu.vector_load %arg5[%swap3A_1068, %swap3A_1069] {strides = array<i32>} : memref<64x128xi32, #tpu.memory_space<vmem>>, vector<16xi32>,
        tpu.vector_store %arg5[%swap3A_1068, %swap3A_1069], %add3A_1067 {strides = array<i32>} : memref<64x128xi32, #tpu.memory_space<vmem>>, vector<16xi32>,
        %get3A_1071 = arith.index_cast %add3A_908 : i32 to index
        %get3A_1072 = arith.constant 64 : index
        %get3A_1073 = tpu.vector_load %arg5[%get3A_1071, %get3A_1072] {strides = array<i32>} : memref<64x128xi32, #tpu.memory_space<vmem>>, vector<16xi32>,
        %eq3A_1074 = arith.constant 0 : i32
        %eq3A_1075 = vector.broadcast %eq3A_1074 : i32 to vector<16xi32>
        %eq3A_1076 = arith.cmpi eq, %get3A_1073, %eq3A_1075 : vector<16xi32>
        %select_n3A_1077 = arith.select %eq3A_1076, %broadcast_in_dim3A_5, %broadcast_in_dim3A_7 : vector<16xi1>, vector<16xi32>
        %or3A_1078 = arith.ori %or3A_1065, %select_n3A_1077 : vector<16xi32>
        %add3A_1079 = vector.broadcast %mul3A_2 : i32 to vector<16xi32>
        %add3A_1080 = arith.addi %get3A_1073, %add3A_1079 : vector<16xi32>
        %swap3A_1081 = arith.index_cast %add3A_908 : i32 to index
        %swap3A_1082 = arith.constant 64 : index
        %swap3A_1083 = tpu.vector_load %arg5[%swap3A_1081, %swap3A_1082] {strides = array<i32>} : memref<64x128xi32, #tpu.memory_space<vmem>>, vector<16xi32>,
        tpu.vector_store %arg5[%swap3A_1081, %swap3A_1082], %add3A_1080 {strides = array<i32>} : memref<64x128xi32, #tpu.memory_space<vmem>>, vector<16xi32>,
        %get3A_1084 = arith.index_cast %add3A_908 : i32 to index
        %get3A_1085 = arith.constant 80 : index
        %get3A_1086 = tpu.vector_load %arg5[%get3A_1084, %get3A_1085] {strides = array<i32>} : memref<64x128xi32, #tpu.memory_space<vmem>>, vector<16xi32>,
        %eq3A_1087 = arith.constant 0 : i32
        %eq3A_1088 = vector.broadcast %eq3A_1087 : i32 to vector<16xi32>
        %eq3A_1089 = arith.cmpi eq, %get3A_1086, %eq3A_1088 : vector<16xi32>
        %select_n3A_1090 = arith.select %eq3A_1089, %broadcast_in_dim3A_5, %broadcast_in_dim3A_7 : vector<16xi1>, vector<16xi32>
        %or3A_1091 = arith.ori %or3A_1078, %select_n3A_1090 : vector<16xi32>
        %add3A_1092 = vector.broadcast %mul3A_2 : i32 to vector<16xi32>
        %add3A_1093 = arith.addi %get3A_1086, %add3A_1092 : vector<16xi32>
        %swap3A_1094 = arith.index_cast %add3A_908 : i32 to index
        %swap3A_1095 = arith.constant 80 : index
        %swap3A_1096 = tpu.vector_load %arg5[%swap3A_1094, %swap3A_1095] {strides = array<i32>} : memref<64x128xi32, #tpu.memory_space<vmem>>, vector<16xi32>,
        tpu.vector_store %arg5[%swap3A_1094, %swap3A_1095], %add3A_1093 {strides = array<i32>} : memref<64x128xi32, #tpu.memory_space<vmem>>, vector<16xi32>,
        %get3A_1097 = arith.index_cast %add3A_908 : i32 to index
        %get3A_1098 = arith.constant 96 : index
        %get3A_1099 = tpu.vector_load %arg5[%get3A_1097, %get3A_1098] {strides = array<i32>} : memref<64x128xi32, #tpu.memory_space<vmem>>, vector<16xi32>,
        %eq3A_1100 = arith.constant 0 : i32
        %eq3A_1101 = vector.broadcast %eq3A_1100 : i32 to vector<16xi32>
        %eq3A_1102 = arith.cmpi eq, %get3A_1099, %eq3A_1101 : vector<16xi32>
        %select_n3A_1103 = arith.select %eq3A_1102, %broadcast_in_dim3A_5, %broadcast_in_dim3A_7 : vector<16xi1>, vector<16xi32>
        %or3A_1104 = arith.ori %or3A_1091, %select_n3A_1103 : vector<16xi32>
        %add3A_1105 = vector.broadcast %mul3A_2 : i32 to vector<16xi32>
        %add3A_1106 = arith.addi %get3A_1099, %add3A_1105 : vector<16xi32>
        %swap3A_1107 = arith.index_cast %add3A_908 : i32 to index
        %swap3A_1108 = arith.constant 96 : index
        %swap3A_1109 = tpu.vector_load %arg5[%swap3A_1107, %swap3A_1108] {strides = array<i32>} : memref<64x128xi32, #tpu.memory_space<vmem>>, vector<16xi32>,
        tpu.vector_store %arg5[%swap3A_1107, %swap3A_1108], %add3A_1106 {strides = array<i32>} : memref<64x128xi32, #tpu.memory_space<vmem>>, vector<16xi32>,
        %get3A_1110 = arith.index_cast %add3A_908 : i32 to index
        %get3A_1111 = arith.constant 112 : index
        %get3A_1112 = tpu.vector_load %arg5[%get3A_1110, %get3A_1111] {strides = array<i32>} : memref<64x128xi32, #tpu.memory_space<vmem>>, vector<16xi32>,
        %eq3A_1113 = arith.constant 0 : i32
        %eq3A_1114 = vector.broadcast %eq3A_1113 : i32 to vector<16xi32>
        %eq3A_1115 = arith.cmpi eq, %get3A_1112, %eq3A_1114 : vector<16xi32>
        %select_n3A_1116 = arith.select %eq3A_1115, %broadcast_in_dim3A_5, %broadcast_in_dim3A_7 : vector<16xi1>, vector<16xi32>
        %or3A_1117 = arith.ori %or3A_1104, %select_n3A_1116 : vector<16xi32>
        %add3A_1118 = vector.broadcast %mul3A_2 : i32 to vector<16xi32>
        %add3A_1119 = arith.addi %get3A_1112, %add3A_1118 : vector<16xi32>
        %swap3A_1120 = arith.index_cast %add3A_908 : i32 to index
        %swap3A_1121 = arith.constant 112 : index
        %swap3A_1122 = tpu.vector_load %arg5[%swap3A_1120, %swap3A_1121] {strides = array<i32>} : memref<64x128xi32, #tpu.memory_space<vmem>>, vector<16xi32>,
        tpu.vector_store %arg5[%swap3A_1120, %swap3A_1121], %add3A_1119 {strides = array<i32>} : memref<64x128xi32, #tpu.memory_space<vmem>>, vector<16xi32>,
        %reduce_sum3A_1123 = arith.constant true
        %reduce_sum3A_1124 = vector.broadcast %reduce_sum3A_1123 : i1 to vector<16xi1>
        %reduce_sum3A_1125 = tpu.scan <sum>, %or3A_1117 masked %reduce_sum3A_1124 : vector<16xi32>, vector<16xi1> -> vector<16xi32>
        %reduce_sum3A_1126 = vector.extract %reduce_sum3A_1125[15] : i32 from vector<16xi32>
        %swap3A_1127 = arith.index_cast %add3A_908 : i32 to index
        %swap3A_1128 = memref.load %arg9[%swap3A_1127] : memref<64xi32, #tpu.memory_space<smem>>
        memref.store %reduce_sum3A_1126, %arg9[%swap3A_1127] : memref<64xi32, #tpu.memory_space<smem>>
        %ge3A = arith.constant 4 : i32
        %ge3A_1129 = arith.cmpi sge, %add3A_908, %ge3A : i32
        %convert_element_type3A_1130 = arith.extui %ge3A_1129 : i1 to i32
        %cond3A_1131 = arith.constant 0 : i32
        %cond3A_1132 = arith.cmpi ne, %convert_element_type3A_1130, %cond3A_1131 : i32
        scf.if %cond3A_1132 {
          %sub3A = arith.constant 4 : i32
          %sub3A_1144 = arith.subi %add3A_908, %sub3A : i32
          %mul3A_1145 = arith.constant 128 : i32
          %mul3A_1146 = arith.muli %sub3A_1144, %mul3A_1145 : i32
          %add3A_1147 = arith.addi %mul3A_4, %mul3A_1146 : i32
          %dma_wait3A_1148 = arith.constant 3 : i32
          %dma_wait3A_1149 = arith.constant 0 : i32
          %dma_wait3A_1150 = arith.constant 0 : i32
          %dma_wait3A_1151 = tpu.memref_slice %arg6[%dma_wait3A_1148, %dma_wait3A_1149, %dma_wait3A_1150] : memref<4x128x128xf32, #tpu.memory_space<vmem>> -> memref<1x128x128xf32, #tpu.memory_space<vmem>>
          %dma_wait3A_1152 = tpu.memref_squeeze %dma_wait3A_1151 : memref<1x128x128xf32, #tpu.memory_space<vmem>> -> memref<128x128xf32, #tpu.memory_space<vmem>>
          %dma_wait3A_1153 = arith.constant 0 : i32
          %dma_wait3A_1154 = tpu.memref_slice %arg4[%add3A_1147, %dma_wait3A_1153] : memref<262144x128xf32, #tpu.memory_space<hbm>> -> memref<128x128xf32, #tpu.memory_space<hbm>>
          %dma_wait3A_1155 = arith.constant 0 : i32
          %dma_wait3A_1156 = tpu.memref_slice %arg4[%add3A_1147, %dma_wait3A_1155] : memref<262144x128xf32, #tpu.memory_space<hbm>> -> memref<128x128xf32, #tpu.memory_space<hbm>>
          %dma_wait3A_1157 = arith.constant 0 : i32
          %dma_wait3A_1158 = arith.constant 0 : i32
          %dma_wait3A_1159 = tpu.memref_slice %arg6[%dma_wait3A_1148, %dma_wait3A_1157, %dma_wait3A_1158] : memref<4x128x128xf32, #tpu.memory_space<vmem>> -> memref<1x128x128xf32, #tpu.memory_space<vmem>>
          %dma_wait3A_1160 = tpu.memref_squeeze %dma_wait3A_1159 : memref<1x128x128xf32, #tpu.memory_space<vmem>> -> memref<128x128xf32, #tpu.memory_space<vmem>>
          tpu.wait_dma2 semaphore(%arg17 : memref<!tpu.dma_semaphore, #tpu.memory_space<semaphore_mem>>) src(%dma_wait3A_1160 : memref<128x128xf32, #tpu.memory_space<vmem>>) dst(%dma_wait3A_1156 : memref<128x128xf32, #tpu.memory_space<hbm>>)
        } else {
        }
        %dma_start3A_1133 = arith.constant 3 : i32
        %dma_start3A_1134 = arith.constant 0 : i32
        %dma_start3A_1135 = arith.constant 0 : i32
        %dma_start3A_1136 = tpu.memref_slice %arg6[%dma_start3A_1133, %dma_start3A_1134, %dma_start3A_1135] : memref<4x128x128xf32, #tpu.memory_space<vmem>> -> memref<1x128x128xf32, #tpu.memory_space<vmem>>
        %dma_start3A_1137 = tpu.memref_squeeze %dma_start3A_1136 : memref<1x128x128xf32, #tpu.memory_space<vmem>> -> memref<128x128xf32, #tpu.memory_space<vmem>>
        %dma_start3A_1138 = arith.constant 0 : i32
        %dma_start3A_1139 = tpu.memref_slice %arg5[%add3A_908, %dma_start3A_1138] : memref<64x128xi32, #tpu.memory_space<vmem>> -> memref<1x128xi32, #tpu.memory_space<vmem>>
        %dma_start3A_1140 = tpu.memref_squeeze %dma_start3A_1139 : memref<1x128xi32, #tpu.memory_space<vmem>> -> memref<128xi32, #tpu.memory_space<vmem>>
        %dma_start3A_1141 = arith.constant 0 : i32
        %dma_start3A_1142 = arith.constant 0 : i32
        %dma_start3A_1143 = tpu.memref_slice %arg2[%dma_start3A_1141, %dma_start3A_1142] : memref<32768x128xf32, #tpu.memory_space<hbm>> -> memref<32768x128xf32, #tpu.memory_space<hbm>>
        tpu.enqueue_indirect_dma source(%dma_start3A_1143 : memref<32768x128xf32, #tpu.memory_space<hbm>>) target(%dma_start3A_1137 : memref<128x128xf32, #tpu.memory_space<vmem>>) offsets(%dma_start3A_1140 : memref<128xi32, #tpu.memory_space<vmem>>) semaphore(%arg13 : memref<!tpu.dma_semaphore, #tpu.memory_space<semaphore_mem>>)
      } else {
      }
      %dma_wait3A_914 = arith.constant 1 : i32
      %dma_wait3A_915 = arith.constant 0 : i32
      %dma_wait3A_916 = arith.constant 0 : i32
      %dma_wait3A_917 = tpu.memref_slice %arg6[%dma_wait3A_914, %dma_wait3A_915, %dma_wait3A_916] : memref<4x128x128xf32, #tpu.memory_space<vmem>> -> memref<1x128x128xf32, #tpu.memory_space<vmem>>
      %dma_wait3A_918 = tpu.memref_squeeze %dma_wait3A_917 : memref<1x128x128xf32, #tpu.memory_space<vmem>> -> memref<128x128xf32, #tpu.memory_space<vmem>>
      %dma_wait3A_919 = arith.constant 0 : i32
      %dma_wait3A_920 = tpu.memref_slice %arg5[%add3A_906, %dma_wait3A_919] : memref<64x128xi32, #tpu.memory_space<vmem>> -> memref<1x128xi32, #tpu.memory_space<vmem>>
      %dma_wait3A_921 = tpu.memref_squeeze %dma_wait3A_920 : memref<1x128xi32, #tpu.memory_space<vmem>> -> memref<128xi32, #tpu.memory_space<vmem>>
      %dma_wait3A_922 = arith.constant 0 : i32
      %dma_wait3A_923 = arith.constant 0 : i32
      %dma_wait3A_924 = tpu.memref_slice %arg2[%dma_wait3A_922, %dma_wait3A_923] : memref<32768x128xf32, #tpu.memory_space<hbm>> -> memref<32768x128xf32, #tpu.memory_space<hbm>>
      tpu.wait_indirect_dma semaphore(%arg11 : memref<!tpu.dma_semaphore, #tpu.memory_space<semaphore_mem>>) src(%dma_wait3A_924 : memref<32768x128xf32, #tpu.memory_space<hbm>>) dst(%dma_wait3A_918 : memref<128x128xf32, #tpu.memory_space<vmem>>)
      %mul3A_925 = arith.constant 128 : i32
      %mul3A_926 = arith.muli %add3A_906, %mul3A_925 : i32
      %add3A_927 = arith.addi %mul3A_4, %mul3A_926 : i32
      %dma_start3A_928 = arith.constant 1 : i32
      %dma_start3A_929 = arith.constant 0 : i32
      %dma_start3A_930 = arith.constant 0 : i32
      %dma_start3A_931 = tpu.memref_slice %arg6[%dma_start3A_928, %dma_start3A_929, %dma_start3A_930] : memref<4x128x128xf32, #tpu.memory_space<vmem>> -> memref<1x128x128xf32, #tpu.memory_space<vmem>>
      %dma_start3A_932 = tpu.memref_squeeze %dma_start3A_931 : memref<1x128x128xf32, #tpu.memory_space<vmem>> -> memref<128x128xf32, #tpu.memory_space<vmem>>
      %dma_start3A_933 = arith.constant 0 : i32
      %dma_start3A_934 = tpu.memref_slice %arg4[%add3A_927, %dma_start3A_933] : memref<262144x128xf32, #tpu.memory_space<hbm>> -> memref<128x128xf32, #tpu.memory_space<hbm>>
      %dma_start3A_935 = arith.constant 0 : i32
      %dma_start3A_936 = tpu.memref_slice %arg4[%add3A_927, %dma_start3A_935] : memref<262144x128xf32, #tpu.memory_space<hbm>> -> memref<128x128xf32, #tpu.memory_space<hbm>>
      %dma_start3A_937 = arith.constant 0 : i32
      %dma_start3A_938 = arith.constant 0 : i32
      %dma_start3A_939 = tpu.memref_slice %arg6[%dma_start3A_928, %dma_start3A_937, %dma_start3A_938] : memref<4x128x128xf32, #tpu.memory_space<vmem>> -> memref<1x128x128xf32, #tpu.memory_space<vmem>>
      %dma_start3A_940 = tpu.memref_squeeze %dma_start3A_939 : memref<1x128x128xf32, #tpu.memory_space<vmem>> -> memref<128x128xf32, #tpu.memory_space<vmem>>
      tpu.enqueue_dma source(%dma_start3A_940 : memref<128x128xf32, #tpu.memory_space<vmem>>) target(%dma_start3A_936 : memref<128x128xf32, #tpu.memory_space<hbm>>) target_semaphore(%arg15 : memref<!tpu.dma_semaphore, #tpu.memory_space<semaphore_mem>>)
      %mul3A_941 = arith.constant 4 : i32
      %mul3A_942 = arith.muli %scan3A_867, %mul3A_941 : i32
      %add3A_943 = arith.constant 2 : i32
      %add3A_944 = arith.addi %mul3A_942, %add3A_943 : i32
      %add3A_945 = arith.constant 2 : i32
      %add3A_946 = arith.addi %add3A_944, %add3A_945 : i32
      %lt3A_947 = arith.constant 64 : i32
      %lt3A_948 = arith.cmpi slt, %add3A_946, %lt3A_947 : i32
      %convert_element_type3A_949 = arith.extui %lt3A_948 : i1 to i32
      %cond3A_950 = arith.constant 0 : i32
      %cond3A_951 = arith.cmpi ne, %convert_element_type3A_949, %cond3A_950 : i32
      scf.if %cond3A_951 {
        %broadcast_in_dim3A_1017 = arith.constant 0 : i32
        %broadcast_in_dim3A_1018 = vector.broadcast %broadcast_in_dim3A_1017 : i32 to vector<16xi32>
        %get3A_1019 = arith.index_cast %add3A_946 : i32 to index
        %get3A_1020 = arith.constant 0 : index
        %get3A_1021 = tpu.vector_load %arg5[%get3A_1019, %get3A_1020] {strides = array<i32>} : memref<64x128xi32, #tpu.memory_space<vmem>>, vector<16xi32>,
        %eq3A_1022 = arith.constant 0 : i32
        %eq3A_1023 = vector.broadcast %eq3A_1022 : i32 to vector<16xi32>
        %eq3A_1024 = arith.cmpi eq, %get3A_1021, %eq3A_1023 : vector<16xi32>
        %select_n3A_1025 = arith.select %eq3A_1024, %broadcast_in_dim3A_5, %broadcast_in_dim3A_7 : vector<16xi1>, vector<16xi32>
        %or3A_1026 = arith.ori %broadcast_in_dim3A_1018, %select_n3A_1025 : vector<16xi32>
        %add3A_1027 = vector.broadcast %mul3A_2 : i32 to vector<16xi32>
        %add3A_1028 = arith.addi %get3A_1021, %add3A_1027 : vector<16xi32>
        %swap3A_1029 = arith.index_cast %add3A_946 : i32 to index
        %swap3A_1030 = arith.constant 0 : index
        %swap3A_1031 = tpu.vector_load %arg5[%swap3A_1029, %swap3A_1030] {strides = array<i32>} : memref<64x128xi32, #tpu.memory_space<vmem>>, vector<16xi32>,
        tpu.vector_store %arg5[%swap3A_1029, %swap3A_1030], %add3A_1028 {strides = array<i32>} : memref<64x128xi32, #tpu.memory_space<vmem>>, vector<16xi32>,
        %get3A_1032 = arith.index_cast %add3A_946 : i32 to index
        %get3A_1033 = arith.constant 16 : index
        %get3A_1034 = tpu.vector_load %arg5[%get3A_1032, %get3A_1033] {strides = array<i32>} : memref<64x128xi32, #tpu.memory_space<vmem>>, vector<16xi32>,
        %eq3A_1035 = arith.constant 0 : i32
        %eq3A_1036 = vector.broadcast %eq3A_1035 : i32 to vector<16xi32>
        %eq3A_1037 = arith.cmpi eq, %get3A_1034, %eq3A_1036 : vector<16xi32>
        %select_n3A_1038 = arith.select %eq3A_1037, %broadcast_in_dim3A_5, %broadcast_in_dim3A_7 : vector<16xi1>, vector<16xi32>
        %or3A_1039 = arith.ori %or3A_1026, %select_n3A_1038 : vector<16xi32>
        %add3A_1040 = vector.broadcast %mul3A_2 : i32 to vector<16xi32>
        %add3A_1041 = arith.addi %get3A_1034, %add3A_1040 : vector<16xi32>
        %swap3A_1042 = arith.index_cast %add3A_946 : i32 to index
        %swap3A_1043 = arith.constant 16 : index
        %swap3A_1044 = tpu.vector_load %arg5[%swap3A_1042, %swap3A_1043] {strides = array<i32>} : memref<64x128xi32, #tpu.memory_space<vmem>>, vector<16xi32>,
        tpu.vector_store %arg5[%swap3A_1042, %swap3A_1043], %add3A_1041 {strides = array<i32>} : memref<64x128xi32, #tpu.memory_space<vmem>>, vector<16xi32>,
        %get3A_1045 = arith.index_cast %add3A_946 : i32 to index
        %get3A_1046 = arith.constant 32 : index
        %get3A_1047 = tpu.vector_load %arg5[%get3A_1045, %get3A_1046] {strides = array<i32>} : memref<64x128xi32, #tpu.memory_space<vmem>>, vector<16xi32>,
        %eq3A_1048 = arith.constant 0 : i32
        %eq3A_1049 = vector.broadcast %eq3A_1048 : i32 to vector<16xi32>
        %eq3A_1050 = arith.cmpi eq, %get3A_1047, %eq3A_1049 : vector<16xi32>
        %select_n3A_1051 = arith.select %eq3A_1050, %broadcast_in_dim3A_5, %broadcast_in_dim3A_7 : vector<16xi1>, vector<16xi32>
        %or3A_1052 = arith.ori %or3A_1039, %select_n3A_1051 : vector<16xi32>
        %add3A_1053 = vector.broadcast %mul3A_2 : i32 to vector<16xi32>
        %add3A_1054 = arith.addi %get3A_1047, %add3A_1053 : vector<16xi32>
        %swap3A_1055 = arith.index_cast %add3A_946 : i32 to index
        %swap3A_1056 = arith.constant 32 : index
        %swap3A_1057 = tpu.vector_load %arg5[%swap3A_1055, %swap3A_1056] {strides = array<i32>} : memref<64x128xi32, #tpu.memory_space<vmem>>, vector<16xi32>,
        tpu.vector_store %arg5[%swap3A_1055, %swap3A_1056], %add3A_1054 {strides = array<i32>} : memref<64x128xi32, #tpu.memory_space<vmem>>, vector<16xi32>,
        %get3A_1058 = arith.index_cast %add3A_946 : i32 to index
        %get3A_1059 = arith.constant 48 : index
        %get3A_1060 = tpu.vector_load %arg5[%get3A_1058, %get3A_1059] {strides = array<i32>} : memref<64x128xi32, #tpu.memory_space<vmem>>, vector<16xi32>,
        %eq3A_1061 = arith.constant 0 : i32
        %eq3A_1062 = vector.broadcast %eq3A_1061 : i32 to vector<16xi32>
        %eq3A_1063 = arith.cmpi eq, %get3A_1060, %eq3A_1062 : vector<16xi32>
        %select_n3A_1064 = arith.select %eq3A_1063, %broadcast_in_dim3A_5, %broadcast_in_dim3A_7 : vector<16xi1>, vector<16xi32>
        %or3A_1065 = arith.ori %or3A_1052, %select_n3A_1064 : vector<16xi32>
        %add3A_1066 = vector.broadcast %mul3A_2 : i32 to vector<16xi32>
        %add3A_1067 = arith.addi %get3A_1060, %add3A_1066 : vector<16xi32>
        %swap3A_1068 = arith.index_cast %add3A_946 : i32 to index
        %swap3A_1069 = arith.constant 48 : index
        %swap3A_1070 = tpu.vector_load %arg5[%swap3A_1068, %swap3A_1069] {strides = array<i32>} : memref<64x128xi32, #tpu.memory_space<vmem>>, vector<16xi32>,
        tpu.vector_store %arg5[%swap3A_1068, %swap3A_1069], %add3A_1067 {strides = array<i32>} : memref<64x128xi32, #tpu.memory_space<vmem>>, vector<16xi32>,
        %get3A_1071 = arith.index_cast %add3A_946 : i32 to index
        %get3A_1072 = arith.constant 64 : index
        %get3A_1073 = tpu.vector_load %arg5[%get3A_1071, %get3A_1072] {strides = array<i32>} : memref<64x128xi32, #tpu.memory_space<vmem>>, vector<16xi32>,
        %eq3A_1074 = arith.constant 0 : i32
        %eq3A_1075 = vector.broadcast %eq3A_1074 : i32 to vector<16xi32>
        %eq3A_1076 = arith.cmpi eq, %get3A_1073, %eq3A_1075 : vector<16xi32>
        %select_n3A_1077 = arith.select %eq3A_1076, %broadcast_in_dim3A_5, %broadcast_in_dim3A_7 : vector<16xi1>, vector<16xi32>
        %or3A_1078 = arith.ori %or3A_1065, %select_n3A_1077 : vector<16xi32>
        %add3A_1079 = vector.broadcast %mul3A_2 : i32 to vector<16xi32>
        %add3A_1080 = arith.addi %get3A_1073, %add3A_1079 : vector<16xi32>
        %swap3A_1081 = arith.index_cast %add3A_946 : i32 to index
        %swap3A_1082 = arith.constant 64 : index
        %swap3A_1083 = tpu.vector_load %arg5[%swap3A_1081, %swap3A_1082] {strides = array<i32>} : memref<64x128xi32, #tpu.memory_space<vmem>>, vector<16xi32>,
        tpu.vector_store %arg5[%swap3A_1081, %swap3A_1082], %add3A_1080 {strides = array<i32>} : memref<64x128xi32, #tpu.memory_space<vmem>>, vector<16xi32>,
        %get3A_1084 = arith.index_cast %add3A_946 : i32 to index
        %get3A_1085 = arith.constant 80 : index
        %get3A_1086 = tpu.vector_load %arg5[%get3A_1084, %get3A_1085] {strides = array<i32>} : memref<64x128xi32, #tpu.memory_space<vmem>>, vector<16xi32>,
        %eq3A_1087 = arith.constant 0 : i32
        %eq3A_1088 = vector.broadcast %eq3A_1087 : i32 to vector<16xi32>
        %eq3A_1089 = arith.cmpi eq, %get3A_1086, %eq3A_1088 : vector<16xi32>
        %select_n3A_1090 = arith.select %eq3A_1089, %broadcast_in_dim3A_5, %broadcast_in_dim3A_7 : vector<16xi1>, vector<16xi32>
        %or3A_1091 = arith.ori %or3A_1078, %select_n3A_1090 : vector<16xi32>
        %add3A_1092 = vector.broadcast %mul3A_2 : i32 to vector<16xi32>
        %add3A_1093 = arith.addi %get3A_1086, %add3A_1092 : vector<16xi32>
        %swap3A_1094 = arith.index_cast %add3A_946 : i32 to index
        %swap3A_1095 = arith.constant 80 : index
        %swap3A_1096 = tpu.vector_load %arg5[%swap3A_1094, %swap3A_1095] {strides = array<i32>} : memref<64x128xi32, #tpu.memory_space<vmem>>, vector<16xi32>,
        tpu.vector_store %arg5[%swap3A_1094, %swap3A_1095], %add3A_1093 {strides = array<i32>} : memref<64x128xi32, #tpu.memory_space<vmem>>, vector<16xi32>,
        %get3A_1097 = arith.index_cast %add3A_946 : i32 to index
        %get3A_1098 = arith.constant 96 : index
        %get3A_1099 = tpu.vector_load %arg5[%get3A_1097, %get3A_1098] {strides = array<i32>} : memref<64x128xi32, #tpu.memory_space<vmem>>, vector<16xi32>,
        %eq3A_1100 = arith.constant 0 : i32
        %eq3A_1101 = vector.broadcast %eq3A_1100 : i32 to vector<16xi32>
        %eq3A_1102 = arith.cmpi eq, %get3A_1099, %eq3A_1101 : vector<16xi32>
        %select_n3A_1103 = arith.select %eq3A_1102, %broadcast_in_dim3A_5, %broadcast_in_dim3A_7 : vector<16xi1>, vector<16xi32>
        %or3A_1104 = arith.ori %or3A_1091, %select_n3A_1103 : vector<16xi32>
        %add3A_1105 = vector.broadcast %mul3A_2 : i32 to vector<16xi32>
        %add3A_1106 = arith.addi %get3A_1099, %add3A_1105 : vector<16xi32>
        %swap3A_1107 = arith.index_cast %add3A_946 : i32 to index
        %swap3A_1108 = arith.constant 96 : index
        %swap3A_1109 = tpu.vector_load %arg5[%swap3A_1107, %swap3A_1108] {strides = array<i32>} : memref<64x128xi32, #tpu.memory_space<vmem>>, vector<16xi32>,
        tpu.vector_store %arg5[%swap3A_1107, %swap3A_1108], %add3A_1106 {strides = array<i32>} : memref<64x128xi32, #tpu.memory_space<vmem>>, vector<16xi32>,
        %get3A_1110 = arith.index_cast %add3A_946 : i32 to index
        %get3A_1111 = arith.constant 112 : index
        %get3A_1112 = tpu.vector_load %arg5[%get3A_1110, %get3A_1111] {strides = array<i32>} : memref<64x128xi32, #tpu.memory_space<vmem>>, vector<16xi32>,
        %eq3A_1113 = arith.constant 0 : i32
        %eq3A_1114 = vector.broadcast %eq3A_1113 : i32 to vector<16xi32>
        %eq3A_1115 = arith.cmpi eq, %get3A_1112, %eq3A_1114 : vector<16xi32>
        %select_n3A_1116 = arith.select %eq3A_1115, %broadcast_in_dim3A_5, %broadcast_in_dim3A_7 : vector<16xi1>, vector<16xi32>
        %or3A_1117 = arith.ori %or3A_1104, %select_n3A_1116 : vector<16xi32>
        %add3A_1118 = vector.broadcast %mul3A_2 : i32 to vector<16xi32>
        %add3A_1119 = arith.addi %get3A_1112, %add3A_1118 : vector<16xi32>
        %swap3A_1120 = arith.index_cast %add3A_946 : i32 to index
        %swap3A_1121 = arith.constant 112 : index
        %swap3A_1122 = tpu.vector_load %arg5[%swap3A_1120, %swap3A_1121] {strides = array<i32>} : memref<64x128xi32, #tpu.memory_space<vmem>>, vector<16xi32>,
        tpu.vector_store %arg5[%swap3A_1120, %swap3A_1121], %add3A_1119 {strides = array<i32>} : memref<64x128xi32, #tpu.memory_space<vmem>>, vector<16xi32>,
        %reduce_sum3A_1123 = arith.constant true
        %reduce_sum3A_1124 = vector.broadcast %reduce_sum3A_1123 : i1 to vector<16xi1>
        %reduce_sum3A_1125 = tpu.scan <sum>, %or3A_1117 masked %reduce_sum3A_1124 : vector<16xi32>, vector<16xi1> -> vector<16xi32>
        %reduce_sum3A_1126 = vector.extract %reduce_sum3A_1125[15] : i32 from vector<16xi32>
        %swap3A_1127 = arith.index_cast %add3A_946 : i32 to index
        %swap3A_1128 = memref.load %arg9[%swap3A_1127] : memref<64xi32, #tpu.memory_space<smem>>
        memref.store %reduce_sum3A_1126, %arg9[%swap3A_1127] : memref<64xi32, #tpu.memory_space<smem>>
        %ge3A = arith.constant 4 : i32
        %ge3A_1129 = arith.cmpi sge, %add3A_946, %ge3A : i32
        %convert_element_type3A_1130 = arith.extui %ge3A_1129 : i1 to i32
        %cond3A_1131 = arith.constant 0 : i32
        %cond3A_1132 = arith.cmpi ne, %convert_element_type3A_1130, %cond3A_1131 : i32
        scf.if %cond3A_1132 {
          %sub3A = arith.constant 4 : i32
          %sub3A_1144 = arith.subi %add3A_946, %sub3A : i32
          %mul3A_1145 = arith.constant 128 : i32
          %mul3A_1146 = arith.muli %sub3A_1144, %mul3A_1145 : i32
          %add3A_1147 = arith.addi %mul3A_4, %mul3A_1146 : i32
          %dma_wait3A_1148 = arith.constant 0 : i32
          %dma_wait3A_1149 = arith.constant 0 : i32
          %dma_wait3A_1150 = arith.constant 0 : i32
          %dma_wait3A_1151 = tpu.memref_slice %arg6[%dma_wait3A_1148, %dma_wait3A_1149, %dma_wait3A_1150] : memref<4x128x128xf32, #tpu.memory_space<vmem>> -> memref<1x128x128xf32, #tpu.memory_space<vmem>>
          %dma_wait3A_1152 = tpu.memref_squeeze %dma_wait3A_1151 : memref<1x128x128xf32, #tpu.memory_space<vmem>> -> memref<128x128xf32, #tpu.memory_space<vmem>>
          %dma_wait3A_1153 = arith.constant 0 : i32
          %dma_wait3A_1154 = tpu.memref_slice %arg4[%add3A_1147, %dma_wait3A_1153] : memref<262144x128xf32, #tpu.memory_space<hbm>> -> memref<128x128xf32, #tpu.memory_space<hbm>>
          %dma_wait3A_1155 = arith.constant 0 : i32
          %dma_wait3A_1156 = tpu.memref_slice %arg4[%add3A_1147, %dma_wait3A_1155] : memref<262144x128xf32, #tpu.memory_space<hbm>> -> memref<128x128xf32, #tpu.memory_space<hbm>>
          %dma_wait3A_1157 = arith.constant 0 : i32
          %dma_wait3A_1158 = arith.constant 0 : i32
          %dma_wait3A_1159 = tpu.memref_slice %arg6[%dma_wait3A_1148, %dma_wait3A_1157, %dma_wait3A_1158] : memref<4x128x128xf32, #tpu.memory_space<vmem>> -> memref<1x128x128xf32, #tpu.memory_space<vmem>>
          %dma_wait3A_1160 = tpu.memref_squeeze %dma_wait3A_1159 : memref<1x128x128xf32, #tpu.memory_space<vmem>> -> memref<128x128xf32, #tpu.memory_space<vmem>>
          tpu.wait_dma2 semaphore(%arg14 : memref<!tpu.dma_semaphore, #tpu.memory_space<semaphore_mem>>) src(%dma_wait3A_1160 : memref<128x128xf32, #tpu.memory_space<vmem>>) dst(%dma_wait3A_1156 : memref<128x128xf32, #tpu.memory_space<hbm>>)
        } else {
        }
        %dma_start3A_1133 = arith.constant 0 : i32
        %dma_start3A_1134 = arith.constant 0 : i32
        %dma_start3A_1135 = arith.constant 0 : i32
        %dma_start3A_1136 = tpu.memref_slice %arg6[%dma_start3A_1133, %dma_start3A_1134, %dma_start3A_1135] : memref<4x128x128xf32, #tpu.memory_space<vmem>> -> memref<1x128x128xf32, #tpu.memory_space<vmem>>
        %dma_start3A_1137 = tpu.memref_squeeze %dma_start3A_1136 : memref<1x128x128xf32, #tpu.memory_space<vmem>> -> memref<128x128xf32, #tpu.memory_space<vmem>>
        %dma_start3A_1138 = arith.constant 0 : i32
        %dma_start3A_1139 = tpu.memref_slice %arg5[%add3A_946, %dma_start3A_1138] : memref<64x128xi32, #tpu.memory_space<vmem>> -> memref<1x128xi32, #tpu.memory_space<vmem>>
        %dma_start3A_1140 = tpu.memref_squeeze %dma_start3A_1139 : memref<1x128xi32, #tpu.memory_space<vmem>> -> memref<128xi32, #tpu.memory_space<vmem>>
        %dma_start3A_1141 = arith.constant 0 : i32
        %dma_start3A_1142 = arith.constant 0 : i32
        %dma_start3A_1143 = tpu.memref_slice %arg2[%dma_start3A_1141, %dma_start3A_1142] : memref<32768x128xf32, #tpu.memory_space<hbm>> -> memref<32768x128xf32, #tpu.memory_space<hbm>>
        tpu.enqueue_indirect_dma source(%dma_start3A_1143 : memref<32768x128xf32, #tpu.memory_space<hbm>>) target(%dma_start3A_1137 : memref<128x128xf32, #tpu.memory_space<vmem>>) offsets(%dma_start3A_1140 : memref<128xi32, #tpu.memory_space<vmem>>) semaphore(%arg10 : memref<!tpu.dma_semaphore, #tpu.memory_space<semaphore_mem>>)
      } else {
      }
      %dma_wait3A_952 = arith.constant 2 : i32
      %dma_wait3A_953 = arith.constant 0 : i32
      %dma_wait3A_954 = arith.constant 0 : i32
      %dma_wait3A_955 = tpu.memref_slice %arg6[%dma_wait3A_952, %dma_wait3A_953, %dma_wait3A_954] : memref<4x128x128xf32, #tpu.memory_space<vmem>> -> memref<1x128x128xf32, #tpu.memory_space<vmem>>
      %dma_wait3A_956 = tpu.memref_squeeze %dma_wait3A_955 : memref<1x128x128xf32, #tpu.memory_space<vmem>> -> memref<128x128xf32, #tpu.memory_space<vmem>>
      %dma_wait3A_957 = arith.constant 0 : i32
      %dma_wait3A_958 = tpu.memref_slice %arg5[%add3A_944, %dma_wait3A_957] : memref<64x128xi32, #tpu.memory_space<vmem>> -> memref<1x128xi32, #tpu.memory_space<vmem>>
      %dma_wait3A_959 = tpu.memref_squeeze %dma_wait3A_958 : memref<1x128xi32, #tpu.memory_space<vmem>> -> memref<128xi32, #tpu.memory_space<vmem>>
      %dma_wait3A_960 = arith.constant 0 : i32
      %dma_wait3A_961 = arith.constant 0 : i32
      %dma_wait3A_962 = tpu.memref_slice %arg2[%dma_wait3A_960, %dma_wait3A_961] : memref<32768x128xf32, #tpu.memory_space<hbm>> -> memref<32768x128xf32, #tpu.memory_space<hbm>>
      tpu.wait_indirect_dma semaphore(%arg12 : memref<!tpu.dma_semaphore, #tpu.memory_space<semaphore_mem>>) src(%dma_wait3A_962 : memref<32768x128xf32, #tpu.memory_space<hbm>>) dst(%dma_wait3A_956 : memref<128x128xf32, #tpu.memory_space<vmem>>)
      %mul3A_963 = arith.constant 128 : i32
      %mul3A_964 = arith.muli %add3A_944, %mul3A_963 : i32
      %add3A_965 = arith.addi %mul3A_4, %mul3A_964 : i32
      %dma_start3A_966 = arith.constant 2 : i32
      %dma_start3A_967 = arith.constant 0 : i32
      %dma_start3A_968 = arith.constant 0 : i32
      %dma_start3A_969 = tpu.memref_slice %arg6[%dma_start3A_966, %dma_start3A_967, %dma_start3A_968] : memref<4x128x128xf32, #tpu.memory_space<vmem>> -> memref<1x128x128xf32, #tpu.memory_space<vmem>>
      %dma_start3A_970 = tpu.memref_squeeze %dma_start3A_969 : memref<1x128x128xf32, #tpu.memory_space<vmem>> -> memref<128x128xf32, #tpu.memory_space<vmem>>
      %dma_start3A_971 = arith.constant 0 : i32
      %dma_start3A_972 = tpu.memref_slice %arg4[%add3A_965, %dma_start3A_971] : memref<262144x128xf32, #tpu.memory_space<hbm>> -> memref<128x128xf32, #tpu.memory_space<hbm>>
      %dma_start3A_973 = arith.constant 0 : i32
      %dma_start3A_974 = tpu.memref_slice %arg4[%add3A_965, %dma_start3A_973] : memref<262144x128xf32, #tpu.memory_space<hbm>> -> memref<128x128xf32, #tpu.memory_space<hbm>>
      %dma_start3A_975 = arith.constant 0 : i32
      %dma_start3A_976 = arith.constant 0 : i32
      %dma_start3A_977 = tpu.memref_slice %arg6[%dma_start3A_966, %dma_start3A_975, %dma_start3A_976] : memref<4x128x128xf32, #tpu.memory_space<vmem>> -> memref<1x128x128xf32, #tpu.memory_space<vmem>>
      %dma_start3A_978 = tpu.memref_squeeze %dma_start3A_977 : memref<1x128x128xf32, #tpu.memory_space<vmem>> -> memref<128x128xf32, #tpu.memory_space<vmem>>
      tpu.enqueue_dma source(%dma_start3A_978 : memref<128x128xf32, #tpu.memory_space<vmem>>) target(%dma_start3A_974 : memref<128x128xf32, #tpu.memory_space<hbm>>) target_semaphore(%arg16 : memref<!tpu.dma_semaphore, #tpu.memory_space<semaphore_mem>>)
      %mul3A_979 = arith.constant 4 : i32
      %mul3A_980 = arith.muli %scan3A_867, %mul3A_979 : i32
      %add3A_981 = arith.constant 3 : i32
      %add3A_982 = arith.addi %mul3A_980, %add3A_981 : i32
      %add3A_983 = arith.constant 2 : i32
      %add3A_984 = arith.addi %add3A_982, %add3A_983 : i32
      %lt3A_985 = arith.constant 64 : i32
      %lt3A_986 = arith.cmpi slt, %add3A_984, %lt3A_985 : i32
      %convert_element_type3A_987 = arith.extui %lt3A_986 : i1 to i32
      %cond3A_988 = arith.constant 0 : i32
      %cond3A_989 = arith.cmpi ne, %convert_element_type3A_987, %cond3A_988 : i32
      scf.if %cond3A_989 {
        %broadcast_in_dim3A_1017 = arith.constant 0 : i32
        %broadcast_in_dim3A_1018 = vector.broadcast %broadcast_in_dim3A_1017 : i32 to vector<16xi32>
        %get3A_1019 = arith.index_cast %add3A_984 : i32 to index
        %get3A_1020 = arith.constant 0 : index
        %get3A_1021 = tpu.vector_load %arg5[%get3A_1019, %get3A_1020] {strides = array<i32>} : memref<64x128xi32, #tpu.memory_space<vmem>>, vector<16xi32>,
        %eq3A_1022 = arith.constant 0 : i32
        %eq3A_1023 = vector.broadcast %eq3A_1022 : i32 to vector<16xi32>
        %eq3A_1024 = arith.cmpi eq, %get3A_1021, %eq3A_1023 : vector<16xi32>
        %select_n3A_1025 = arith.select %eq3A_1024, %broadcast_in_dim3A_5, %broadcast_in_dim3A_7 : vector<16xi1>, vector<16xi32>
        %or3A_1026 = arith.ori %broadcast_in_dim3A_1018, %select_n3A_1025 : vector<16xi32>
        %add3A_1027 = vector.broadcast %mul3A_2 : i32 to vector<16xi32>
        %add3A_1028 = arith.addi %get3A_1021, %add3A_1027 : vector<16xi32>
        %swap3A_1029 = arith.index_cast %add3A_984 : i32 to index
        %swap3A_1030 = arith.constant 0 : index
        %swap3A_1031 = tpu.vector_load %arg5[%swap3A_1029, %swap3A_1030] {strides = array<i32>} : memref<64x128xi32, #tpu.memory_space<vmem>>, vector<16xi32>,
        tpu.vector_store %arg5[%swap3A_1029, %swap3A_1030], %add3A_1028 {strides = array<i32>} : memref<64x128xi32, #tpu.memory_space<vmem>>, vector<16xi32>,
        %get3A_1032 = arith.index_cast %add3A_984 : i32 to index
        %get3A_1033 = arith.constant 16 : index
        %get3A_1034 = tpu.vector_load %arg5[%get3A_1032, %get3A_1033] {strides = array<i32>} : memref<64x128xi32, #tpu.memory_space<vmem>>, vector<16xi32>,
        %eq3A_1035 = arith.constant 0 : i32
        %eq3A_1036 = vector.broadcast %eq3A_1035 : i32 to vector<16xi32>
        %eq3A_1037 = arith.cmpi eq, %get3A_1034, %eq3A_1036 : vector<16xi32>
        %select_n3A_1038 = arith.select %eq3A_1037, %broadcast_in_dim3A_5, %broadcast_in_dim3A_7 : vector<16xi1>, vector<16xi32>
        %or3A_1039 = arith.ori %or3A_1026, %select_n3A_1038 : vector<16xi32>
        %add3A_1040 = vector.broadcast %mul3A_2 : i32 to vector<16xi32>
        %add3A_1041 = arith.addi %get3A_1034, %add3A_1040 : vector<16xi32>
        %swap3A_1042 = arith.index_cast %add3A_984 : i32 to index
        %swap3A_1043 = arith.constant 16 : index
        %swap3A_1044 = tpu.vector_load %arg5[%swap3A_1042, %swap3A_1043] {strides = array<i32>} : memref<64x128xi32, #tpu.memory_space<vmem>>, vector<16xi32>,
        tpu.vector_store %arg5[%swap3A_1042, %swap3A_1043], %add3A_1041 {strides = array<i32>} : memref<64x128xi32, #tpu.memory_space<vmem>>, vector<16xi32>,
        %get3A_1045 = arith.index_cast %add3A_984 : i32 to index
        %get3A_1046 = arith.constant 32 : index
        %get3A_1047 = tpu.vector_load %arg5[%get3A_1045, %get3A_1046] {strides = array<i32>} : memref<64x128xi32, #tpu.memory_space<vmem>>, vector<16xi32>,
        %eq3A_1048 = arith.constant 0 : i32
        %eq3A_1049 = vector.broadcast %eq3A_1048 : i32 to vector<16xi32>
        %eq3A_1050 = arith.cmpi eq, %get3A_1047, %eq3A_1049 : vector<16xi32>
        %select_n3A_1051 = arith.select %eq3A_1050, %broadcast_in_dim3A_5, %broadcast_in_dim3A_7 : vector<16xi1>, vector<16xi32>
        %or3A_1052 = arith.ori %or3A_1039, %select_n3A_1051 : vector<16xi32>
        %add3A_1053 = vector.broadcast %mul3A_2 : i32 to vector<16xi32>
        %add3A_1054 = arith.addi %get3A_1047, %add3A_1053 : vector<16xi32>
        %swap3A_1055 = arith.index_cast %add3A_984 : i32 to index
        %swap3A_1056 = arith.constant 32 : index
        %swap3A_1057 = tpu.vector_load %arg5[%swap3A_1055, %swap3A_1056] {strides = array<i32>} : memref<64x128xi32, #tpu.memory_space<vmem>>, vector<16xi32>,
        tpu.vector_store %arg5[%swap3A_1055, %swap3A_1056], %add3A_1054 {strides = array<i32>} : memref<64x128xi32, #tpu.memory_space<vmem>>, vector<16xi32>,
        %get3A_1058 = arith.index_cast %add3A_984 : i32 to index
        %get3A_1059 = arith.constant 48 : index
        %get3A_1060 = tpu.vector_load %arg5[%get3A_1058, %get3A_1059] {strides = array<i32>} : memref<64x128xi32, #tpu.memory_space<vmem>>, vector<16xi32>,
        %eq3A_1061 = arith.constant 0 : i32
        %eq3A_1062 = vector.broadcast %eq3A_1061 : i32 to vector<16xi32>
        %eq3A_1063 = arith.cmpi eq, %get3A_1060, %eq3A_1062 : vector<16xi32>
        %select_n3A_1064 = arith.select %eq3A_1063, %broadcast_in_dim3A_5, %broadcast_in_dim3A_7 : vector<16xi1>, vector<16xi32>
        %or3A_1065 = arith.ori %or3A_1052, %select_n3A_1064 : vector<16xi32>
        %add3A_1066 = vector.broadcast %mul3A_2 : i32 to vector<16xi32>
        %add3A_1067 = arith.addi %get3A_1060, %add3A_1066 : vector<16xi32>
        %swap3A_1068 = arith.index_cast %add3A_984 : i32 to index
        %swap3A_1069 = arith.constant 48 : index
        %swap3A_1070 = tpu.vector_load %arg5[%swap3A_1068, %swap3A_1069] {strides = array<i32>} : memref<64x128xi32, #tpu.memory_space<vmem>>, vector<16xi32>,
        tpu.vector_store %arg5[%swap3A_1068, %swap3A_1069], %add3A_1067 {strides = array<i32>} : memref<64x128xi32, #tpu.memory_space<vmem>>, vector<16xi32>,
        %get3A_1071 = arith.index_cast %add3A_984 : i32 to index
        %get3A_1072 = arith.constant 64 : index
        %get3A_1073 = tpu.vector_load %arg5[%get3A_1071, %get3A_1072] {strides = array<i32>} : memref<64x128xi32, #tpu.memory_space<vmem>>, vector<16xi32>,
        %eq3A_1074 = arith.constant 0 : i32
        %eq3A_1075 = vector.broadcast %eq3A_1074 : i32 to vector<16xi32>
        %eq3A_1076 = arith.cmpi eq, %get3A_1073, %eq3A_1075 : vector<16xi32>
        %select_n3A_1077 = arith.select %eq3A_1076, %broadcast_in_dim3A_5, %broadcast_in_dim3A_7 : vector<16xi1>, vector<16xi32>
        %or3A_1078 = arith.ori %or3A_1065, %select_n3A_1077 : vector<16xi32>
        %add3A_1079 = vector.broadcast %mul3A_2 : i32 to vector<16xi32>
        %add3A_1080 = arith.addi %get3A_1073, %add3A_1079 : vector<16xi32>
        %swap3A_1081 = arith.index_cast %add3A_984 : i32 to index
        %swap3A_1082 = arith.constant 64 : index
        %swap3A_1083 = tpu.vector_load %arg5[%swap3A_1081, %swap3A_1082] {strides = array<i32>} : memref<64x128xi32, #tpu.memory_space<vmem>>, vector<16xi32>,
        tpu.vector_store %arg5[%swap3A_1081, %swap3A_1082], %add3A_1080 {strides = array<i32>} : memref<64x128xi32, #tpu.memory_space<vmem>>, vector<16xi32>,
        %get3A_1084 = arith.index_cast %add3A_984 : i32 to index
        %get3A_1085 = arith.constant 80 : index
        %get3A_1086 = tpu.vector_load %arg5[%get3A_1084, %get3A_1085] {strides = array<i32>} : memref<64x128xi32, #tpu.memory_space<vmem>>, vector<16xi32>,
        %eq3A_1087 = arith.constant 0 : i32
        %eq3A_1088 = vector.broadcast %eq3A_1087 : i32 to vector<16xi32>
        %eq3A_1089 = arith.cmpi eq, %get3A_1086, %eq3A_1088 : vector<16xi32>
        %select_n3A_1090 = arith.select %eq3A_1089, %broadcast_in_dim3A_5, %broadcast_in_dim3A_7 : vector<16xi1>, vector<16xi32>
        %or3A_1091 = arith.ori %or3A_1078, %select_n3A_1090 : vector<16xi32>
        %add3A_1092 = vector.broadcast %mul3A_2 : i32 to vector<16xi32>
        %add3A_1093 = arith.addi %get3A_1086, %add3A_1092 : vector<16xi32>
        %swap3A_1094 = arith.index_cast %add3A_984 : i32 to index
        %swap3A_1095 = arith.constant 80 : index
        %swap3A_1096 = tpu.vector_load %arg5[%swap3A_1094, %swap3A_1095] {strides = array<i32>} : memref<64x128xi32, #tpu.memory_space<vmem>>, vector<16xi32>,
        tpu.vector_store %arg5[%swap3A_1094, %swap3A_1095], %add3A_1093 {strides = array<i32>} : memref<64x128xi32, #tpu.memory_space<vmem>>, vector<16xi32>,
        %get3A_1097 = arith.index_cast %add3A_984 : i32 to index
        %get3A_1098 = arith.constant 96 : index
        %get3A_1099 = tpu.vector_load %arg5[%get3A_1097, %get3A_1098] {strides = array<i32>} : memref<64x128xi32, #tpu.memory_space<vmem>>, vector<16xi32>,
        %eq3A_1100 = arith.constant 0 : i32
        %eq3A_1101 = vector.broadcast %eq3A_1100 : i32 to vector<16xi32>
        %eq3A_1102 = arith.cmpi eq, %get3A_1099, %eq3A_1101 : vector<16xi32>
        %select_n3A_1103 = arith.select %eq3A_1102, %broadcast_in_dim3A_5, %broadcast_in_dim3A_7 : vector<16xi1>, vector<16xi32>
        %or3A_1104 = arith.ori %or3A_1091, %select_n3A_1103 : vector<16xi32>
        %add3A_1105 = vector.broadcast %mul3A_2 : i32 to vector<16xi32>
        %add3A_1106 = arith.addi %get3A_1099, %add3A_1105 : vector<16xi32>
        %swap3A_1107 = arith.index_cast %add3A_984 : i32 to index
        %swap3A_1108 = arith.constant 96 : index
        %swap3A_1109 = tpu.vector_load %arg5[%swap3A_1107, %swap3A_1108] {strides = array<i32>} : memref<64x128xi32, #tpu.memory_space<vmem>>, vector<16xi32>,
        tpu.vector_store %arg5[%swap3A_1107, %swap3A_1108], %add3A_1106 {strides = array<i32>} : memref<64x128xi32, #tpu.memory_space<vmem>>, vector<16xi32>,
        %get3A_1110 = arith.index_cast %add3A_984 : i32 to index
        %get3A_1111 = arith.constant 112 : index
        %get3A_1112 = tpu.vector_load %arg5[%get3A_1110, %get3A_1111] {strides = array<i32>} : memref<64x128xi32, #tpu.memory_space<vmem>>, vector<16xi32>,
        %eq3A_1113 = arith.constant 0 : i32
        %eq3A_1114 = vector.broadcast %eq3A_1113 : i32 to vector<16xi32>
        %eq3A_1115 = arith.cmpi eq, %get3A_1112, %eq3A_1114 : vector<16xi32>
        %select_n3A_1116 = arith.select %eq3A_1115, %broadcast_in_dim3A_5, %broadcast_in_dim3A_7 : vector<16xi1>, vector<16xi32>
        %or3A_1117 = arith.ori %or3A_1104, %select_n3A_1116 : vector<16xi32>
        %add3A_1118 = vector.broadcast %mul3A_2 : i32 to vector<16xi32>
        %add3A_1119 = arith.addi %get3A_1112, %add3A_1118 : vector<16xi32>
        %swap3A_1120 = arith.index_cast %add3A_984 : i32 to index
        %swap3A_1121 = arith.constant 112 : index
        %swap3A_1122 = tpu.vector_load %arg5[%swap3A_1120, %swap3A_1121] {strides = array<i32>} : memref<64x128xi32, #tpu.memory_space<vmem>>, vector<16xi32>,
        tpu.vector_store %arg5[%swap3A_1120, %swap3A_1121], %add3A_1119 {strides = array<i32>} : memref<64x128xi32, #tpu.memory_space<vmem>>, vector<16xi32>,
        %reduce_sum3A_1123 = arith.constant true
        %reduce_sum3A_1124 = vector.broadcast %reduce_sum3A_1123 : i1 to vector<16xi1>
        %reduce_sum3A_1125 = tpu.scan <sum>, %or3A_1117 masked %reduce_sum3A_1124 : vector<16xi32>, vector<16xi1> -> vector<16xi32>
        %reduce_sum3A_1126 = vector.extract %reduce_sum3A_1125[15] : i32 from vector<16xi32>
        %swap3A_1127 = arith.index_cast %add3A_984 : i32 to index
        %swap3A_1128 = memref.load %arg9[%swap3A_1127] : memref<64xi32, #tpu.memory_space<smem>>
        memref.store %reduce_sum3A_1126, %arg9[%swap3A_1127] : memref<64xi32, #tpu.memory_space<smem>>
        %ge3A = arith.constant 4 : i32
        %ge3A_1129 = arith.cmpi sge, %add3A_984, %ge3A : i32
        %convert_element_type3A_1130 = arith.extui %ge3A_1129 : i1 to i32
        %cond3A_1131 = arith.constant 0 : i32
        %cond3A_1132 = arith.cmpi ne, %convert_element_type3A_1130, %cond3A_1131 : i32
        scf.if %cond3A_1132 {
          %sub3A = arith.constant 4 : i32
          %sub3A_1144 = arith.subi %add3A_984, %sub3A : i32
          %mul3A_1145 = arith.constant 128 : i32
          %mul3A_1146 = arith.muli %sub3A_1144, %mul3A_1145 : i32
          %add3A_1147 = arith.addi %mul3A_4, %mul3A_1146 : i32
          %dma_wait3A_1148 = arith.constant 1 : i32
          %dma_wait3A_1149 = arith.constant 0 : i32
          %dma_wait3A_1150 = arith.constant 0 : i32
          %dma_wait3A_1151 = tpu.memref_slice %arg6[%dma_wait3A_1148, %dma_wait3A_1149, %dma_wait3A_1150] : memref<4x128x128xf32, #tpu.memory_space<vmem>> -> memref<1x128x128xf32, #tpu.memory_space<vmem>>
          %dma_wait3A_1152 = tpu.memref_squeeze %dma_wait3A_1151 : memref<1x128x128xf32, #tpu.memory_space<vmem>> -> memref<128x128xf32, #tpu.memory_space<vmem>>
          %dma_wait3A_1153 = arith.constant 0 : i32
          %dma_wait3A_1154 = tpu.memref_slice %arg4[%add3A_1147, %dma_wait3A_1153] : memref<262144x128xf32, #tpu.memory_space<hbm>> -> memref<128x128xf32, #tpu.memory_space<hbm>>
          %dma_wait3A_1155 = arith.constant 0 : i32
          %dma_wait3A_1156 = tpu.memref_slice %arg4[%add3A_1147, %dma_wait3A_1155] : memref<262144x128xf32, #tpu.memory_space<hbm>> -> memref<128x128xf32, #tpu.memory_space<hbm>>
          %dma_wait3A_1157 = arith.constant 0 : i32
          %dma_wait3A_1158 = arith.constant 0 : i32
          %dma_wait3A_1159 = tpu.memref_slice %arg6[%dma_wait3A_1148, %dma_wait3A_1157, %dma_wait3A_1158] : memref<4x128x128xf32, #tpu.memory_space<vmem>> -> memref<1x128x128xf32, #tpu.memory_space<vmem>>
          %dma_wait3A_1160 = tpu.memref_squeeze %dma_wait3A_1159 : memref<1x128x128xf32, #tpu.memory_space<vmem>> -> memref<128x128xf32, #tpu.memory_space<vmem>>
          tpu.wait_dma2 semaphore(%arg15 : memref<!tpu.dma_semaphore, #tpu.memory_space<semaphore_mem>>) src(%dma_wait3A_1160 : memref<128x128xf32, #tpu.memory_space<vmem>>) dst(%dma_wait3A_1156 : memref<128x128xf32, #tpu.memory_space<hbm>>)
        } else {
        }
        %dma_start3A_1133 = arith.constant 1 : i32
        %dma_start3A_1134 = arith.constant 0 : i32
        %dma_start3A_1135 = arith.constant 0 : i32
        %dma_start3A_1136 = tpu.memref_slice %arg6[%dma_start3A_1133, %dma_start3A_1134, %dma_start3A_1135] : memref<4x128x128xf32, #tpu.memory_space<vmem>> -> memref<1x128x128xf32, #tpu.memory_space<vmem>>
        %dma_start3A_1137 = tpu.memref_squeeze %dma_start3A_1136 : memref<1x128x128xf32, #tpu.memory_space<vmem>> -> memref<128x128xf32, #tpu.memory_space<vmem>>
        %dma_start3A_1138 = arith.constant 0 : i32
        %dma_start3A_1139 = tpu.memref_slice %arg5[%add3A_984, %dma_start3A_1138] : memref<64x128xi32, #tpu.memory_space<vmem>> -> memref<1x128xi32, #tpu.memory_space<vmem>>
        %dma_start3A_1140 = tpu.memref_squeeze %dma_start3A_1139 : memref<1x128xi32, #tpu.memory_space<vmem>> -> memref<128xi32, #tpu.memory_space<vmem>>
        %dma_start3A_1141 = arith.constant 0 : i32
        %dma_start3A_1142 = arith.constant 0 : i32
        %dma_start3A_1143 = tpu.memref_slice %arg2[%dma_start3A_1141, %dma_start3A_1142] : memref<32768x128xf32, #tpu.memory_space<hbm>> -> memref<32768x128xf32, #tpu.memory_space<hbm>>
        tpu.enqueue_indirect_dma source(%dma_start3A_1143 : memref<32768x128xf32, #tpu.memory_space<hbm>>) target(%dma_start3A_1137 : memref<128x128xf32, #tpu.memory_space<vmem>>) offsets(%dma_start3A_1140 : memref<128xi32, #tpu.memory_space<vmem>>) semaphore(%arg11 : memref<!tpu.dma_semaphore, #tpu.memory_space<semaphore_mem>>)
      } else {
      }
      %dma_wait3A_990 = arith.constant 3 : i32
      %dma_wait3A_991 = arith.constant 0 : i32
      %dma_wait3A_992 = arith.constant 0 : i32
      %dma_wait3A_993 = tpu.memref_slice %arg6[%dma_wait3A_990, %dma_wait3A_991, %dma_wait3A_992] : memref<4x128x128xf32, #tpu.memory_space<vmem>> -> memref<1x128x128xf32, #tpu.memory_space<vmem>>
      %dma_wait3A_994 = tpu.memref_squeeze %dma_wait3A_993 : memref<1x128x128xf32, #tpu.memory_space<vmem>> -> memref<128x128xf32, #tpu.memory_space<vmem>>
      %dma_wait3A_995 = arith.constant 0 : i32
      %dma_wait3A_996 = tpu.memref_slice %arg5[%add3A_982, %dma_wait3A_995] : memref<64x128xi32, #tpu.memory_space<vmem>> -> memref<1x128xi32, #tpu.memory_space<vmem>>
      %dma_wait3A_997 = tpu.memref_squeeze %dma_wait3A_996 : memref<1x128xi32, #tpu.memory_space<vmem>> -> memref<128xi32, #tpu.memory_space<vmem>>
      %dma_wait3A_998 = arith.constant 0 : i32
      %dma_wait3A_999 = arith.constant 0 : i32
      %dma_wait3A_1000 = tpu.memref_slice %arg2[%dma_wait3A_998, %dma_wait3A_999] : memref<32768x128xf32, #tpu.memory_space<hbm>> -> memref<32768x128xf32, #tpu.memory_space<hbm>>
      tpu.wait_indirect_dma semaphore(%arg13 : memref<!tpu.dma_semaphore, #tpu.memory_space<semaphore_mem>>) src(%dma_wait3A_1000 : memref<32768x128xf32, #tpu.memory_space<hbm>>) dst(%dma_wait3A_994 : memref<128x128xf32, #tpu.memory_space<vmem>>)
      %mul3A_1001 = arith.constant 128 : i32
      %mul3A_1002 = arith.muli %add3A_982, %mul3A_1001 : i32
      %add3A_1003 = arith.addi %mul3A_4, %mul3A_1002 : i32
      %dma_start3A_1004 = arith.constant 3 : i32
      %dma_start3A_1005 = arith.constant 0 : i32
      %dma_start3A_1006 = arith.constant 0 : i32
      %dma_start3A_1007 = tpu.memref_slice %arg6[%dma_start3A_1004, %dma_start3A_1005, %dma_start3A_1006] : memref<4x128x128xf32, #tpu.memory_space<vmem>> -> memref<1x128x128xf32, #tpu.memory_space<vmem>>
      %dma_start3A_1008 = tpu.memref_squeeze %dma_start3A_1007 : memref<1x128x128xf32, #tpu.memory_space<vmem>> -> memref<128x128xf32, #tpu.memory_space<vmem>>
      %dma_start3A_1009 = arith.constant 0 : i32
      %dma_start3A_1010 = tpu.memref_slice %arg4[%add3A_1003, %dma_start3A_1009] : memref<262144x128xf32, #tpu.memory_space<hbm>> -> memref<128x128xf32, #tpu.memory_space<hbm>>
      %dma_start3A_1011 = arith.constant 0 : i32
      %dma_start3A_1012 = tpu.memref_slice %arg4[%add3A_1003, %dma_start3A_1011] : memref<262144x128xf32, #tpu.memory_space<hbm>> -> memref<128x128xf32, #tpu.memory_space<hbm>>
      %dma_start3A_1013 = arith.constant 0 : i32
      %dma_start3A_1014 = arith.constant 0 : i32
      %dma_start3A_1015 = tpu.memref_slice %arg6[%dma_start3A_1004, %dma_start3A_1013, %dma_start3A_1014] : memref<4x128x128xf32, #tpu.memory_space<vmem>> -> memref<1x128x128xf32, #tpu.memory_space<vmem>>
      %dma_start3A_1016 = tpu.memref_squeeze %dma_start3A_1015 : memref<1x128x128xf32, #tpu.memory_space<vmem>> -> memref<128x128xf32, #tpu.memory_space<vmem>>
      tpu.enqueue_dma source(%dma_start3A_1016 : memref<128x128xf32, #tpu.memory_space<vmem>>) target(%dma_start3A_1012 : memref<128x128xf32, #tpu.memory_space<hbm>>) target_semaphore(%arg17 : memref<!tpu.dma_semaphore, #tpu.memory_space<semaphore_mem>>)
    }
    %scan3A_801 = arith.constant 16 : i32
    %add3A_802 = arith.constant 7680 : i32
    %add3A_803 = arith.addi %mul3A_4, %add3A_802 : i32
    %dma_wait3A = arith.constant 0 : i32
    %dma_wait3A_804 = arith.constant 0 : i32
    %dma_wait3A_805 = arith.constant 0 : i32
    %dma_wait3A_806 = tpu.memref_slice %arg6[%dma_wait3A, %dma_wait3A_804, %dma_wait3A_805] : memref<4x128x128xf32, #tpu.memory_space<vmem>> -> memref<1x128x128xf32, #tpu.memory_space<vmem>>
    %dma_wait3A_807 = tpu.memref_squeeze %dma_wait3A_806 : memref<1x128x128xf32, #tpu.memory_space<vmem>> -> memref<128x128xf32, #tpu.memory_space<vmem>>
    %dma_wait3A_808 = arith.constant 0 : i32
    %dma_wait3A_809 = tpu.memref_slice %arg4[%add3A_803, %dma_wait3A_808] : memref<262144x128xf32, #tpu.memory_space<hbm>> -> memref<128x128xf32, #tpu.memory_space<hbm>>
    %dma_wait3A_810 = arith.constant 0 : i32
    %dma_wait3A_811 = tpu.memref_slice %arg4[%add3A_803, %dma_wait3A_810] : memref<262144x128xf32, #tpu.memory_space<hbm>> -> memref<128x128xf32, #tpu.memory_space<hbm>>
    %dma_wait3A_812 = arith.constant 0 : i32
    %dma_wait3A_813 = arith.constant 0 : i32
    %dma_wait3A_814 = tpu.memref_slice %arg6[%dma_wait3A, %dma_wait3A_812, %dma_wait3A_813] : memref<4x128x128xf32, #tpu.memory_space<vmem>> -> memref<1x128x128xf32, #tpu.memory_space<vmem>>
    %dma_wait3A_815 = tpu.memref_squeeze %dma_wait3A_814 : memref<1x128x128xf32, #tpu.memory_space<vmem>> -> memref<128x128xf32, #tpu.memory_space<vmem>>
    tpu.wait_dma2 semaphore(%arg14 : memref<!tpu.dma_semaphore, #tpu.memory_space<semaphore_mem>>) src(%dma_wait3A_815 : memref<128x128xf32, #tpu.memory_space<vmem>>) dst(%dma_wait3A_811 : memref<128x128xf32, #tpu.memory_space<hbm>>)
    %add3A_816 = arith.constant 7808 : i32
    %add3A_817 = arith.addi %mul3A_4, %add3A_816 : i32
    %dma_wait3A_818 = arith.constant 1 : i32
    %dma_wait3A_819 = arith.constant 0 : i32
    %dma_wait3A_820 = arith.constant 0 : i32
    %dma_wait3A_821 = tpu.memref_slice %arg6[%dma_wait3A_818, %dma_wait3A_819, %dma_wait3A_820] : memref<4x128x128xf32, #tpu.memory_space<vmem>> -> memref<1x128x128xf32, #tpu.memory_space<vmem>>
    %dma_wait3A_822 = tpu.memref_squeeze %dma_wait3A_821 : memref<1x128x128xf32, #tpu.memory_space<vmem>> -> memref<128x128xf32, #tpu.memory_space<vmem>>
    %dma_wait3A_823 = arith.constant 0 : i32
    %dma_wait3A_824 = tpu.memref_slice %arg4[%add3A_817, %dma_wait3A_823] : memref<262144x128xf32, #tpu.memory_space<hbm>> -> memref<128x128xf32, #tpu.memory_space<hbm>>
    %dma_wait3A_825 = arith.constant 0 : i32
    %dma_wait3A_826 = tpu.memref_slice %arg4[%add3A_817, %dma_wait3A_825] : memref<262144x128xf32, #tpu.memory_space<hbm>> -> memref<128x128xf32, #tpu.memory_space<hbm>>
    %dma_wait3A_827 = arith.constant 0 : i32
    %dma_wait3A_828 = arith.constant 0 : i32
    %dma_wait3A_829 = tpu.memref_slice %arg6[%dma_wait3A_818, %dma_wait3A_827, %dma_wait3A_828] : memref<4x128x128xf32, #tpu.memory_space<vmem>> -> memref<1x128x128xf32, #tpu.memory_space<vmem>>
    %dma_wait3A_830 = tpu.memref_squeeze %dma_wait3A_829 : memref<1x128x128xf32, #tpu.memory_space<vmem>> -> memref<128x128xf32, #tpu.memory_space<vmem>>
    tpu.wait_dma2 semaphore(%arg15 : memref<!tpu.dma_semaphore, #tpu.memory_space<semaphore_mem>>) src(%dma_wait3A_830 : memref<128x128xf32, #tpu.memory_space<vmem>>) dst(%dma_wait3A_826 : memref<128x128xf32, #tpu.memory_space<hbm>>)
    %add3A_831 = arith.constant 7936 : i32
    %add3A_832 = arith.addi %mul3A_4, %add3A_831 : i32
    %dma_wait3A_833 = arith.constant 2 : i32
    %dma_wait3A_834 = arith.constant 0 : i32
    %dma_wait3A_835 = arith.constant 0 : i32
    %dma_wait3A_836 = tpu.memref_slice %arg6[%dma_wait3A_833, %dma_wait3A_834, %dma_wait3A_835] : memref<4x128x128xf32, #tpu.memory_space<vmem>> -> memref<1x128x128xf32, #tpu.memory_space<vmem>>
    %dma_wait3A_837 = tpu.memref_squeeze %dma_wait3A_836 : memref<1x128x128xf32, #tpu.memory_space<vmem>> -> memref<128x128xf32, #tpu.memory_space<vmem>>
    %dma_wait3A_838 = arith.constant 0 : i32
    %dma_wait3A_839 = tpu.memref_slice %arg4[%add3A_832, %dma_wait3A_838] : memref<262144x128xf32, #tpu.memory_space<hbm>> -> memref<128x128xf32, #tpu.memory_space<hbm>>
    %dma_wait3A_840 = arith.constant 0 : i32
    %dma_wait3A_841 = tpu.memref_slice %arg4[%add3A_832, %dma_wait3A_840] : memref<262144x128xf32, #tpu.memory_space<hbm>> -> memref<128x128xf32, #tpu.memory_space<hbm>>
    %dma_wait3A_842 = arith.constant 0 : i32
    %dma_wait3A_843 = arith.constant 0 : i32
    %dma_wait3A_844 = tpu.memref_slice %arg6[%dma_wait3A_833, %dma_wait3A_842, %dma_wait3A_843] : memref<4x128x128xf32, #tpu.memory_space<vmem>> -> memref<1x128x128xf32, #tpu.memory_space<vmem>>
    %dma_wait3A_845 = tpu.memref_squeeze %dma_wait3A_844 : memref<1x128x128xf32, #tpu.memory_space<vmem>> -> memref<128x128xf32, #tpu.memory_space<vmem>>
    tpu.wait_dma2 semaphore(%arg16 : memref<!tpu.dma_semaphore, #tpu.memory_space<semaphore_mem>>) src(%dma_wait3A_845 : memref<128x128xf32, #tpu.memory_space<vmem>>) dst(%dma_wait3A_841 : memref<128x128xf32, #tpu.memory_space<hbm>>)
    %add3A_846 = arith.constant 8064 : i32
    %add3A_847 = arith.addi %mul3A_4, %add3A_846 : i32
    %dma_wait3A_848 = arith.constant 3 : i32
    %dma_wait3A_849 = arith.constant 0 : i32
    %dma_wait3A_850 = arith.constant 0 : i32
    %dma_wait3A_851 = tpu.memref_slice %arg6[%dma_wait3A_848, %dma_wait3A_849, %dma_wait3A_850] : memref<4x128x128xf32, #tpu.memory_space<vmem>> -> memref<1x128x128xf32, #tpu.memory_space<vmem>>
    %dma_wait3A_852 = tpu.memref_squeeze %dma_wait3A_851 : memref<1x128x128xf32, #tpu.memory_space<vmem>> -> memref<128x128xf32, #tpu.memory_space<vmem>>
    %dma_wait3A_853 = arith.constant 0 : i32
    %dma_wait3A_854 = tpu.memref_slice %arg4[%add3A_847, %dma_wait3A_853] : memref<262144x128xf32, #tpu.memory_space<hbm>> -> memref<128x128xf32, #tpu.memory_space<hbm>>
    %dma_wait3A_855 = arith.constant 0 : i32
    %dma_wait3A_856 = tpu.memref_slice %arg4[%add3A_847, %dma_wait3A_855] : memref<262144x128xf32, #tpu.memory_space<hbm>> -> memref<128x128xf32, #tpu.memory_space<hbm>>
    %dma_wait3A_857 = arith.constant 0 : i32
    %dma_wait3A_858 = arith.constant 0 : i32
    %dma_wait3A_859 = tpu.memref_slice %arg6[%dma_wait3A_848, %dma_wait3A_857, %dma_wait3A_858] : memref<4x128x128xf32, #tpu.memory_space<vmem>> -> memref<1x128x128xf32, #tpu.memory_space<vmem>>
    %dma_wait3A_860 = tpu.memref_squeeze %dma_wait3A_859 : memref<1x128x128xf32, #tpu.memory_space<vmem>> -> memref<128x128xf32, #tpu.memory_space<vmem>>
    tpu.wait_dma2 semaphore(%arg17 : memref<!tpu.dma_semaphore, #tpu.memory_space<semaphore_mem>>) src(%dma_wait3A_860 : memref<128x128xf32, #tpu.memory_space<vmem>>) dst(%dma_wait3A_856 : memref<128x128xf32, #tpu.memory_space<hbm>>)
    %scan3A_861 = arith.constant 0 : i32
    %scan3A_862 = arith.constant 0 : i32
    %scan3A_863 = arith.constant 64 : i32
    %scan3A_864 = arith.addi %scan3A_862, %scan3A_863 : i32
    %scan3A_865 = arith.constant 1 : i32
    scf.for %scan3A_867 = %scan3A_862 to %scan3A_864 step %scan3A_865  : i32 {
      %get3A_868 = arith.index_cast %scan3A_867 : i32 to index
      %get3A_869 = memref.load %arg9[%get3A_868] : memref<64xi32, #tpu.memory_space<smem>>
      %gt3A = arith.constant 0 : i32
      %gt3A_870 = arith.cmpi sgt, %get3A_869, %gt3A : i32
      %convert_element_type3A = arith.extui %gt3A_870 : i1 to i32
      %cond3A = arith.constant 0 : i32
      %cond3A_871 = arith.cmpi ne, %convert_element_type3A, %cond3A : i32
      scf.if %cond3A_871 {
        %mul3A_872 = arith.constant 8 : i32
        %mul3A_873 = arith.muli %scan3A_867, %mul3A_872 : i32
        %add3A_874 = arith.constant 0 : i32
        %add3A_875 = arith.addi %mul3A_873, %add3A_874 : i32
        %get3A_876 = arith.index_cast %scan3A_867 : i32 to index
        %get3A_877 = arith.constant 0 : index
        %get3A_878 = tpu.vector_load %arg5[%get3A_876, %get3A_877] {strides = array<i32>} : memref<64x128xi32, #tpu.memory_space<vmem>>, vector<16xi32>,
        %eq3A_879 = vector.broadcast %mul3A_2 : i32 to vector<16xi32>
        %eq3A_880 = arith.cmpi eq, %get3A_878, %eq3A_879 : vector<16xi32>
        %select_n3A_881 = arith.select %eq3A_880, %broadcast_in_dim3A_5, %broadcast_in_dim3A_7 : vector<16xi1>, vector<16xi32>
        %reduce_sum3A_882 = arith.constant true
        %reduce_sum3A_883 = vector.broadcast %reduce_sum3A_882 : i1 to vector<16xi1>
        %reduce_sum3A_884 = tpu.scan <sum>, %select_n3A_881 masked %reduce_sum3A_883 : vector<16xi32>, vector<16xi1> -> vector<16xi32>
        %reduce_sum3A_885 = vector.extract %reduce_sum3A_884[15] : i32 from vector<16xi32>
        %gt3A_886 = arith.constant 0 : i32
        %gt3A_887 = arith.cmpi sgt, %reduce_sum3A_885, %gt3A_886 : i32
        %convert_element_type3A_888 = arith.extui %gt3A_887 : i1 to i32
        %cond3A_889 = arith.constant 0 : i32
        %cond3A_890 = arith.cmpi ne, %convert_element_type3A_888, %cond3A_889 : i32
        scf.if %cond3A_890 {
          %all_reduce_ffs3A = tpu.all_reduce %eq3A_880 {dim = 0 : i64, kind = #tpu.reduction_kind<find_first_set>} : vector<16xi1> -> vector<16xi32>
          %mul3A_1024 = arith.constant 16 : i32
          %mul3A_1025 = arith.muli %add3A_875, %mul3A_1024 : i32
          %add3A_1026 = arith.addi %mul3A_4, %mul3A_1025 : i32
          %add3A_1027 = vector.broadcast %add3A_1026 : i32 to vector<16xi32>
          %add3A_1028 = arith.addi %add3A_1027, %iota3A : vector<16xi32>
          %mul3A_1029 = arith.constant 16 : i32
          %mul3A_1030 = arith.muli %add3A_875, %mul3A_1029 : i32
          %add3A_1031 = arith.addi %mul3A_4, %mul3A_1030 : i32
          %add3A_1032 = vector.broadcast %add3A_1031 : i32 to vector<16xi32>
          %add3A_1033 = arith.addi %add3A_1032, %all_reduce_ffs3A : vector<16xi32>
          %select_n3A_1034 = arith.select %eq3A_880, %add3A_1028, %add3A_1033 : vector<16xi1>, vector<16xi32>
          %swap3A_1035 = arith.constant 0 : index
          %swap3A_1036 = tpu.vector_load %arg8[%swap3A_1035] {strides = array<i32>} : memref<16xi32, #tpu.memory_space<vmem>>, vector<16xi32>,
          tpu.vector_store %arg8[%swap3A_1035], %select_n3A_1034 {strides = array<i32>} : memref<16xi32, #tpu.memory_space<vmem>>, vector<16xi32>,
          %dma_start3A_1037 = arith.constant 0 : i32
          %dma_start3A_1038 = arith.constant 0 : i32
          %dma_start3A_1039 = tpu.memref_slice %arg4[%dma_start3A_1037, %dma_start3A_1038] : memref<262144x128xf32, #tpu.memory_space<hbm>> -> memref<262144x128xf32, #tpu.memory_space<hbm>>
          tpu.enqueue_indirect_dma source(%arg7 : memref<16x128xf32, #tpu.memory_space<vmem>>) target(%dma_start3A_1039 : memref<262144x128xf32, #tpu.memory_space<hbm>>) offsets(%arg8 : memref<16xi32, #tpu.memory_space<vmem>>) semaphore(%arg18 : memref<!tpu.dma_semaphore, #tpu.memory_space<semaphore_mem>>)
          %dma_wait3A_1040 = arith.constant 0 : i32
          %dma_wait3A_1041 = arith.constant 0 : i32
          %dma_wait3A_1042 = tpu.memref_slice %arg4[%dma_wait3A_1040, %dma_wait3A_1041] : memref<262144x128xf32, #tpu.memory_space<hbm>> -> memref<262144x128xf32, #tpu.memory_space<hbm>>
          tpu.wait_indirect_dma semaphore(%arg18 : memref<!tpu.dma_semaphore, #tpu.memory_space<semaphore_mem>>) src(%arg7 : memref<16x128xf32, #tpu.memory_space<vmem>>) dst(%dma_wait3A_1042 : memref<262144x128xf32, #tpu.memory_space<hbm>>)
        } else {
        }
        %mul3A_891 = arith.constant 8 : i32
        %mul3A_892 = arith.muli %scan3A_867, %mul3A_891 : i32
        %add3A_893 = arith.constant 1 : i32
        %add3A_894 = arith.addi %mul3A_892, %add3A_893 : i32
        %get3A_895 = arith.index_cast %scan3A_867 : i32 to index
        %get3A_896 = arith.constant 16 : index
        %get3A_897 = tpu.vector_load %arg5[%get3A_895, %get3A_896] {strides = array<i32>} : memref<64x128xi32, #tpu.memory_space<vmem>>, vector<16xi32>,
        %eq3A_898 = vector.broadcast %mul3A_2 : i32 to vector<16xi32>
        %eq3A_899 = arith.cmpi eq, %get3A_897, %eq3A_898 : vector<16xi32>
        %select_n3A_900 = arith.select %eq3A_899, %broadcast_in_dim3A_5, %broadcast_in_dim3A_7 : vector<16xi1>, vector<16xi32>
        %reduce_sum3A_901 = arith.constant true
        %reduce_sum3A_902 = vector.broadcast %reduce_sum3A_901 : i1 to vector<16xi1>
        %reduce_sum3A_903 = tpu.scan <sum>, %select_n3A_900 masked %reduce_sum3A_902 : vector<16xi32>, vector<16xi1> -> vector<16xi32>
        %reduce_sum3A_904 = vector.extract %reduce_sum3A_903[15] : i32 from vector<16xi32>
        %gt3A_905 = arith.constant 0 : i32
        %gt3A_906 = arith.cmpi sgt, %reduce_sum3A_904, %gt3A_905 : i32
        %convert_element_type3A_907 = arith.extui %gt3A_906 : i1 to i32
        %cond3A_908 = arith.constant 0 : i32
        %cond3A_909 = arith.cmpi ne, %convert_element_type3A_907, %cond3A_908 : i32
        scf.if %cond3A_909 {
          %all_reduce_ffs3A = tpu.all_reduce %eq3A_899 {dim = 0 : i64, kind = #tpu.reduction_kind<find_first_set>} : vector<16xi1> -> vector<16xi32>
          %mul3A_1024 = arith.constant 16 : i32
          %mul3A_1025 = arith.muli %add3A_894, %mul3A_1024 : i32
          %add3A_1026 = arith.addi %mul3A_4, %mul3A_1025 : i32
          %add3A_1027 = vector.broadcast %add3A_1026 : i32 to vector<16xi32>
          %add3A_1028 = arith.addi %add3A_1027, %iota3A : vector<16xi32>
          %mul3A_1029 = arith.constant 16 : i32
          %mul3A_1030 = arith.muli %add3A_894, %mul3A_1029 : i32
          %add3A_1031 = arith.addi %mul3A_4, %mul3A_1030 : i32
          %add3A_1032 = vector.broadcast %add3A_1031 : i32 to vector<16xi32>
          %add3A_1033 = arith.addi %add3A_1032, %all_reduce_ffs3A : vector<16xi32>
          %select_n3A_1034 = arith.select %eq3A_899, %add3A_1028, %add3A_1033 : vector<16xi1>, vector<16xi32>
          %swap3A_1035 = arith.constant 0 : index
          %swap3A_1036 = tpu.vector_load %arg8[%swap3A_1035] {strides = array<i32>} : memref<16xi32, #tpu.memory_space<vmem>>, vector<16xi32>,
          tpu.vector_store %arg8[%swap3A_1035], %select_n3A_1034 {strides = array<i32>} : memref<16xi32, #tpu.memory_space<vmem>>, vector<16xi32>,
          %dma_start3A_1037 = arith.constant 0 : i32
          %dma_start3A_1038 = arith.constant 0 : i32
          %dma_start3A_1039 = tpu.memref_slice %arg4[%dma_start3A_1037, %dma_start3A_1038] : memref<262144x128xf32, #tpu.memory_space<hbm>> -> memref<262144x128xf32, #tpu.memory_space<hbm>>
          tpu.enqueue_indirect_dma source(%arg7 : memref<16x128xf32, #tpu.memory_space<vmem>>) target(%dma_start3A_1039 : memref<262144x128xf32, #tpu.memory_space<hbm>>) offsets(%arg8 : memref<16xi32, #tpu.memory_space<vmem>>) semaphore(%arg18 : memref<!tpu.dma_semaphore, #tpu.memory_space<semaphore_mem>>)
          %dma_wait3A_1040 = arith.constant 0 : i32
          %dma_wait3A_1041 = arith.constant 0 : i32
          %dma_wait3A_1042 = tpu.memref_slice %arg4[%dma_wait3A_1040, %dma_wait3A_1041] : memref<262144x128xf32, #tpu.memory_space<hbm>> -> memref<262144x128xf32, #tpu.memory_space<hbm>>
          tpu.wait_indirect_dma semaphore(%arg18 : memref<!tpu.dma_semaphore, #tpu.memory_space<semaphore_mem>>) src(%arg7 : memref<16x128xf32, #tpu.memory_space<vmem>>) dst(%dma_wait3A_1042 : memref<262144x128xf32, #tpu.memory_space<hbm>>)
        } else {
        }
        %mul3A_910 = arith.constant 8 : i32
        %mul3A_911 = arith.muli %scan3A_867, %mul3A_910 : i32
        %add3A_912 = arith.constant 2 : i32
        %add3A_913 = arith.addi %mul3A_911, %add3A_912 : i32
        %get3A_914 = arith.index_cast %scan3A_867 : i32 to index
        %get3A_915 = arith.constant 32 : index
        %get3A_916 = tpu.vector_load %arg5[%get3A_914, %get3A_915] {strides = array<i32>} : memref<64x128xi32, #tpu.memory_space<vmem>>, vector<16xi32>,
        %eq3A_917 = vector.broadcast %mul3A_2 : i32 to vector<16xi32>
        %eq3A_918 = arith.cmpi eq, %get3A_916, %eq3A_917 : vector<16xi32>
        %select_n3A_919 = arith.select %eq3A_918, %broadcast_in_dim3A_5, %broadcast_in_dim3A_7 : vector<16xi1>, vector<16xi32>
        %reduce_sum3A_920 = arith.constant true
        %reduce_sum3A_921 = vector.broadcast %reduce_sum3A_920 : i1 to vector<16xi1>
        %reduce_sum3A_922 = tpu.scan <sum>, %select_n3A_919 masked %reduce_sum3A_921 : vector<16xi32>, vector<16xi1> -> vector<16xi32>
        %reduce_sum3A_923 = vector.extract %reduce_sum3A_922[15] : i32 from vector<16xi32>
        %gt3A_924 = arith.constant 0 : i32
        %gt3A_925 = arith.cmpi sgt, %reduce_sum3A_923, %gt3A_924 : i32
        %convert_element_type3A_926 = arith.extui %gt3A_925 : i1 to i32
        %cond3A_927 = arith.constant 0 : i32
        %cond3A_928 = arith.cmpi ne, %convert_element_type3A_926, %cond3A_927 : i32
        scf.if %cond3A_928 {
          %all_reduce_ffs3A = tpu.all_reduce %eq3A_918 {dim = 0 : i64, kind = #tpu.reduction_kind<find_first_set>} : vector<16xi1> -> vector<16xi32>
          %mul3A_1024 = arith.constant 16 : i32
          %mul3A_1025 = arith.muli %add3A_913, %mul3A_1024 : i32
          %add3A_1026 = arith.addi %mul3A_4, %mul3A_1025 : i32
          %add3A_1027 = vector.broadcast %add3A_1026 : i32 to vector<16xi32>
          %add3A_1028 = arith.addi %add3A_1027, %iota3A : vector<16xi32>
          %mul3A_1029 = arith.constant 16 : i32
          %mul3A_1030 = arith.muli %add3A_913, %mul3A_1029 : i32
          %add3A_1031 = arith.addi %mul3A_4, %mul3A_1030 : i32
          %add3A_1032 = vector.broadcast %add3A_1031 : i32 to vector<16xi32>
          %add3A_1033 = arith.addi %add3A_1032, %all_reduce_ffs3A : vector<16xi32>
          %select_n3A_1034 = arith.select %eq3A_918, %add3A_1028, %add3A_1033 : vector<16xi1>, vector<16xi32>
          %swap3A_1035 = arith.constant 0 : index
          %swap3A_1036 = tpu.vector_load %arg8[%swap3A_1035] {strides = array<i32>} : memref<16xi32, #tpu.memory_space<vmem>>, vector<16xi32>,
          tpu.vector_store %arg8[%swap3A_1035], %select_n3A_1034 {strides = array<i32>} : memref<16xi32, #tpu.memory_space<vmem>>, vector<16xi32>,
          %dma_start3A_1037 = arith.constant 0 : i32
          %dma_start3A_1038 = arith.constant 0 : i32
          %dma_start3A_1039 = tpu.memref_slice %arg4[%dma_start3A_1037, %dma_start3A_1038] : memref<262144x128xf32, #tpu.memory_space<hbm>> -> memref<262144x128xf32, #tpu.memory_space<hbm>>
          tpu.enqueue_indirect_dma source(%arg7 : memref<16x128xf32, #tpu.memory_space<vmem>>) target(%dma_start3A_1039 : memref<262144x128xf32, #tpu.memory_space<hbm>>) offsets(%arg8 : memref<16xi32, #tpu.memory_space<vmem>>) semaphore(%arg18 : memref<!tpu.dma_semaphore, #tpu.memory_space<semaphore_mem>>)
          %dma_wait3A_1040 = arith.constant 0 : i32
          %dma_wait3A_1041 = arith.constant 0 : i32
          %dma_wait3A_1042 = tpu.memref_slice %arg4[%dma_wait3A_1040, %dma_wait3A_1041] : memref<262144x128xf32, #tpu.memory_space<hbm>> -> memref<262144x128xf32, #tpu.memory_space<hbm>>
          tpu.wait_indirect_dma semaphore(%arg18 : memref<!tpu.dma_semaphore, #tpu.memory_space<semaphore_mem>>) src(%arg7 : memref<16x128xf32, #tpu.memory_space<vmem>>) dst(%dma_wait3A_1042 : memref<262144x128xf32, #tpu.memory_space<hbm>>)
        } else {
        }
        %mul3A_929 = arith.constant 8 : i32
        %mul3A_930 = arith.muli %scan3A_867, %mul3A_929 : i32
        %add3A_931 = arith.constant 3 : i32
        %add3A_932 = arith.addi %mul3A_930, %add3A_931 : i32
        %get3A_933 = arith.index_cast %scan3A_867 : i32 to index
        %get3A_934 = arith.constant 48 : index
        %get3A_935 = tpu.vector_load %arg5[%get3A_933, %get3A_934] {strides = array<i32>} : memref<64x128xi32, #tpu.memory_space<vmem>>, vector<16xi32>,
        %eq3A_936 = vector.broadcast %mul3A_2 : i32 to vector<16xi32>
        %eq3A_937 = arith.cmpi eq, %get3A_935, %eq3A_936 : vector<16xi32>
        %select_n3A_938 = arith.select %eq3A_937, %broadcast_in_dim3A_5, %broadcast_in_dim3A_7 : vector<16xi1>, vector<16xi32>
        %reduce_sum3A_939 = arith.constant true
        %reduce_sum3A_940 = vector.broadcast %reduce_sum3A_939 : i1 to vector<16xi1>
        %reduce_sum3A_941 = tpu.scan <sum>, %select_n3A_938 masked %reduce_sum3A_940 : vector<16xi32>, vector<16xi1> -> vector<16xi32>
        %reduce_sum3A_942 = vector.extract %reduce_sum3A_941[15] : i32 from vector<16xi32>
        %gt3A_943 = arith.constant 0 : i32
        %gt3A_944 = arith.cmpi sgt, %reduce_sum3A_942, %gt3A_943 : i32
        %convert_element_type3A_945 = arith.extui %gt3A_944 : i1 to i32
        %cond3A_946 = arith.constant 0 : i32
        %cond3A_947 = arith.cmpi ne, %convert_element_type3A_945, %cond3A_946 : i32
        scf.if %cond3A_947 {
          %all_reduce_ffs3A = tpu.all_reduce %eq3A_937 {dim = 0 : i64, kind = #tpu.reduction_kind<find_first_set>} : vector<16xi1> -> vector<16xi32>
          %mul3A_1024 = arith.constant 16 : i32
          %mul3A_1025 = arith.muli %add3A_932, %mul3A_1024 : i32
          %add3A_1026 = arith.addi %mul3A_4, %mul3A_1025 : i32
          %add3A_1027 = vector.broadcast %add3A_1026 : i32 to vector<16xi32>
          %add3A_1028 = arith.addi %add3A_1027, %iota3A : vector<16xi32>
          %mul3A_1029 = arith.constant 16 : i32
          %mul3A_1030 = arith.muli %add3A_932, %mul3A_1029 : i32
          %add3A_1031 = arith.addi %mul3A_4, %mul3A_1030 : i32
          %add3A_1032 = vector.broadcast %add3A_1031 : i32 to vector<16xi32>
          %add3A_1033 = arith.addi %add3A_1032, %all_reduce_ffs3A : vector<16xi32>
          %select_n3A_1034 = arith.select %eq3A_937, %add3A_1028, %add3A_1033 : vector<16xi1>, vector<16xi32>
          %swap3A_1035 = arith.constant 0 : index
          %swap3A_1036 = tpu.vector_load %arg8[%swap3A_1035] {strides = array<i32>} : memref<16xi32, #tpu.memory_space<vmem>>, vector<16xi32>,
          tpu.vector_store %arg8[%swap3A_1035], %select_n3A_1034 {strides = array<i32>} : memref<16xi32, #tpu.memory_space<vmem>>, vector<16xi32>,
          %dma_start3A_1037 = arith.constant 0 : i32
          %dma_start3A_1038 = arith.constant 0 : i32
          %dma_start3A_1039 = tpu.memref_slice %arg4[%dma_start3A_1037, %dma_start3A_1038] : memref<262144x128xf32, #tpu.memory_space<hbm>> -> memref<262144x128xf32, #tpu.memory_space<hbm>>
          tpu.enqueue_indirect_dma source(%arg7 : memref<16x128xf32, #tpu.memory_space<vmem>>) target(%dma_start3A_1039 : memref<262144x128xf32, #tpu.memory_space<hbm>>) offsets(%arg8 : memref<16xi32, #tpu.memory_space<vmem>>) semaphore(%arg18 : memref<!tpu.dma_semaphore, #tpu.memory_space<semaphore_mem>>)
          %dma_wait3A_1040 = arith.constant 0 : i32
          %dma_wait3A_1041 = arith.constant 0 : i32
          %dma_wait3A_1042 = tpu.memref_slice %arg4[%dma_wait3A_1040, %dma_wait3A_1041] : memref<262144x128xf32, #tpu.memory_space<hbm>> -> memref<262144x128xf32, #tpu.memory_space<hbm>>
          tpu.wait_indirect_dma semaphore(%arg18 : memref<!tpu.dma_semaphore, #tpu.memory_space<semaphore_mem>>) src(%arg7 : memref<16x128xf32, #tpu.memory_space<vmem>>) dst(%dma_wait3A_1042 : memref<262144x128xf32, #tpu.memory_space<hbm>>)
        } else {
        }
        %mul3A_948 = arith.constant 8 : i32
        %mul3A_949 = arith.muli %scan3A_867, %mul3A_948 : i32
        %add3A_950 = arith.constant 4 : i32
        %add3A_951 = arith.addi %mul3A_949, %add3A_950 : i32
        %get3A_952 = arith.index_cast %scan3A_867 : i32 to index
        %get3A_953 = arith.constant 64 : index
        %get3A_954 = tpu.vector_load %arg5[%get3A_952, %get3A_953] {strides = array<i32>} : memref<64x128xi32, #tpu.memory_space<vmem>>, vector<16xi32>,
        %eq3A_955 = vector.broadcast %mul3A_2 : i32 to vector<16xi32>
        %eq3A_956 = arith.cmpi eq, %get3A_954, %eq3A_955 : vector<16xi32>
        %select_n3A_957 = arith.select %eq3A_956, %broadcast_in_dim3A_5, %broadcast_in_dim3A_7 : vector<16xi1>, vector<16xi32>
        %reduce_sum3A_958 = arith.constant true
        %reduce_sum3A_959 = vector.broadcast %reduce_sum3A_958 : i1 to vector<16xi1>
        %reduce_sum3A_960 = tpu.scan <sum>, %select_n3A_957 masked %reduce_sum3A_959 : vector<16xi32>, vector<16xi1> -> vector<16xi32>
        %reduce_sum3A_961 = vector.extract %reduce_sum3A_960[15] : i32 from vector<16xi32>
        %gt3A_962 = arith.constant 0 : i32
        %gt3A_963 = arith.cmpi sgt, %reduce_sum3A_961, %gt3A_962 : i32
        %convert_element_type3A_964 = arith.extui %gt3A_963 : i1 to i32
        %cond3A_965 = arith.constant 0 : i32
        %cond3A_966 = arith.cmpi ne, %convert_element_type3A_964, %cond3A_965 : i32
        scf.if %cond3A_966 {
          %all_reduce_ffs3A = tpu.all_reduce %eq3A_956 {dim = 0 : i64, kind = #tpu.reduction_kind<find_first_set>} : vector<16xi1> -> vector<16xi32>
          %mul3A_1024 = arith.constant 16 : i32
          %mul3A_1025 = arith.muli %add3A_951, %mul3A_1024 : i32
          %add3A_1026 = arith.addi %mul3A_4, %mul3A_1025 : i32
          %add3A_1027 = vector.broadcast %add3A_1026 : i32 to vector<16xi32>
          %add3A_1028 = arith.addi %add3A_1027, %iota3A : vector<16xi32>
          %mul3A_1029 = arith.constant 16 : i32
          %mul3A_1030 = arith.muli %add3A_951, %mul3A_1029 : i32
          %add3A_1031 = arith.addi %mul3A_4, %mul3A_1030 : i32
          %add3A_1032 = vector.broadcast %add3A_1031 : i32 to vector<16xi32>
          %add3A_1033 = arith.addi %add3A_1032, %all_reduce_ffs3A : vector<16xi32>
          %select_n3A_1034 = arith.select %eq3A_956, %add3A_1028, %add3A_1033 : vector<16xi1>, vector<16xi32>
          %swap3A_1035 = arith.constant 0 : index
          %swap3A_1036 = tpu.vector_load %arg8[%swap3A_1035] {strides = array<i32>} : memref<16xi32, #tpu.memory_space<vmem>>, vector<16xi32>,
          tpu.vector_store %arg8[%swap3A_1035], %select_n3A_1034 {strides = array<i32>} : memref<16xi32, #tpu.memory_space<vmem>>, vector<16xi32>,
          %dma_start3A_1037 = arith.constant 0 : i32
          %dma_start3A_1038 = arith.constant 0 : i32
          %dma_start3A_1039 = tpu.memref_slice %arg4[%dma_start3A_1037, %dma_start3A_1038] : memref<262144x128xf32, #tpu.memory_space<hbm>> -> memref<262144x128xf32, #tpu.memory_space<hbm>>
          tpu.enqueue_indirect_dma source(%arg7 : memref<16x128xf32, #tpu.memory_space<vmem>>) target(%dma_start3A_1039 : memref<262144x128xf32, #tpu.memory_space<hbm>>) offsets(%arg8 : memref<16xi32, #tpu.memory_space<vmem>>) semaphore(%arg18 : memref<!tpu.dma_semaphore, #tpu.memory_space<semaphore_mem>>)
          %dma_wait3A_1040 = arith.constant 0 : i32
          %dma_wait3A_1041 = arith.constant 0 : i32
          %dma_wait3A_1042 = tpu.memref_slice %arg4[%dma_wait3A_1040, %dma_wait3A_1041] : memref<262144x128xf32, #tpu.memory_space<hbm>> -> memref<262144x128xf32, #tpu.memory_space<hbm>>
          tpu.wait_indirect_dma semaphore(%arg18 : memref<!tpu.dma_semaphore, #tpu.memory_space<semaphore_mem>>) src(%arg7 : memref<16x128xf32, #tpu.memory_space<vmem>>) dst(%dma_wait3A_1042 : memref<262144x128xf32, #tpu.memory_space<hbm>>)
        } else {
        }
        %mul3A_967 = arith.constant 8 : i32
        %mul3A_968 = arith.muli %scan3A_867, %mul3A_967 : i32
        %add3A_969 = arith.constant 5 : i32
        %add3A_970 = arith.addi %mul3A_968, %add3A_969 : i32
        %get3A_971 = arith.index_cast %scan3A_867 : i32 to index
        %get3A_972 = arith.constant 80 : index
        %get3A_973 = tpu.vector_load %arg5[%get3A_971, %get3A_972] {strides = array<i32>} : memref<64x128xi32, #tpu.memory_space<vmem>>, vector<16xi32>,
        %eq3A_974 = vector.broadcast %mul3A_2 : i32 to vector<16xi32>
        %eq3A_975 = arith.cmpi eq, %get3A_973, %eq3A_974 : vector<16xi32>
        %select_n3A_976 = arith.select %eq3A_975, %broadcast_in_dim3A_5, %broadcast_in_dim3A_7 : vector<16xi1>, vector<16xi32>
        %reduce_sum3A_977 = arith.constant true
        %reduce_sum3A_978 = vector.broadcast %reduce_sum3A_977 : i1 to vector<16xi1>
        %reduce_sum3A_979 = tpu.scan <sum>, %select_n3A_976 masked %reduce_sum3A_978 : vector<16xi32>, vector<16xi1> -> vector<16xi32>
        %reduce_sum3A_980 = vector.extract %reduce_sum3A_979[15] : i32 from vector<16xi32>
        %gt3A_981 = arith.constant 0 : i32
        %gt3A_982 = arith.cmpi sgt, %reduce_sum3A_980, %gt3A_981 : i32
        %convert_element_type3A_983 = arith.extui %gt3A_982 : i1 to i32
        %cond3A_984 = arith.constant 0 : i32
        %cond3A_985 = arith.cmpi ne, %convert_element_type3A_983, %cond3A_984 : i32
        scf.if %cond3A_985 {
          %all_reduce_ffs3A = tpu.all_reduce %eq3A_975 {dim = 0 : i64, kind = #tpu.reduction_kind<find_first_set>} : vector<16xi1> -> vector<16xi32>
          %mul3A_1024 = arith.constant 16 : i32
          %mul3A_1025 = arith.muli %add3A_970, %mul3A_1024 : i32
          %add3A_1026 = arith.addi %mul3A_4, %mul3A_1025 : i32
          %add3A_1027 = vector.broadcast %add3A_1026 : i32 to vector<16xi32>
          %add3A_1028 = arith.addi %add3A_1027, %iota3A : vector<16xi32>
          %mul3A_1029 = arith.constant 16 : i32
          %mul3A_1030 = arith.muli %add3A_970, %mul3A_1029 : i32
          %add3A_1031 = arith.addi %mul3A_4, %mul3A_1030 : i32
          %add3A_1032 = vector.broadcast %add3A_1031 : i32 to vector<16xi32>
          %add3A_1033 = arith.addi %add3A_1032, %all_reduce_ffs3A : vector<16xi32>
          %select_n3A_1034 = arith.select %eq3A_975, %add3A_1028, %add3A_1033 : vector<16xi1>, vector<16xi32>
          %swap3A_1035 = arith.constant 0 : index
          %swap3A_1036 = tpu.vector_load %arg8[%swap3A_1035] {strides = array<i32>} : memref<16xi32, #tpu.memory_space<vmem>>, vector<16xi32>,
          tpu.vector_store %arg8[%swap3A_1035], %select_n3A_1034 {strides = array<i32>} : memref<16xi32, #tpu.memory_space<vmem>>, vector<16xi32>,
          %dma_start3A_1037 = arith.constant 0 : i32
          %dma_start3A_1038 = arith.constant 0 : i32
          %dma_start3A_1039 = tpu.memref_slice %arg4[%dma_start3A_1037, %dma_start3A_1038] : memref<262144x128xf32, #tpu.memory_space<hbm>> -> memref<262144x128xf32, #tpu.memory_space<hbm>>
          tpu.enqueue_indirect_dma source(%arg7 : memref<16x128xf32, #tpu.memory_space<vmem>>) target(%dma_start3A_1039 : memref<262144x128xf32, #tpu.memory_space<hbm>>) offsets(%arg8 : memref<16xi32, #tpu.memory_space<vmem>>) semaphore(%arg18 : memref<!tpu.dma_semaphore, #tpu.memory_space<semaphore_mem>>)
          %dma_wait3A_1040 = arith.constant 0 : i32
          %dma_wait3A_1041 = arith.constant 0 : i32
          %dma_wait3A_1042 = tpu.memref_slice %arg4[%dma_wait3A_1040, %dma_wait3A_1041] : memref<262144x128xf32, #tpu.memory_space<hbm>> -> memref<262144x128xf32, #tpu.memory_space<hbm>>
          tpu.wait_indirect_dma semaphore(%arg18 : memref<!tpu.dma_semaphore, #tpu.memory_space<semaphore_mem>>) src(%arg7 : memref<16x128xf32, #tpu.memory_space<vmem>>) dst(%dma_wait3A_1042 : memref<262144x128xf32, #tpu.memory_space<hbm>>)
        } else {
        }
        %mul3A_986 = arith.constant 8 : i32
        %mul3A_987 = arith.muli %scan3A_867, %mul3A_986 : i32
        %add3A_988 = arith.constant 6 : i32
        %add3A_989 = arith.addi %mul3A_987, %add3A_988 : i32
        %get3A_990 = arith.index_cast %scan3A_867 : i32 to index
        %get3A_991 = arith.constant 96 : index
        %get3A_992 = tpu.vector_load %arg5[%get3A_990, %get3A_991] {strides = array<i32>} : memref<64x128xi32, #tpu.memory_space<vmem>>, vector<16xi32>,
        %eq3A_993 = vector.broadcast %mul3A_2 : i32 to vector<16xi32>
        %eq3A_994 = arith.cmpi eq, %get3A_992, %eq3A_993 : vector<16xi32>
        %select_n3A_995 = arith.select %eq3A_994, %broadcast_in_dim3A_5, %broadcast_in_dim3A_7 : vector<16xi1>, vector<16xi32>
        %reduce_sum3A_996 = arith.constant true
        %reduce_sum3A_997 = vector.broadcast %reduce_sum3A_996 : i1 to vector<16xi1>
        %reduce_sum3A_998 = tpu.scan <sum>, %select_n3A_995 masked %reduce_sum3A_997 : vector<16xi32>, vector<16xi1> -> vector<16xi32>
        %reduce_sum3A_999 = vector.extract %reduce_sum3A_998[15] : i32 from vector<16xi32>
        %gt3A_1000 = arith.constant 0 : i32
        %gt3A_1001 = arith.cmpi sgt, %reduce_sum3A_999, %gt3A_1000 : i32
        %convert_element_type3A_1002 = arith.extui %gt3A_1001 : i1 to i32
        %cond3A_1003 = arith.constant 0 : i32
        %cond3A_1004 = arith.cmpi ne, %convert_element_type3A_1002, %cond3A_1003 : i32
        scf.if %cond3A_1004 {
          %all_reduce_ffs3A = tpu.all_reduce %eq3A_994 {dim = 0 : i64, kind = #tpu.reduction_kind<find_first_set>} : vector<16xi1> -> vector<16xi32>
          %mul3A_1024 = arith.constant 16 : i32
          %mul3A_1025 = arith.muli %add3A_989, %mul3A_1024 : i32
          %add3A_1026 = arith.addi %mul3A_4, %mul3A_1025 : i32
          %add3A_1027 = vector.broadcast %add3A_1026 : i32 to vector<16xi32>
          %add3A_1028 = arith.addi %add3A_1027, %iota3A : vector<16xi32>
          %mul3A_1029 = arith.constant 16 : i32
          %mul3A_1030 = arith.muli %add3A_989, %mul3A_1029 : i32
          %add3A_1031 = arith.addi %mul3A_4, %mul3A_1030 : i32
          %add3A_1032 = vector.broadcast %add3A_1031 : i32 to vector<16xi32>
          %add3A_1033 = arith.addi %add3A_1032, %all_reduce_ffs3A : vector<16xi32>
          %select_n3A_1034 = arith.select %eq3A_994, %add3A_1028, %add3A_1033 : vector<16xi1>, vector<16xi32>
          %swap3A_1035 = arith.constant 0 : index
          %swap3A_1036 = tpu.vector_load %arg8[%swap3A_1035] {strides = array<i32>} : memref<16xi32, #tpu.memory_space<vmem>>, vector<16xi32>,
          tpu.vector_store %arg8[%swap3A_1035], %select_n3A_1034 {strides = array<i32>} : memref<16xi32, #tpu.memory_space<vmem>>, vector<16xi32>,
          %dma_start3A_1037 = arith.constant 0 : i32
          %dma_start3A_1038 = arith.constant 0 : i32
          %dma_start3A_1039 = tpu.memref_slice %arg4[%dma_start3A_1037, %dma_start3A_1038] : memref<262144x128xf32, #tpu.memory_space<hbm>> -> memref<262144x128xf32, #tpu.memory_space<hbm>>
          tpu.enqueue_indirect_dma source(%arg7 : memref<16x128xf32, #tpu.memory_space<vmem>>) target(%dma_start3A_1039 : memref<262144x128xf32, #tpu.memory_space<hbm>>) offsets(%arg8 : memref<16xi32, #tpu.memory_space<vmem>>) semaphore(%arg18 : memref<!tpu.dma_semaphore, #tpu.memory_space<semaphore_mem>>)
          %dma_wait3A_1040 = arith.constant 0 : i32
          %dma_wait3A_1041 = arith.constant 0 : i32
          %dma_wait3A_1042 = tpu.memref_slice %arg4[%dma_wait3A_1040, %dma_wait3A_1041] : memref<262144x128xf32, #tpu.memory_space<hbm>> -> memref<262144x128xf32, #tpu.memory_space<hbm>>
          tpu.wait_indirect_dma semaphore(%arg18 : memref<!tpu.dma_semaphore, #tpu.memory_space<semaphore_mem>>) src(%arg7 : memref<16x128xf32, #tpu.memory_space<vmem>>) dst(%dma_wait3A_1042 : memref<262144x128xf32, #tpu.memory_space<hbm>>)
        } else {
        }
        %mul3A_1005 = arith.constant 8 : i32
        %mul3A_1006 = arith.muli %scan3A_867, %mul3A_1005 : i32
        %add3A_1007 = arith.constant 7 : i32
        %add3A_1008 = arith.addi %mul3A_1006, %add3A_1007 : i32
        %get3A_1009 = arith.index_cast %scan3A_867 : i32 to index
        %get3A_1010 = arith.constant 112 : index
        %get3A_1011 = tpu.vector_load %arg5[%get3A_1009, %get3A_1010] {strides = array<i32>} : memref<64x128xi32, #tpu.memory_space<vmem>>, vector<16xi32>,
        %eq3A_1012 = vector.broadcast %mul3A_2 : i32 to vector<16xi32>
        %eq3A_1013 = arith.cmpi eq, %get3A_1011, %eq3A_1012 : vector<16xi32>
        %select_n3A_1014 = arith.select %eq3A_1013, %broadcast_in_dim3A_5, %broadcast_in_dim3A_7 : vector<16xi1>, vector<16xi32>
        %reduce_sum3A_1015 = arith.constant true
        %reduce_sum3A_1016 = vector.broadcast %reduce_sum3A_1015 : i1 to vector<16xi1>
        %reduce_sum3A_1017 = tpu.scan <sum>, %select_n3A_1014 masked %reduce_sum3A_1016 : vector<16xi32>, vector<16xi1> -> vector<16xi32>
        %reduce_sum3A_1018 = vector.extract %reduce_sum3A_1017[15] : i32 from vector<16xi32>
        %gt3A_1019 = arith.constant 0 : i32
        %gt3A_1020 = arith.cmpi sgt, %reduce_sum3A_1018, %gt3A_1019 : i32
        %convert_element_type3A_1021 = arith.extui %gt3A_1020 : i1 to i32
        %cond3A_1022 = arith.constant 0 : i32
        %cond3A_1023 = arith.cmpi ne, %convert_element_type3A_1021, %cond3A_1022 : i32
        scf.if %cond3A_1023 {
          %all_reduce_ffs3A = tpu.all_reduce %eq3A_1013 {dim = 0 : i64, kind = #tpu.reduction_kind<find_first_set>} : vector<16xi1> -> vector<16xi32>
          %mul3A_1024 = arith.constant 16 : i32
          %mul3A_1025 = arith.muli %add3A_1008, %mul3A_1024 : i32
          %add3A_1026 = arith.addi %mul3A_4, %mul3A_1025 : i32
          %add3A_1027 = vector.broadcast %add3A_1026 : i32 to vector<16xi32>
          %add3A_1028 = arith.addi %add3A_1027, %iota3A : vector<16xi32>
          %mul3A_1029 = arith.constant 16 : i32
          %mul3A_1030 = arith.muli %add3A_1008, %mul3A_1029 : i32
          %add3A_1031 = arith.addi %mul3A_4, %mul3A_1030 : i32
          %add3A_1032 = vector.broadcast %add3A_1031 : i32 to vector<16xi32>
          %add3A_1033 = arith.addi %add3A_1032, %all_reduce_ffs3A : vector<16xi32>
          %select_n3A_1034 = arith.select %eq3A_1013, %add3A_1028, %add3A_1033 : vector<16xi1>, vector<16xi32>
          %swap3A_1035 = arith.constant 0 : index
          %swap3A_1036 = tpu.vector_load %arg8[%swap3A_1035] {strides = array<i32>} : memref<16xi32, #tpu.memory_space<vmem>>, vector<16xi32>,
          tpu.vector_store %arg8[%swap3A_1035], %select_n3A_1034 {strides = array<i32>} : memref<16xi32, #tpu.memory_space<vmem>>, vector<16xi32>,
          %dma_start3A_1037 = arith.constant 0 : i32
          %dma_start3A_1038 = arith.constant 0 : i32
          %dma_start3A_1039 = tpu.memref_slice %arg4[%dma_start3A_1037, %dma_start3A_1038] : memref<262144x128xf32, #tpu.memory_space<hbm>> -> memref<262144x128xf32, #tpu.memory_space<hbm>>
          tpu.enqueue_indirect_dma source(%arg7 : memref<16x128xf32, #tpu.memory_space<vmem>>) target(%dma_start3A_1039 : memref<262144x128xf32, #tpu.memory_space<hbm>>) offsets(%arg8 : memref<16xi32, #tpu.memory_space<vmem>>) semaphore(%arg18 : memref<!tpu.dma_semaphore, #tpu.memory_space<semaphore_mem>>)
          %dma_wait3A_1040 = arith.constant 0 : i32
          %dma_wait3A_1041 = arith.constant 0 : i32
          %dma_wait3A_1042 = tpu.memref_slice %arg4[%dma_wait3A_1040, %dma_wait3A_1041] : memref<262144x128xf32, #tpu.memory_space<hbm>> -> memref<262144x128xf32, #tpu.memory_space<hbm>>
          tpu.wait_indirect_dma semaphore(%arg18 : memref<!tpu.dma_semaphore, #tpu.memory_space<semaphore_mem>>) src(%arg7 : memref<16x128xf32, #tpu.memory_space<vmem>>) dst(%dma_wait3A_1042 : memref<262144x128xf32, #tpu.memory_space<hbm>>)
        } else {
        }
      } else {
      }
    }
    %scan3A_866 = arith.constant 64 : i32
    return
  }
}

</mosaic_0001>

<sc_bundles>
// kernel: kernel.3.cloned.1.call-start
scs
__scs_entry_jumppad:
0x0: {  	(pc) =	sbr.rel $0x88, $3  }
0x1: {  	(tag) =	ssettag $0x0;
	lr =	simm.s32 $0x1  }
0x2: {  	[smem:$0x3F9F] =	sst lr;
	_ =	strace $0xD0000000  }
0x3: {  	_ = 	snop  }
0x4: {  	_ = 	snop  }
0x5: {  	_ = 	snop  }
0x6: {  	_ = 	snop  }
0x7: {  	_ = 	snop  }
__scs_overlays_trampoline_lowered:
0x8: {  	[smem:$0x3FAE] =	sst s0  }
0x9: {  	[smem:$0x3FAF] =	sst s1  }
0xa: {  	[smem:$0x3FB0] =	sst s2  }
0xb: {  	[smem:$0x3FB1] =	sst s3  }
0xc: {  	[smem:$0x3FB2] =	sst s4  }
0xd: {  	[smem:$0x3FB3] =	sst s5  }
0xe: {  	[smem:$0x3FB4] =	sst s6  }
0xf: {  	[smem:$0x3FB5] =	sst s7  }
0x10: {  	[smem:$0x3FB6] =	sst s8  }
0x11: {  	[smem:$0x3FB7] =	sst s9;
	s0 =	simm.s32 @!p0 $0x0  }
0x12: {  	s1 =	sld [smem:$0x3F9D];
	s0 =	simm.s32 @p0 $0x1  }
0x13: {  	[smem:$0x3FB8] =	sst s0;
	s0 =	simm.s32 @!p1 $0x0  }
0x14: {  	s2 =	sld [smem:$0x3F9C];
	s0 =	simm.s32 @p1 $0x1  }
0x15: {  	[smem:$0x3FB9] =	sst s0;
	s0 =	simm.s32 @!p2 $0x0  }
0x16: {  	s3 =	sld [smem:$0x3FDB];
	s0 =	simm.s32 @p2 $0x1  }
0x17: {  	s4 =	simm.s32 $0x1BF5;
	[smem:$0x3FBB] =	sst s0  }
0x18: {  	s0 =	sld [smem:$0x3F9E];
	_ =	swait.ge [sflag:s4], $0x0  }
0x19: {  	s7 =	sld [smem:$0x3F9F]  }
0x1a: {  	s8 =	sadd.s32 $0xFFFFE003, lr  }
0x1b: {  	s9 =	sadd.s32 $0xFFFFFEF7, lr;
	s5 =	simm.s32 $0xFFFFFFFF;
	p2 =	slt.u32 s8, $0xFFFFF086  }
0x1c: {  	p1 =	slt.u32 s9, $0xF7A;
	s5 =	simm.s32 @!p2 $0x0  }
0x1d: {  	s5 =	simm.s32 @p1 $0x1;
	p0 =	seq.s32 s7, s2  }
0x1e: {  	s7 =	smul.u32 @!p0 $0xF7A, s2;
	p2 =	seq.s32 @!p0 s5, $0x0  }
0x1f: {  	s9 =	smul.u32 $0xF7A, s1;
	s8 =	simm.s32 @!p0 $0x1BF5;
	p2 =	por !p2, p0  }
0x20: {  	[sflag:s8] =	ssyncset.s32 @!p0 $0xFFFFF086;
	s6 =	sadd.s32 @!p0 s3, s7;
	s7 =	simm.s32 @!p0 $0x108  }
0x21: {  	s3 =	sadd.s32 s3, s9;
	s6 =	sadd.s32 @!p0 $0x88, s6;
	s7 =	simm.s32 @p2 $0x1082  }
0x22: {  	[simem:s7], [sflag:s8] =	dma.local @!p0 [hbm:s6], $0xF7A  }
0x23: {  	s9 =	sor.u32 $0xD0000000, s2;
	s6 =	simm.s32 $0x108;
	_ =	swait.ge @!p0 [sflag:s8], $0x0  }
0x24: {  	s3 =	sadd.s32 $0x88, s3;
	s6 =	simm.s32 @!p1 $0x1082;
	[sflag:s4] =	ssyncset.s32 $0xFFFFF086  }
0x25: {  	[simem:s6], [sflag:s4] =	dma.local [hbm:s3], $0xF7A  }
0x26: {  	[smem:$0x3F9F] =	sst s1;
	(tag) =	ssettag s2;
	_ =	strace s9  }
0x27: {  	s1 =	sld [smem:$0x3FAF]  }
0x28: {  	s2 =	sld [smem:$0x3FB0]  }
0x29: {  	s4 =	sld [smem:$0x3FB2]  }
0x2a: {  	p0 =	seq.s32 s5, $0x0;
	s5 =	sld [smem:$0x3FB3]  }
0x2b: {  	s6 =	sld [smem:$0x3FB4]  }
0x2c: {  	s7 =	sld [smem:$0x3FB5]  }
0x2d: {  	s3 =	simm.s32 $0x108;
	s8 =	sld [smem:$0x3FB6]  }
0x2e: {  	s3 =	simm.s32 @!p0 $0x1082;
	s9 =	sld [smem:$0x3FB7]  }
0x2f: {  	lr =	sadd.s32 s0, s3;
	s0 =	sld [smem:$0x3FAE]  }
0x30: {  	s3 =	sld [smem:$0x3FB1]  }
0x31: {  	[smem:$0x3FBA] =	sst s10  }
0x32: {  	s10 =	sld [smem:$0x3FB8];
	_ =	sdelay $0x3  }
0x33: {  	p0 =	seq.s32 s10, $0x1;
	s10 =	sld [smem:$0x3FBA];
	_ =	sdelay $0x3  }
0x34: {  	[smem:$0x3FBA] =	sst s10  }
0x35: {  	s10 =	sld [smem:$0x3FB9];
	_ =	sdelay $0x3  }
0x36: {  	p1 =	seq.s32 s10, $0x1;
	s10 =	sld [smem:$0x3FBA];
	_ =	sdelay $0x3  }
0x37: {  	[smem:$0x3FBA] =	sst s10  }
0x38: {  	s10 =	sld [smem:$0x3FBB]  }
0x39: {  	_ = 	snop;
	(pc) =	sbr.ind lr, $3  }
0x3a: {  	_ = 	snop  }
0x3b: {  	_ = 	snop  }
0x3c: {  	p2 =	seq.s32 s10, $0x1;
	s10 =	sld [smem:$0x3FBA]  }
0x3d: {  	_ =	shalt  }
0x3e: {  	_ =	shalt  }
0x3f: {  	_ =	shalt  }
0x40: {  	_ =	shalt  }
0x41: {  	_ =	shalt  }
0x42: {  	_ =	shalt  }
0x43: {  	_ =	shalt  }
0x44: {  	_ =	shalt  }
0x45: {  	_ =	shalt  }
0x46: {  	_ =	shalt  }
0x47: {  	_ =	shalt  }
0x48: {  	_ =	shalt  }
0x49: {  	_ =	shalt  }
0x4a: {  	_ =	shalt  }
0x4b: {  	_ =	shalt  }
0x4c: {  	_ =	shalt  }
0x4d: {  	_ =	shalt  }
0x4e: {  	_ =	shalt  }
0x4f: {  	_ =	shalt  }
0x50: {  	_ =	shalt  }
0x51: {  	_ =	shalt  }
0x52: {  	_ =	shalt  }
0x53: {  	_ =	shalt  }
0x54: {  	_ =	shalt  }
0x55: {  	_ =	shalt  }
0x56: {  	_ =	shalt  }
0x57: {  	_ =	shalt  }
0x58: {  	_ =	shalt  }
0x59: {  	_ =	shalt  }
0x5a: {  	_ =	shalt  }
0x5b: {  	_ =	shalt  }
0x5c: {  	_ =	shalt  }
0x5d: {  	_ =	shalt  }
0x5e: {  	_ =	shalt  }
0x5f: {  	_ =	shalt  }
0x60: {  	_ =	shalt  }
0x61: {  	_ =	shalt  }
0x62: {  	_ =	shalt  }
0x63: {  	_ =	shalt  }
0x64: {  	_ =	shalt  }
0x65: {  	_ =	shalt  }
0x66: {  	_ =	shalt  }
0x67: {  	_ =	shalt  }
0x68: {  	_ =	shalt  }
0x69: {  	_ =	shalt  }
0x6a: {  	_ =	shalt  }
0x6b: {  	_ =	shalt  }
0x6c: {  	_ =	shalt  }
0x6d: {  	_ =	shalt  }
0x6e: {  	_ =	shalt  }
0x6f: {  	_ =	shalt  }
0x70: {  	_ =	shalt  }
0x71: {  	_ =	shalt  }
0x72: {  	_ =	shalt  }
0x73: {  	_ =	shalt  }
0x74: {  	_ =	shalt  }
0x75: {  	_ =	shalt  }
0x76: {  	_ =	shalt  }
0x77: {  	_ =	shalt  }
0x78: {  	_ =	shalt  }
0x79: {  	_ =	shalt  }
0x7a: {  	_ =	shalt  }
0x7b: {  	_ =	shalt  }
0x7c: {  	_ =	shalt  }
0x7d: {  	_ =	shalt  }
0x7e: {  	_ =	shalt  }
0x7f: {  	_ =	shalt  }
0x80: {  	_ =	shalt  }
0x81: {  	_ =	shalt  }
0x82: {  	_ =	shalt  }
0x83: {  	_ =	shalt  }
0x84: {  	_ =	shalt  }
0x85: {  	_ =	shalt  }
0x86: {  	_ =	shalt  }
0x87: {  	_ =	shalt  }
.Lfunc_end0:
.L_simem_size_0:
called_computation_lowered:
.L_overlay_start_0:
0x88: {  	s2 =	sld [smem:$0x3FD9]  }
0x89: {  	s3 =	sld [smem:$0x3FFE];
	_ =	sdelay $0x1  }
0x8a: {  	s1 =	srdreg.scid  }
0x8b: {  	s0 =	sand.u32 $0x1, s1  }
0x8c: {  	s17 =	sshll.u32 s0, $0xA;
	s2 =	sadd.s32 s3, s2  }
0x8d: {  	s2 =	sadd.s32 s2, s17  }
0x8e: {  	[smem:$0x3FC6] =	sst s2  }
0x8f: {  	_ = 	snop  }
0x90: {  	s2 =	sld [smem:$0x3FC9]  }
0x91: {  	s18 =	sld [smem:$0x3FD0];
	(tm) =	ssettm $0x1  }
0x92: {  	s4 =	sld [smem:$0x3FFB];
	_ =	sdelay $0x3  }
0x93: {  	_ =	strace s4  }
0x94: {  	s4 =	sld [smem:$0x3FFC];
	_ =	sdelay $0x3  }
0x95: {  	_ =	strace s4  }
0x96: {  	s4 =	sld [smem:$0x3FFD];
	_ =	sdelay $0x3  }
0x97: {  	_ =	strace s4  }
0x98: {  	_ =	strace $0x8FFFFFFF  }
0x99: {  	s19 =	sld [smem:$0x3FDB];
	_ =	sdelay $0x1  }
0x9a: {  	s5 =	simm.s32 $_scs_section_size  }
0x9b: {  	s6 =	simm.s32 $_size__tile_overlayer_lowered;
	s7 =	simm.s32 $_tile_overlayer_lowered  }
0x9c: {  	s22 =	simm.s32 $0x1BFF;
	s21 =	sshll.u32 s7, $0x1;
	s4 =	sadd.s32 s5, s19  }
0x9d: {  	s8 =	simm.s32 $0x0;
	s20 =	sshll.u32 s6, $0x1;
	s6 =	sadd.s32 s21, s4  }
0x9e: {  	[timem:s8], [sflag:s22] =	dma.local [hbm:s6], s20  }
0x9f: {  	_ =	swait.ge [sflag:s22], s20  }
0xa0: {  	s5 =	ssub.s32 $0x0, s20;
	[sflag:s22] =	ssyncset.done $0x0  }
0xa1: {  	[sflag:s22] =	ssyncadd.s32 s5;
	_ =	sdelay $0x1  }
0xa2: {  	s23 =	simm.s32 $0x1B8B  }
0xa3: {  	_ =	swait.ge [sflag:s23], $0x1  }
0xa4: {  	[sflag:s23] =	ssyncset.done $0x0  }
0xa5: {  	s25 =	simm.s32 $0x1B8E;
	s24 =	sld [smem:$0x3FFE];
	[sflag:s23] =	ssyncadd.s32 $0xFFFFFFFF  }
0xa6: {  	s26 =	simm.s32 $execute0_lowered;
	[smem:$0x3FD2] =	sst s25  }
0xa7: {  	s6 =	sshll.u32 s26, $0x1;
	_ =	strace $0x80000046;
	[dreg:$0x1] =	wrdreg $0xFFFFFFFF  }
0xa8: {  	s28 =	simm.s32 $_size_execute0_lowered;
	s4 =	sadd.s32 s4, s6;
	[dreg:$0x0] =	wrdreg $0x0  }
0xa9: {  	s6 =	sshll.u32 s28, $0x1;
	[dreg:$0x2] =	wrdreg s4  }
0xaa: {  	[dreg:$0x3] =	wrdreg s6  }
0xab: {  	[dreg:$0x4] =	wrdreg $0xC0  }
0xac: {  	_ =	task [dreg:s8], $0x5FFFF  }
0xad: {  	[dreg:$0x1] =	wrdreg $0xFFFFFFFF  }
0xae: {  	[dreg:$0x0] =	wrdreg $0x60  }
0xaf: {  	[dreg:$0x2] =	wrdreg s2  }
0xb0: {  	[dreg:$0x3] =	wrdreg s24  }
0xb1: {  	[dreg:$0x4] =	wrdreg s18  }
0xb2: {  	[dreg:$0x5] =	wrdreg $0x9  }
0xb3: {  	_ =	task.clear_ibuf [dreg:s8], $0x6FFFF;
	_ =	strace $0x90000046  }
0xb4: {  	s29 =	simm.s32 $0x9;
	_ =	strace $0x80000048  }
0xb5: {  	_ =	swait.ge [sflag:s29], $0x1  }
0xb6: {  	[sflag:s29] =	ssyncadd.s32 $0xFFFFFFFF  }
0xb7: {  	_ =	strace $0x90000048  }
0xb8: {  	_ =	sfence  }
0xb9: {  	s30 =	sld [smem:$0x0];
	_ =	sdelay $0x2  }
0xba: {  	s31 =	sshll.u32 s1, $0xD;
	s1 =	sshrl.u32 s1, $0x2  }
0xbb: {  	s3 =	sand.u32 $0x4000, s31;
	s1 =	sadd.s32 s1, s30  }
0xbc: {  	s0 =	sor.u32 s3, s0;
	s1 =	sshll.u32 s1, $0x11  }
0xbd: {  	s0 =	sor.u32 s1, s0  }
0xbe: {  	s0 =	sadd.s32 $0x8F2B, s0  }
0xbf: {  	[sflag:s0] =	ssyncadd.remote.s32 $0x1  }
0xc0: {  	_ =	sfence.sel $0xFFFF  }
0xc1: {  	[dreg:$0x0] =	wrdreg $0xFFFFFFFF;
	(pc) =	sbr.abs _section_cstart, $3  }
0xc2: {  	[dreg:$0x1] =	wrdreg $0xFFFFFFFF  }
0xc3: {  	_ =	task.clear_ibuf [dreg:s8], $0x2FFFF;
	_ =	strace $0x9FFFFFFF  }
0xc4: {  	(tm) =	ssettm $0x7FFFFFFF  }
0xc5: {  	_ =	shalt  }
tec
execute0_lowered:
.L_overlay_start_1:
0x0: {  	(tag) =	ssettag $0x1  }
0x1: {  	s1 =	rddreg [dreg:$0x0]  }
0x2: {  	s5 =	rddreg [dreg:$0x1]  }
0x3: {  	s3 =	rddreg [dreg:$0x2]  }
0x4: {  	s0 =	rddreg [dreg:$0x3]  }
0x5: {  	s6 =	srdreg.scid;
	s2 =	stileid.u32  }
0x6: {  	s4 =	simm.s32 $0x0;
	s13 =	simm.s32 $0x6000;
	s14 =	simm.s32 $0xA000  }
0x7: {  	s15 =	simm.s32 $0x1;
	s16 =	simm.s32 $0xE000;
	s17 =	simm.s32 $0x2  }
0x8: {  	s18 =	simm.s32 $0x3;
	s19 =	simm.s32 $0x4;
	s20 =	simm.s32 $0x5  }
0x9: {  	s21 =	simm.s32 $0x6;
	s23 =	simm.s32 $0x8;
	s24 =	simm.s32 $0x0  }
0xa: {  	s7 =	sand.u32 $0x1, s6;
	s30 =	sshll.u32 s2, $0x1;
	[smem:$0x7FF] =	sst s4  }
0xb: {  	s31 =	sshll.u32 s2, $0x12;
	s11 =	sshll.u32 s2, $0xE;
	s6 =	sor.u32 s7, s30  }
0xc: {  	_ =	strace $0x80000047;
	s8 =	ssub.s32 $0x2, s7;
	s10 =	sshll.u32 s7, $0x11  }
0xd: {  	s12 =	sshll.u32 s7, $0xD;
	s22 =	sshll.u32 s6, $0xA;
	s9 =	sshrl.u32 s8, $0x1  }
.Ltmp0:
0xe: {  	s6 =	sshll.u32 s6, $0x11;
	s5 =	sadd.s32 s22, s5;
	(pc) =	sbr.rel .LBB2_1-.Ltmp0, $4  }
0xf: {  	s8 =	ssub.s32 s8, s9;
	s6 =	sadd.s32 s6, s3;
	s9 =	sadd.s32 s31, s3  }
0x10: {  	v0 =	vmov s22;
	s22 =	simm.s32 $0x7;
	s5 =	sadd.s32 $0x400, s5;
	s6 =	sadd.s32 $0x1F000, s6  }
0x11: {  	s7 =	smax.u32 s8, $0x1;
	s8 =	sadd.s32 s10, s9;
	s9 =	sor.u32 s12, s11  }
0x12: {  	v1 =	vimm.f32 $0.0e+00;
	v2 =	vimm.s32 $0x0;
	s10 =	simm.s32 $0xA;
	s11 =	simm.s32 $0x80;
	s12 =	simm.s32 $0x2000  }
.LBB2_10:
0x13: {  	s24 =	sadd.s32 $0x1, s24  }
0x14: {  	p0 =	sne.s32 s24, s7  }
.Ltmp1:
0x15: {  	_ = 	snop;
	(pc) =	sbr.rel @!p0 .LBB2_11-.Ltmp1, $1  }
0x16: {  	_ =	sdelay $0x3  }
.LBB2_1:
0x17: {  	[tilespmem:$0x12000] =	vst v1  }
0x18: {  	[tilespmem:$0x12010] =	vst v1  }
0x19: {  	[tilespmem:$0x12020] =	vst v1  }
0x1a: {  	[tilespmem:$0x12030] =	vst v1  }
0x1b: {  	[tilespmem:$0x12040] =	vst v1  }
0x1c: {  	[tilespmem:$0x12050] =	vst v1  }
0x1d: {  	[tilespmem:$0x12060] =	vst v1  }
0x1e: {  	[tilespmem:$0x12070] =	vst v1  }
0x1f: {  	[tilespmem:$0x12080] =	vst v1  }
0x20: {  	[tilespmem:$0x12090] =	vst v1  }
0x21: {  	[tilespmem:$0x120A0] =	vst v1  }
0x22: {  	[tilespmem:$0x120B0] =	vst v1  }
0x23: {  	[tilespmem:$0x120C0] =	vst v1  }
0x24: {  	[tilespmem:$0x120D0] =	vst v1  }
0x25: {  	[tilespmem:$0x120E0] =	vst v1  }
0x26: {  	[tilespmem:$0x120F0] =	vst v1  }
0x27: {  	[tilespmem:$0x12100] =	vst v1  }
0x28: {  	[tilespmem:$0x12110] =	vst v1  }
0x29: {  	[tilespmem:$0x12120] =	vst v1  }
0x2a: {  	[tilespmem:$0x12130] =	vst v1  }
0x2b: {  	[tilespmem:$0x12140] =	vst v1  }
0x2c: {  	[tilespmem:$0x12150] =	vst v1  }
0x2d: {  	[tilespmem:$0x12160] =	vst v1  }
0x2e: {  	[tilespmem:$0x12170] =	vst v1  }
0x2f: {  	[tilespmem:$0x12180] =	vst v1  }
0x30: {  	[tilespmem:$0x12190] =	vst v1  }
0x31: {  	[tilespmem:$0x121A0] =	vst v1  }
0x32: {  	[tilespmem:$0x121B0] =	vst v1  }
0x33: {  	[tilespmem:$0x121C0] =	vst v1  }
0x34: {  	[tilespmem:$0x121D0] =	vst v1  }
0x35: {  	[tilespmem:$0x121E0] =	vst v1  }
0x36: {  	[tilespmem:$0x121F0] =	vst v1  }
0x37: {  	[tilespmem:$0x12200] =	vst v1  }
0x38: {  	[tilespmem:$0x12210] =	vst v1  }
0x39: {  	[tilespmem:$0x12220] =	vst v1  }
0x3a: {  	[tilespmem:$0x12230] =	vst v1  }
0x3b: {  	[tilespmem:$0x12240] =	vst v1  }
0x3c: {  	[tilespmem:$0x12250] =	vst v1  }
0x3d: {  	[tilespmem:$0x12260] =	vst v1  }
0x3e: {  	[tilespmem:$0x12270] =	vst v1  }
0x3f: {  	[tilespmem:$0x12280] =	vst v1  }
0x40: {  	[tilespmem:$0x12290] =	vst v1  }
0x41: {  	[tilespmem:$0x122A0] =	vst v1  }
0x42: {  	[tilespmem:$0x122B0] =	vst v1  }
0x43: {  	[tilespmem:$0x122C0] =	vst v1  }
0x44: {  	[tilespmem:$0x122D0] =	vst v1  }
0x45: {  	[tilespmem:$0x122E0] =	vst v1  }
0x46: {  	[tilespmem:$0x122F0] =	vst v1  }
0x47: {  	[tilespmem:$0x12300] =	vst v1  }
0x48: {  	[tilespmem:$0x12310] =	vst v1  }
0x49: {  	[tilespmem:$0x12320] =	vst v1  }
0x4a: {  	[tilespmem:$0x12330] =	vst v1  }
0x4b: {  	[tilespmem:$0x12340] =	vst v1  }
0x4c: {  	[tilespmem:$0x12350] =	vst v1  }
0x4d: {  	[tilespmem:$0x12360] =	vst v1  }
0x4e: {  	[tilespmem:$0x12370] =	vst v1  }
0x4f: {  	[tilespmem:$0x12380] =	vst v1  }
0x50: {  	[tilespmem:$0x12390] =	vst v1  }
0x51: {  	[tilespmem:$0x123A0] =	vst v1  }
0x52: {  	[tilespmem:$0x123B0] =	vst v1  }
0x53: {  	[tilespmem:$0x123C0] =	vst v1  }
0x54: {  	[tilespmem:$0x123D0] =	vst v1  }
0x55: {  	[tilespmem:$0x123E0] =	vst v1  }
0x56: {  	[tilespmem:$0x123F0] =	vst v1  }
0x57: {  	[tilespmem:$0x12400] =	vst v1  }
0x58: {  	[tilespmem:$0x12410] =	vst v1  }
0x59: {  	[tilespmem:$0x12420] =	vst v1  }
0x5a: {  	[tilespmem:$0x12430] =	vst v1  }
0x5b: {  	[tilespmem:$0x12440] =	vst v1  }
0x5c: {  	[tilespmem:$0x12450] =	vst v1  }
0x5d: {  	[tilespmem:$0x12460] =	vst v1  }
0x5e: {  	[tilespmem:$0x12470] =	vst v1  }
0x5f: {  	[tilespmem:$0x12480] =	vst v1  }
0x60: {  	[tilespmem:$0x12490] =	vst v1  }
0x61: {  	[tilespmem:$0x124A0] =	vst v1  }
0x62: {  	[tilespmem:$0x124B0] =	vst v1  }
0x63: {  	[tilespmem:$0x124C0] =	vst v1  }
0x64: {  	[tilespmem:$0x124D0] =	vst v1  }
0x65: {  	[tilespmem:$0x124E0] =	vst v1  }
0x66: {  	[tilespmem:$0x124F0] =	vst v1  }
0x67: {  	[tilespmem:$0x12500] =	vst v1  }
0x68: {  	[tilespmem:$0x12510] =	vst v1  }
0x69: {  	[tilespmem:$0x12520] =	vst v1  }
0x6a: {  	[tilespmem:$0x12530] =	vst v1  }
0x6b: {  	[tilespmem:$0x12540] =	vst v1  }
0x6c: {  	[tilespmem:$0x12550] =	vst v1  }
0x6d: {  	[tilespmem:$0x12560] =	vst v1  }
0x6e: {  	[tilespmem:$0x12570] =	vst v1  }
0x6f: {  	[tilespmem:$0x12580] =	vst v1  }
0x70: {  	[tilespmem:$0x12590] =	vst v1  }
0x71: {  	[tilespmem:$0x125A0] =	vst v1  }
0x72: {  	[tilespmem:$0x125B0] =	vst v1  }
0x73: {  	[tilespmem:$0x125C0] =	vst v1  }
0x74: {  	[tilespmem:$0x125D0] =	vst v1  }
0x75: {  	[tilespmem:$0x125E0] =	vst v1  }
0x76: {  	[tilespmem:$0x125F0] =	vst v1  }
0x77: {  	[tilespmem:$0x12600] =	vst v1  }
0x78: {  	[tilespmem:$0x12610] =	vst v1  }
0x79: {  	[tilespmem:$0x12620] =	vst v1  }
0x7a: {  	[tilespmem:$0x12630] =	vst v1  }
0x7b: {  	[tilespmem:$0x12640] =	vst v1  }
0x7c: {  	[tilespmem:$0x12650] =	vst v1  }
0x7d: {  	[tilespmem:$0x12660] =	vst v1  }
0x7e: {  	[tilespmem:$0x12670] =	vst v1  }
0x7f: {  	[tilespmem:$0x12680] =	vst v1  }
0x80: {  	[tilespmem:$0x12690] =	vst v1  }
0x81: {  	[tilespmem:$0x126A0] =	vst v1  }
0x82: {  	[tilespmem:$0x126B0] =	vst v1  }
0x83: {  	[tilespmem:$0x126C0] =	vst v1  }
0x84: {  	[tilespmem:$0x126D0] =	vst v1  }
0x85: {  	[tilespmem:$0x126E0] =	vst v1  }
0x86: {  	[tilespmem:$0x126F0] =	vst v1  }
0x87: {  	[tilespmem:$0x12700] =	vst v1  }
0x88: {  	[tilespmem:$0x12710] =	vst v1  }
0x89: {  	[tilespmem:$0x12720] =	vst v1  }
0x8a: {  	[tilespmem:$0x12730] =	vst v1  }
0x8b: {  	[tilespmem:$0x12740] =	vst v1  }
0x8c: {  	[tilespmem:$0x12750] =	vst v1  }
0x8d: {  	[tilespmem:$0x12760] =	vst v1  }
0x8e: {  	[tilespmem:$0x12770] =	vst v1  }
0x8f: {  	[tilespmem:$0x12780] =	vst v1  }
0x90: {  	[tilespmem:$0x12790] =	vst v1  }
0x91: {  	[tilespmem:$0x127A0] =	vst v1  }
0x92: {  	[tilespmem:$0x127B0] =	vst v1  }
0x93: {  	[tilespmem:$0x127C0] =	vst v1  }
0x94: {  	[tilespmem:$0x127D0] =	vst v1  }
0x95: {  	[tilespmem:$0x127E0] =	vst v1  }
0x96: {  	[tilespmem:$0x127F0] =	vst v1  }
0x97: {  	[tilespmem:s4], [sflag:$0xA] =	stream.linear.gather [hbm4b:s5+s4], $0x2000, $0x38;
	[tilespmem:$0x12880] =	vst v63  }
0x98: {  	_ =	swait.ge [sflag:s10], $0x2000  }
0x99: {  	[sflag:s10] =	ssyncset.done $0x0  }
0x9a: {  	[sflag:s10] =	ssyncadd.s32 $0xFFFFE000  }
0x9b: {  	v3 =	vld [tilespmem:$0x0]  }
0x9c: {  	v4 =	vld [tilespmem:$0x10]  }
0x9d: {  	v5 =	vld [tilespmem:$0x20]  }
0x9e: {  	v6 =	vld [tilespmem:$0x30]  }
0x9f: {  	v7 =	vld [tilespmem:$0x40]  }
0xa0: {  	v9 =	vld [tilespmem:$0x50];
	v8 =	vadd.s32 v0, v3  }
0xa1: {  	v10 =	vld [tilespmem:$0x60];
	v47 =	vadd.s32 v0, v4;
	[tilespmem:$0x0] =	vst v8  }
0xa2: {  	v11 =	vld [tilespmem:$0x70];
	v48 =	vadd.s32 v0, v5;
	[tilespmem:$0x10] =	vst v47  }
0xa3: {  	v49 =	vadd.s32 v0, v6;
	[tilespmem:$0x20] =	vst v48  }
0xa4: {  	v50 =	vadd.s32 v0, v7;
	[tilespmem:$0x30] =	vst v49  }
0xa5: {  	v51 =	vadd.s32 v0, v9;
	[tilespmem:$0x40] =	vst v50  }
0xa6: {  	v52 =	vadd.s32 v0, v10;
	[tilespmem:$0x50] =	vst v51  }
0xa7: {  	v53 =	vadd.s32 v0, v11;
	[tilespmem:$0x60] =	vst v52  }
0xa8: {  	[tilespmem:$0x70] =	vst v53  }
0xa9: {  	[tilespmem:s12], [sflag:$0x1] =	stream.indirect.gather [hbm4b:s1+s11], $0x80, s4, s11, $0xb8;
	[tilespmem:$0x12880] =	vst v63  }
0xaa: {  	v54 =	vld [tilespmem:$0x80]  }
0xab: {  	vm0 =	veq.s32 v3, $0x0;
	v3 =	vld [tilespmem:$0x90]  }
0xac: {  	v55 =	vld [tilespmem:$0xA0]  }
0xad: {  	vm1 =	veq.s32 v4, $0x0;
	v56 =	vld [tilespmem:$0xB0]  }
0xae: {  	vm12 =	veq.s32 v5, $0x0;
	vm13 =	veq.s32 v6, $0x0;
	vm14 =	veq.s32 v7, $0x0;
	v57 =	vld [tilespmem:$0xC0]  }
0xaf: {  	vm15 =	veq.s32 v9, $0x0;
	vm8 =	veq.s32 v10, $0x0;
	vm11 =	veq.s32 v11, $0x0;
	v58 =	vld [tilespmem:$0xD0]  }
0xb0: {  	vm0 =	vmor vm0, vm1;
	v59 =	vld [tilespmem:$0xE0];
	vm2 =	veq.s32 v54, $0x0;
	vm3 =	veq.s32 v3, $0x0  }
0xb1: {  	vm0 =	vmor vm0, vm12;
	v12 =	vld [tilespmem:$0xF0];
	vm7 =	veq.s32 v55, $0x0;
	vm6 =	vmor vm2, vm3  }
0xb2: {  	vm0 =	vmor vm0, vm13;
	vm9 =	veq.s32 v56, $0x0;
	vm1 =	vmor vm6, vm7  }
0xb3: {  	vm0 =	vmor vm0, vm14;
	vm10 =	veq.s32 v57, $0x0;
	vm1 =	vmor vm1, vm9  }
0xb4: {  	vm0 =	vmor vm0, vm15;
	vm12 =	veq.s32 v58, $0x0;
	vm1 =	vmor vm1, vm10  }
0xb5: {  	vm0 =	vmor vm0, vm8;
	vm13 =	veq.s32 v59, $0x0;
	vm1 =	vmor vm1, vm12  }
0xb6: {  	vm0 =	vmor vm0, vm11;
	vm15 =	veq.s32 v12, $0x0;
	vm14 =	vmor vm1, vm13  }
0xb7: {  	v60 =	vsel vm0, $0x1, v2;
	vm0 =	vmor vm14, vm15  }
0xb8: {  	(xrf0) =	vadd.scan.msk.s32 $0xffff, v60;
	v61 =	vsel vm0, $0x1, v2  }
0xb9: {  	(xrf0) =	vadd.scan.msk.s32 $0xffff, v61;
	_ =	sdelay $0x4  }
0xba: {  	v62, _, _ =	vpop (xrf0)  }
0xbb: {  	(v2sf) =	vpush v62, $0xF;
	v63, _, _ =	vpop (xrf0)  }
0xbc: {  	(v2sf) =	vpush v63, $0xF;
	_ =	sdelay $0x3  }
0xbd: {  	v8 =	vadd.s32 v0, v54  }
0xbe: {  	v3 =	vadd.s32 v0, v3;
	[tilespmem:$0x80] =	vst v8  }
0xbf: {  	[tilespmem:$0x90] =	vst v3;
	v3 =	vadd.s32 v0, v55  }
0xc0: {  	[tilespmem:$0xA0] =	vst v3;
	v3 =	vadd.s32 v0, v56  }
0xc1: {  	[tilespmem:$0xB0] =	vst v3;
	v3 =	vadd.s32 v0, v57  }
0xc2: {  	[tilespmem:$0xC0] =	vst v3;
	v3 =	vadd.s32 v0, v58  }
0xc3: {  	[tilespmem:$0xD0] =	vst v3;
	v3 =	vadd.s32 v0, v59  }
0xc4: {  	[tilespmem:$0xE0] =	vst v3;
	v3 =	vadd.s32 v0, v12  }
.Ltmp2:
0xc5: {  	[tilespmem:$0xF0] =	vst v3;
	(pc) =	sbr.rel .LBB2_2-.Ltmp2, $4  }
0xc6: {  	[tilespmem:s13], [sflag:$0x2] =	stream.indirect.gather [hbm4b:s1+s11], $0x80, s11, s11, $0xb8;
	[tilespmem:$0x12880] =	vst v63  }
0xc7: {  	s25 =	spop (v2sf)  }
0xc8: {  	s26 =	smov.u32 s8;
	[smem:$0x0] =	sst s25;
	s31 =	spop (v2sf)  }
0xc9: {  	s28 =	simm.s32 $0x0;
	s25 =	simm.s32 $0x5;
	[smem:$0x1] =	sst s31  }
.LBB2_4:
0xca: {  	_ =	swait.ge [sflag:s18], $0x4000  }
0xcb: {  	[sflag:s18] =	ssyncset.done $0x0  }
0xcc: {  	[sflag:s18] =	ssyncadd.s32 $0xFFFFC000  }
0xcd: {  	[hbm4b:s6+s4] =	stream.linear.scatter [tilespmem:s14], [sflag:$0x7], $0x4000, $0x38;
	[tilespmem:$0x12880] =	vst v63  }
.LBB2_5:
0xce: {  	s28 =	sadd.s32 $0x800, s28  }
0xcf: {  	p0 =	sne.s32 s28, $0x8000  }
.Ltmp3:
0xd0: {  	_ = 	snop;
	(pc) =	sbr.rel @!p0 .LBB2_6-.Ltmp3, $4  }
0xd1: {  	_ =	swait.ge [sflag:s19], $0x4000  }
0xd2: {  	s29 =	sadd.s32 $0x1800, s26;
	[sflag:s19] =	ssyncset.done $0x0  }
0xd3: {  	s26 =	sadd.s32 $0x2000, s26;
	s25 =	sadd.s32 $0x4, s25;
	[sflag:s19] =	ssyncadd.s32 $0xFFFFC000  }
0xd4: {  	[hbm4b:s29+s4] =	stream.linear.scatter [tilespmem:s16], [sflag:$0x8], $0x4000, $0x38;
	[tilespmem:$0x12880] =	vst v63  }
.LBB2_2:
0xd5: {  	s29 =	sshra.s32 s28, $0x2  }
0xd6: {  	v3 =	vld [tilespmem:s29+$0x100]  }
0xd7: {  	v4 =	vld [tilespmem:s29+$0x110]  }
0xd8: {  	v5 =	vld [tilespmem:s29+$0x120]  }
0xd9: {  	v6 =	vld [tilespmem:s29+$0x130]  }
0xda: {  	v7 =	vld [tilespmem:s29+$0x140]  }
0xdb: {  	v8 =	vld [tilespmem:s29+$0x150]  }
0xdc: {  	v9 =	vld [tilespmem:s29+$0x160];
	vm0 =	veq.s32 v3, $0x0;
	vm1 =	veq.s32 v4, $0x0  }
0xdd: {  	v10 =	vld [tilespmem:s29+$0x170];
	vm14 =	veq.s32 v5, $0x0;
	vm0 =	vmor vm0, vm1  }
0xde: {  	vm15 =	veq.s32 v6, $0x0;
	vm0 =	vmor vm0, vm14  }
0xdf: {  	vm4 =	veq.s32 v7, $0x0;
	vm0 =	vmor vm0, vm15  }
0xe0: {  	vm5 =	veq.s32 v8, $0x0;
	vm0 =	vmor vm0, vm4  }
0xe1: {  	vm6 =	veq.s32 v9, $0x0;
	vm0 =	vmor vm0, vm5  }
0xe2: {  	vm7 =	veq.s32 v10, $0x0;
	vm0 =	vmor vm0, vm6  }
0xe3: {  	vm0 =	vmor vm0, vm7  }
0xe4: {  	v11 =	vsel vm0, $0x1, v2  }
0xe5: {  	(xrf0) =	vadd.scan.msk.s32 $0xffff, v11;
	_ =	sdelay $0x5  }
0xe6: {  	v11, _, _ =	vpop (xrf0)  }
0xe7: {  	(v2sf) =	vpush v11, $0xF;
	_ =	sdelay $0x7  }
0xe8: {  	v3 =	vadd.s32 v0, v3  }
0xe9: {  	[tilespmem:s29+$0x100] =	vst v3;
	v3 =	vadd.s32 v0, v4  }
0xea: {  	[tilespmem:s29+$0x110] =	vst v3;
	v3 =	vadd.s32 v0, v5  }
0xeb: {  	[tilespmem:s29+$0x120] =	vst v3;
	v3 =	vadd.s32 v0, v6  }
0xec: {  	[tilespmem:s29+$0x130] =	vst v3;
	v3 =	vadd.s32 v0, v7  }
0xed: {  	[tilespmem:s29+$0x140] =	vst v3;
	v3 =	vadd.s32 v0, v8  }
0xee: {  	[tilespmem:s29+$0x150] =	vst v3;
	v3 =	vadd.s32 v0, v9  }
0xef: {  	p0 =	seq.s32 s28, $0x0;
	[tilespmem:s29+$0x160] =	vst v3;
	v3 =	vadd.s32 v0, v10;
	s30 =	spop (v2sf)  }
0xf0: {  	[tilespmem:s29+$0x170] =	vst v3;
	[smem:s25+$0xFFFFFFFD] =	sst s30;
	s30 =	simm.s32 @!p0 $0x7  }
0xf1: {  	_ =	swait.ge @!p0 [sflag:s30], $0x4000  }
0xf2: {  	[sflag:s30] =	ssyncset.done @!p0 $0x0  }
0xf3: {  	s31 =	sadd.s32 $0x100, s29;
	[sflag:s30] =	ssyncadd.s32 @!p0 $0xFFFFC000  }
0xf4: {  	[tilespmem:s14], [sflag:$0x3] =	stream.indirect.gather [hbm4b:s1+s11], $0x80, s31, s11, $0xb8;
	[tilespmem:$0x12880] =	vst v63  }
0xf5: {  	_ =	swait.ge [sflag:s15], $0x4000  }
0xf6: {  	[sflag:s15] =	ssyncset.done $0x0  }
0xf7: {  	[sflag:s15] =	ssyncadd.s32 $0xFFFFC000  }
0xf8: {  	[hbm4b:s26+s4] =	stream.linear.scatter [tilespmem:s12], [sflag:$0x5], $0x4000, $0x38;
	[tilespmem:$0x12880] =	vst v63  }
0xf9: {  	v3 =	vld [tilespmem:s29+$0x180]  }
0xfa: {  	v56 =	vld [tilespmem:s29+$0x190]  }
0xfb: {  	v57 =	vld [tilespmem:s29+$0x1A0]  }
0xfc: {  	v58 =	vld [tilespmem:s29+$0x1B0]  }
0xfd: {  	v59 =	vld [tilespmem:s29+$0x1C0]  }
0xfe: {  	v60 =	vld [tilespmem:s29+$0x1D0]  }
0xff: {  	v61 =	vld [tilespmem:s29+$0x1E0];
	vm8 =	veq.s32 v3, $0x0;
	vm9 =	veq.s32 v56, $0x0  }
0x100: {  	v62 =	vld [tilespmem:s29+$0x1F0];
	vm10 =	veq.s32 v57, $0x0;
	vm0 =	vmor vm8, vm9  }
0x101: {  	vm11 =	veq.s32 v58, $0x0;
	vm0 =	vmor vm0, vm10  }
0x102: {  	vm12 =	veq.s32 v59, $0x0;
	vm0 =	vmor vm0, vm11  }
0x103: {  	vm13 =	veq.s32 v60, $0x0;
	vm0 =	vmor vm0, vm12  }
0x104: {  	vm14 =	veq.s32 v61, $0x0;
	vm0 =	vmor vm0, vm13  }
0x105: {  	vm15 =	veq.s32 v62, $0x0;
	vm0 =	vmor vm0, vm14  }
0x106: {  	vm0 =	vmor vm0, vm15  }
0x107: {  	v63 =	vsel vm0, $0x1, v2  }
0x108: {  	(xrf0) =	vadd.scan.msk.s32 $0xffff, v63;
	_ =	sdelay $0x5  }
0x109: {  	v11, _, _ =	vpop (xrf0)  }
0x10a: {  	(v2sf) =	vpush v11, $0xF;
	_ =	sdelay $0x7  }
0x10b: {  	v3 =	vadd.s32 v0, v3  }
0x10c: {  	[tilespmem:s29+$0x180] =	vst v3;
	v3 =	vadd.s32 v0, v56  }
0x10d: {  	[tilespmem:s29+$0x190] =	vst v3;
	v3 =	vadd.s32 v0, v57  }
0x10e: {  	[tilespmem:s29+$0x1A0] =	vst v3;
	v3 =	vadd.s32 v0, v58  }
0x10f: {  	[tilespmem:s29+$0x1B0] =	vst v3;
	v3 =	vadd.s32 v0, v59  }
0x110: {  	[tilespmem:s29+$0x1C0] =	vst v3;
	v3 =	vadd.s32 v0, v60  }
0x111: {  	[tilespmem:s29+$0x1D0] =	vst v3;
	v3 =	vadd.s32 v0, v61  }
0x112: {  	[tilespmem:s29+$0x1E0] =	vst v3;
	v3 =	vadd.s32 v0, v62;
	s31 =	spop (v2sf)  }
0x113: {  	s30 =	simm.s32 @!p0 $0x8;
	[tilespmem:s29+$0x1F0] =	vst v3;
	[smem:s25+$0xFFFFFFFE] =	sst s31  }
0x114: {  	_ =	swait.ge @!p0 [sflag:s30], $0x4000  }
0x115: {  	[sflag:s30] =	ssyncset.done @!p0 $0x0  }
0x116: {  	s31 =	sadd.s32 $0x180, s29;
	[sflag:s30] =	ssyncadd.s32 @!p0 $0xFFFFC000;
	p0 =	seq.s32 s28, $0x7800  }
0x117: {  	[tilespmem:s16], [sflag:$0x4] =	stream.indirect.gather [hbm4b:s1+s11], $0x80, s31, s11, $0xb8;
	[tilespmem:$0x12880] =	vst v63  }
.Ltmp4:
0x118: {  	_ = 	snop;
	(pc) =	sbr.rel @p0 .LBB2_4-.Ltmp4, $4  }
0x119: {  	_ =	swait.ge [sflag:s17], $0x4000  }
0x11a: {  	[sflag:s17] =	ssyncset.done $0x0  }
0x11b: {  	s31 =	sadd.s32 $0x800, s26;
	[sflag:s17] =	ssyncadd.s32 $0xFFFFC000  }
0x11c: {  	[hbm4b:s31+s4] =	stream.linear.scatter [tilespmem:s13], [sflag:$0x6], $0x4000, $0x38;
	[tilespmem:$0x12880] =	vst v63  }
0x11d: {  	v3 =	vld [tilespmem:s29+$0x200]  }
0x11e: {  	v4 =	vld [tilespmem:s29+$0x210]  }
0x11f: {  	v5 =	vld [tilespmem:s29+$0x220]  }
0x120: {  	v6 =	vld [tilespmem:s29+$0x230]  }
0x121: {  	v7 =	vld [tilespmem:s29+$0x240]  }
0x122: {  	v8 =	vld [tilespmem:s29+$0x250]  }
0x123: {  	v9 =	vld [tilespmem:s29+$0x260];
	vm0 =	veq.s32 v3, $0x0;
	vm1 =	veq.s32 v4, $0x0  }
0x124: {  	v10 =	vld [tilespmem:s29+$0x270];
	vm14 =	veq.s32 v5, $0x0;
	vm0 =	vmor vm0, vm1  }
0x125: {  	vm15 =	veq.s32 v6, $0x0;
	vm0 =	vmor vm0, vm14  }
0x126: {  	vm4 =	veq.s32 v7, $0x0;
	vm0 =	vmor vm0, vm15  }
0x127: {  	vm5 =	veq.s32 v8, $0x0;
	vm0 =	vmor vm0, vm4  }
0x128: {  	vm6 =	veq.s32 v9, $0x0;
	vm0 =	vmor vm0, vm5  }
0x129: {  	vm7 =	veq.s32 v10, $0x0;
	vm0 =	vmor vm0, vm6  }
0x12a: {  	vm0 =	vmor vm0, vm7  }
0x12b: {  	v11 =	vsel vm0, $0x1, v2  }
0x12c: {  	(xrf0) =	vadd.scan.msk.s32 $0xffff, v11;
	_ =	sdelay $0x5  }
0x12d: {  	v11, _, _ =	vpop (xrf0)  }
0x12e: {  	(v2sf) =	vpush v11, $0xF;
	_ =	sdelay $0x7  }
0x12f: {  	v3 =	vadd.s32 v0, v3  }
0x130: {  	[tilespmem:s29+$0x200] =	vst v3;
	v3 =	vadd.s32 v0, v4  }
0x131: {  	[tilespmem:s29+$0x210] =	vst v3;
	v3 =	vadd.s32 v0, v5  }
0x132: {  	[tilespmem:s29+$0x220] =	vst v3;
	v3 =	vadd.s32 v0, v6  }
0x133: {  	[tilespmem:s29+$0x230] =	vst v3;
	v3 =	vadd.s32 v0, v7  }
0x134: {  	[tilespmem:s29+$0x240] =	vst v3;
	v3 =	vadd.s32 v0, v8  }
0x135: {  	[tilespmem:s29+$0x250] =	vst v3;
	v3 =	vadd.s32 v0, v9  }
0x136: {  	[tilespmem:s29+$0x260] =	vst v3;
	v3 =	vadd.s32 v0, v10;
	s30 =	spop (v2sf)  }
0x137: {  	[tilespmem:s29+$0x270] =	vst v3;
	[smem:s25+$0xFFFFFFFF] =	sst s30  }
0x138: {  	_ =	swait.ge [sflag:s20], $0x4000  }
0x139: {  	[sflag:s20] =	ssyncset.done $0x0  }
0x13a: {  	s31 =	sadd.s32 $0x200, s29;
	[sflag:s20] =	ssyncadd.s32 $0xFFFFC000  }
0x13b: {  	[tilespmem:s12], [sflag:$0x1] =	stream.indirect.gather [hbm4b:s1+s11], $0x80, s31, s11, $0xb8;
	[tilespmem:$0x12880] =	vst v63  }
0x13c: {  	_ =	swait.ge [sflag:s18], $0x4000  }
0x13d: {  	[sflag:s18] =	ssyncset.done $0x0  }
0x13e: {  	s31 =	sadd.s32 $0x1000, s26;
	[sflag:s18] =	ssyncadd.s32 $0xFFFFC000  }
0x13f: {  	[hbm4b:s31+s4] =	stream.linear.scatter [tilespmem:s14], [sflag:$0x7], $0x4000, $0x38;
	[tilespmem:$0x12880] =	vst v63  }
0x140: {  	v3 =	vld [tilespmem:s29+$0x280]  }
0x141: {  	v56 =	vld [tilespmem:s29+$0x290]  }
0x142: {  	v57 =	vld [tilespmem:s29+$0x2A0]  }
0x143: {  	v58 =	vld [tilespmem:s29+$0x2B0]  }
0x144: {  	v59 =	vld [tilespmem:s29+$0x2C0]  }
0x145: {  	v60 =	vld [tilespmem:s29+$0x2D0]  }
0x146: {  	v61 =	vld [tilespmem:s29+$0x2E0];
	vm8 =	veq.s32 v3, $0x0;
	vm9 =	veq.s32 v56, $0x0  }
0x147: {  	v62 =	vld [tilespmem:s29+$0x2F0];
	vm10 =	veq.s32 v57, $0x0;
	vm0 =	vmor vm8, vm9  }
0x148: {  	vm11 =	veq.s32 v58, $0x0;
	vm0 =	vmor vm0, vm10  }
0x149: {  	vm12 =	veq.s32 v59, $0x0;
	vm0 =	vmor vm0, vm11  }
0x14a: {  	vm13 =	veq.s32 v60, $0x0;
	vm0 =	vmor vm0, vm12  }
0x14b: {  	vm14 =	veq.s32 v61, $0x0;
	vm0 =	vmor vm0, vm13  }
0x14c: {  	vm15 =	veq.s32 v62, $0x0;
	vm0 =	vmor vm0, vm14  }
0x14d: {  	vm0 =	vmor vm0, vm15  }
0x14e: {  	v63 =	vsel vm0, $0x1, v2  }
0x14f: {  	(xrf0) =	vadd.scan.msk.s32 $0xffff, v63;
	_ =	sdelay $0x5  }
0x150: {  	v11, _, _ =	vpop (xrf0)  }
0x151: {  	(v2sf) =	vpush v11, $0xF;
	_ =	sdelay $0x7  }
0x152: {  	v3 =	vadd.s32 v0, v3  }
0x153: {  	[tilespmem:s29+$0x280] =	vst v3;
	v3 =	vadd.s32 v0, v56  }
0x154: {  	[tilespmem:s29+$0x290] =	vst v3;
	v3 =	vadd.s32 v0, v57  }
0x155: {  	[tilespmem:s29+$0x2A0] =	vst v3;
	v3 =	vadd.s32 v0, v58  }
0x156: {  	[tilespmem:s29+$0x2B0] =	vst v3;
	v3 =	vadd.s32 v0, v59  }
0x157: {  	[tilespmem:s29+$0x2C0] =	vst v3;
	v3 =	vadd.s32 v0, v60  }
0x158: {  	[tilespmem:s29+$0x2D0] =	vst v3;
	v3 =	vadd.s32 v0, v61  }
0x159: {  	[tilespmem:s29+$0x2E0] =	vst v3;
	v3 =	vadd.s32 v0, v62;
	s31 =	spop (v2sf)  }
.Ltmp5:
0x15a: {  	[tilespmem:s29+$0x2F0] =	vst v3;
	[smem:s25] =	sst s31;
	(pc) =	sbr.rel .LBB2_5-.Ltmp5, $4  }
0x15b: {  	_ =	swait.ge [sflag:s21], $0x4000  }
0x15c: {  	[sflag:s21] =	ssyncset.done $0x0  }
0x15d: {  	s31 =	sadd.s32 $0x280, s29;
	[sflag:s21] =	ssyncadd.s32 $0xFFFFC000  }
0x15e: {  	[tilespmem:s13], [sflag:$0x2] =	stream.indirect.gather [hbm4b:s1+s11], $0x80, s31, s11, $0xb8;
	[tilespmem:$0x12880] =	vst v63  }
.LBB2_6:
0x15f: {  	_ =	swait.ge [sflag:s20], $0x4000  }
0x160: {  	[sflag:s20] =	ssyncset.done $0x0  }
0x161: {  	[sflag:s20] =	ssyncadd.s32 $0xFFFFC000  }
0x162: {  	_ =	swait.ge [sflag:s21], $0x4000  }
0x163: {  	[sflag:s21] =	ssyncset.done $0x0  }
0x164: {  	[sflag:s21] =	ssyncadd.s32 $0xFFFFC000  }
0x165: {  	_ =	swait.ge [sflag:s22], $0x4000  }
.Ltmp6:
0x166: {  	[sflag:s22] =	ssyncset.done $0x0;
	(pc) =	sbr.rel .LBB2_7-.Ltmp6, $4  }
0x167: {  	[sflag:s22] =	ssyncadd.s32 $0xFFFFC000  }
0x168: {  	_ =	swait.ge [sflag:s23], $0x4000  }
0x169: {  	s25 =	simm.s32 $0x0;
	[sflag:s23] =	ssyncset.done $0x0  }
0x16a: {  	s26 =	simm.s32 $0x40;
	s28 =	simm.s32 $0x0;
	[sflag:s23] =	ssyncadd.s32 $0xFFFFC000  }
.LBB2_9:
0x16b: {  	s28 =	sadd.s32 $0x80, s28  }
0x16c: {  	p0 =	sne.s32 s28, $0x2000  }
.Ltmp7:
0x16d: {  	_ = 	snop;
	(pc) =	sbr.rel @!p0 .LBB2_10-.Ltmp7, $2  }
0x16e: {  	_ =	sdelay $0x2  }
0x16f: {  	s25 =	sadd.s32 $0x1, s25;
	s26 =	sadd.s32 $0x80, s26  }
.LBB2_7:
0x170: {  	s29 =	sld [smem:s25+$0x0];
	_ =	sdelay $0x2  }
0x171: {  	p0 =	slt.s32 s29, $0x1  }
.Ltmp8:
0x172: {  	_ = 	snop;
	(pc) =	sbr.rel @p0 .LBB2_9-.Ltmp8, $1  }
0x173: {  	_ =	sdelay $0x3  }
0x174: {  	v3 =	vld [tilespmem:s26+$0xFFFFFFC0];
	_ =	sdelay $0x4  }
0x175: {  	vm0 =	veq.s32 v3, v0  }
0x176: {  	v4 =	vsel vm0, $0x1, v2  }
0x177: {  	(xrf0) =	vadd.scan.msk.s32 $0xffff, v4;
	_ =	sdelay $0x5  }
0x178: {  	v4, _, _ =	vpop (xrf0)  }
0x179: {  	(v2sf) =	vpush v4, $0xF;
	_ =	sdelay $0xe  }
0x17a: {  	s29 =	spop (v2sf)  }
0x17b: {  	p0 =	slt.s32 s29, $0x1  }
0x17c: {  	vm0 =	veq.s32 @!p0 v3, v0  }
0x17d: {  	v3 =	vmctz.xlane @!p0 vm0  }
0x17e: {  	s29 =	sadd.s32 @!p0 s28, s9;
	v4 =	vlaneseq.u32 @!p0  }
0x17f: {  	v4 =	vor.u32 @!p0 s29, v4;
	v3 =	vadd.s32 @!p0 s29, v3  }
0x180: {  	v3 =	vsel @!p0 vm0, v4, v3  }
0x181: {  	s30 =	simm.s32 @!p0 $0x12800;
	s31 =	simm.s32 @!p0 $0x12000;
	s29 =	simm.s32 @!p0 $0x10;
	[tilespmem:$0x12800] =	vst @!p0 v3  }
0x182: {  	[hbm4b:s3+s29] =	stream.indirect.scatter @!p0 [tilespmem:s31], [sflag:$0x9], $0x80, s30, s29, $0xb8;
	[tilespmem:$0x12880] =	vst v63  }
0x183: {  	s29 =	simm.s32 @!p0 $0x9  }
0x184: {  	_ =	swait.ge @!p0 [sflag:s29], $0x800  }
0x185: {  	[sflag:s29] =	ssyncset.done @!p0 $0x0  }
0x186: {  	[sflag:s29] =	ssyncadd.s32 @!p0 $0xFFFFF800  }
0x187: {  	v3 =	vld [tilespmem:s26+$0xFFFFFFD0];
	_ =	sdelay $0x4  }
0x188: {  	vm9 =	veq.s32 v3, v0  }
0x189: {  	v57 =	vsel vm9, $0x1, v2  }
0x18a: {  	(xrf0) =	vadd.scan.msk.s32 $0xffff, v57;
	_ =	sdelay $0x5  }
0x18b: {  	v4, _, _ =	vpop (xrf0)  }
0x18c: {  	(v2sf) =	vpush v4, $0xF;
	_ =	sdelay $0xe  }
0x18d: {  	s31 =	spop (v2sf)  }
0x18e: {  	p0 =	slt.s32 s31, $0x1  }
0x18f: {  	vm0 =	veq.s32 @!p0 v3, v0  }
0x190: {  	s29 =	sadd.s32 @!p0 s28, s9;
	v3 =	vmctz.xlane @!p0 vm0  }
0x191: {  	v4 =	vlaneseq.u32 @!p0;
	s29 =	sadd.s32 @!p0 $0x10, s29  }
0x192: {  	v4 =	vor.u32 @!p0 s29, v4;
	v3 =	vadd.s32 @!p0 s29, v3  }
0x193: {  	v3 =	vsel @!p0 vm0, v4, v3  }
0x194: {  	s30 =	simm.s32 @!p0 $0x12800;
	s31 =	simm.s32 @!p0 $0x12000;
	s29 =	simm.s32 @!p0 $0x10;
	[tilespmem:$0x12800] =	vst @!p0 v3  }
0x195: {  	[hbm4b:s3+s29] =	stream.indirect.scatter @!p0 [tilespmem:s31], [sflag:$0x9], $0x80, s30, s29, $0xb8;
	[tilespmem:$0x12880] =	vst v63  }
0x196: {  	s29 =	simm.s32 @!p0 $0x9  }
0x197: {  	_ =	swait.ge @!p0 [sflag:s29], $0x800  }
0x198: {  	[sflag:s29] =	ssyncset.done @!p0 $0x0  }
0x199: {  	[sflag:s29] =	ssyncadd.s32 @!p0 $0xFFFFF800  }
0x19a: {  	v3 =	vld [tilespmem:s26+$0xFFFFFFE0];
	_ =	sdelay $0x4  }
0x19b: {  	vm10 =	veq.s32 v3, v0  }
0x19c: {  	v58 =	vsel vm10, $0x1, v2  }
0x19d: {  	(xrf0) =	vadd.scan.msk.s32 $0xffff, v58;
	_ =	sdelay $0x5  }
0x19e: {  	v4, _, _ =	vpop (xrf0)  }
0x19f: {  	(v2sf) =	vpush v4, $0xF;
	_ =	sdelay $0xe  }
0x1a0: {  	s30 =	spop (v2sf)  }
0x1a1: {  	p0 =	slt.s32 s30, $0x1  }
0x1a2: {  	vm0 =	veq.s32 @!p0 v3, v0  }
0x1a3: {  	s29 =	sadd.s32 @!p0 s28, s9;
	v3 =	vmctz.xlane @!p0 vm0  }
0x1a4: {  	v4 =	vlaneseq.u32 @!p0;
	s29 =	sadd.s32 @!p0 $0x20, s29  }
0x1a5: {  	v4 =	vor.u32 @!p0 s29, v4;
	v3 =	vadd.s32 @!p0 s29, v3  }
0x1a6: {  	v3 =	vsel @!p0 vm0, v4, v3  }
0x1a7: {  	s30 =	simm.s32 @!p0 $0x12800;
	s31 =	simm.s32 @!p0 $0x12000;
	s29 =	simm.s32 @!p0 $0x10;
	[tilespmem:$0x12800] =	vst @!p0 v3  }
0x1a8: {  	[hbm4b:s3+s29] =	stream.indirect.scatter @!p0 [tilespmem:s31], [sflag:$0x9], $0x80, s30, s29, $0xb8;
	[tilespmem:$0x12880] =	vst v63  }
0x1a9: {  	s29 =	simm.s32 @!p0 $0x9  }
0x1aa: {  	_ =	swait.ge @!p0 [sflag:s29], $0x800  }
0x1ab: {  	[sflag:s29] =	ssyncset.done @!p0 $0x0  }
0x1ac: {  	[sflag:s29] =	ssyncadd.s32 @!p0 $0xFFFFF800  }
0x1ad: {  	v3 =	vld [tilespmem:s26+$0xFFFFFFF0];
	_ =	sdelay $0x4  }
0x1ae: {  	vm11 =	veq.s32 v3, v0  }
0x1af: {  	v59 =	vsel vm11, $0x1, v2  }
0x1b0: {  	(xrf0) =	vadd.scan.msk.s32 $0xffff, v59;
	_ =	sdelay $0x5  }
0x1b1: {  	v4, _, _ =	vpop (xrf0)  }
0x1b2: {  	(v2sf) =	vpush v4, $0xF;
	_ =	sdelay $0xe  }
0x1b3: {  	s31 =	spop (v2sf)  }
0x1b4: {  	p0 =	slt.s32 s31, $0x1  }
0x1b5: {  	vm0 =	veq.s32 @!p0 v3, v0  }
0x1b6: {  	s29 =	sadd.s32 @!p0 s28, s9;
	v3 =	vmctz.xlane @!p0 vm0  }
0x1b7: {  	v4 =	vlaneseq.u32 @!p0;
	s29 =	sadd.s32 @!p0 $0x30, s29  }
0x1b8: {  	v4 =	vor.u32 @!p0 s29, v4;
	v3 =	vadd.s32 @!p0 s29, v3  }
0x1b9: {  	v3 =	vsel @!p0 vm0, v4, v3  }
0x1ba: {  	s30 =	simm.s32 @!p0 $0x12800;
	s31 =	simm.s32 @!p0 $0x12000;
	s29 =	simm.s32 @!p0 $0x10;
	[tilespmem:$0x12800] =	vst @!p0 v3  }
0x1bb: {  	[hbm4b:s3+s29] =	stream.indirect.scatter @!p0 [tilespmem:s31], [sflag:$0x9], $0x80, s30, s29, $0xb8;
	[tilespmem:$0x12880] =	vst v63  }
0x1bc: {  	s29 =	simm.s32 @!p0 $0x9  }
0x1bd: {  	_ =	swait.ge @!p0 [sflag:s29], $0x800  }
0x1be: {  	[sflag:s29] =	ssyncset.done @!p0 $0x0  }
0x1bf: {  	[sflag:s29] =	ssyncadd.s32 @!p0 $0xFFFFF800  }
0x1c0: {  	v3 =	vld [tilespmem:s26+$0x0];
	_ =	sdelay $0x4  }
0x1c1: {  	vm12 =	veq.s32 v3, v0  }
0x1c2: {  	v60 =	vsel vm12, $0x1, v2  }
0x1c3: {  	(xrf0) =	vadd.scan.msk.s32 $0xffff, v60;
	_ =	sdelay $0x5  }
0x1c4: {  	v4, _, _ =	vpop (xrf0)  }
0x1c5: {  	(v2sf) =	vpush v4, $0xF;
	_ =	sdelay $0xe  }
0x1c6: {  	s30 =	spop (v2sf)  }
0x1c7: {  	p0 =	slt.s32 s30, $0x1  }
0x1c8: {  	vm0 =	veq.s32 @!p0 v3, v0  }
0x1c9: {  	s29 =	sadd.s32 @!p0 s28, s9;
	v3 =	vmctz.xlane @!p0 vm0  }
0x1ca: {  	v4 =	vlaneseq.u32 @!p0;
	s29 =	sadd.s32 @!p0 $0x40, s29  }
0x1cb: {  	v4 =	vor.u32 @!p0 s29, v4;
	v3 =	vadd.s32 @!p0 s29, v3  }
0x1cc: {  	v3 =	vsel @!p0 vm0, v4, v3  }
0x1cd: {  	s30 =	simm.s32 @!p0 $0x12800;
	s31 =	simm.s32 @!p0 $0x12000;
	s29 =	simm.s32 @!p0 $0x10;
	[tilespmem:$0x12800] =	vst @!p0 v3  }
0x1ce: {  	[hbm4b:s3+s29] =	stream.indirect.scatter @!p0 [tilespmem:s31], [sflag:$0x9], $0x80, s30, s29, $0xb8;
	[tilespmem:$0x12880] =	vst v63  }
0x1cf: {  	s29 =	simm.s32 @!p0 $0x9  }
0x1d0: {  	_ =	swait.ge @!p0 [sflag:s29], $0x800  }
0x1d1: {  	[sflag:s29] =	ssyncset.done @!p0 $0x0  }
0x1d2: {  	[sflag:s29] =	ssyncadd.s32 @!p0 $0xFFFFF800  }
0x1d3: {  	v3 =	vld [tilespmem:s26+$0x10];
	_ =	sdelay $0x4  }
0x1d4: {  	vm13 =	veq.s32 v3, v0  }
0x1d5: {  	v61 =	vsel vm13, $0x1, v2  }
0x1d6: {  	(xrf0) =	vadd.scan.msk.s32 $0xffff, v61;
	_ =	sdelay $0x5  }
0x1d7: {  	v4, _, _ =	vpop (xrf0)  }
0x1d8: {  	(v2sf) =	vpush v4, $0xF;
	_ =	sdelay $0xe  }
0x1d9: {  	s31 =	spop (v2sf)  }
0x1da: {  	p0 =	slt.s32 s31, $0x1  }
0x1db: {  	vm0 =	veq.s32 @!p0 v3, v0  }
0x1dc: {  	s29 =	sadd.s32 @!p0 s28, s9;
	v3 =	vmctz.xlane @!p0 vm0  }
0x1dd: {  	v4 =	vlaneseq.u32 @!p0;
	s29 =	sadd.s32 @!p0 $0x50, s29  }
0x1de: {  	v4 =	vor.u32 @!p0 s29, v4;
	v3 =	vadd.s32 @!p0 s29, v3  }
0x1df: {  	v3 =	vsel @!p0 vm0, v4, v3  }
0x1e0: {  	s30 =	simm.s32 @!p0 $0x12800;
	s31 =	simm.s32 @!p0 $0x12000;
	s29 =	simm.s32 @!p0 $0x10;
	[tilespmem:$0x12800] =	vst @!p0 v3  }
0x1e1: {  	[hbm4b:s3+s29] =	stream.indirect.scatter @!p0 [tilespmem:s31], [sflag:$0x9], $0x80, s30, s29, $0xb8;
	[tilespmem:$0x12880] =	vst v63  }
0x1e2: {  	s29 =	simm.s32 @!p0 $0x9  }
0x1e3: {  	_ =	swait.ge @!p0 [sflag:s29], $0x800  }
0x1e4: {  	[sflag:s29] =	ssyncset.done @!p0 $0x0  }
0x1e5: {  	[sflag:s29] =	ssyncadd.s32 @!p0 $0xFFFFF800  }
0x1e6: {  	v3 =	vld [tilespmem:s26+$0x20];
	_ =	sdelay $0x4  }
0x1e7: {  	vm14 =	veq.s32 v3, v0  }
0x1e8: {  	v62 =	vsel vm14, $0x1, v2  }
0x1e9: {  	(xrf0) =	vadd.scan.msk.s32 $0xffff, v62;
	_ =	sdelay $0x5  }
0x1ea: {  	v4, _, _ =	vpop (xrf0)  }
0x1eb: {  	(v2sf) =	vpush v4, $0xF;
	_ =	sdelay $0xe  }
0x1ec: {  	s30 =	spop (v2sf)  }
0x1ed: {  	p0 =	slt.s32 s30, $0x1  }
0x1ee: {  	vm0 =	veq.s32 @!p0 v3, v0  }
0x1ef: {  	s29 =	sadd.s32 @!p0 s28, s9;
	v3 =	vmctz.xlane @!p0 vm0  }
0x1f0: {  	v4 =	vlaneseq.u32 @!p0;
	s29 =	sadd.s32 @!p0 $0x60, s29  }
0x1f1: {  	v4 =	vor.u32 @!p0 s29, v4;
	v3 =	vadd.s32 @!p0 s29, v3  }
0x1f2: {  	v3 =	vsel @!p0 vm0, v4, v3  }
0x1f3: {  	s30 =	simm.s32 @!p0 $0x12800;
	s31 =	simm.s32 @!p0 $0x12000;
	s29 =	simm.s32 @!p0 $0x10;
	[tilespmem:$0x12800] =	vst @!p0 v3  }
0x1f4: {  	[hbm4b:s3+s29] =	stream.indirect.scatter @!p0 [tilespmem:s31], [sflag:$0x9], $0x80, s30, s29, $0xb8;
	[tilespmem:$0x12880] =	vst v63  }
0x1f5: {  	s29 =	simm.s32 @!p0 $0x9  }
0x1f6: {  	_ =	swait.ge @!p0 [sflag:s29], $0x800  }
0x1f7: {  	[sflag:s29] =	ssyncset.done @!p0 $0x0  }
0x1f8: {  	[sflag:s29] =	ssyncadd.s32 @!p0 $0xFFFFF800  }
0x1f9: {  	v3 =	vld [tilespmem:s26+$0x30];
	_ =	sdelay $0x4  }
0x1fa: {  	vm15 =	veq.s32 v3, v0  }
0x1fb: {  	v63 =	vsel vm15, $0x1, v2  }
0x1fc: {  	(xrf0) =	vadd.scan.msk.s32 $0xffff, v63;
	_ =	sdelay $0x5  }
0x1fd: {  	v4, _, _ =	vpop (xrf0)  }
0x1fe: {  	(v2sf) =	vpush v4, $0xF;
	_ =	sdelay $0xe  }
0x1ff: {  	s31 =	spop (v2sf)  }
0x200: {  	p0 =	slt.s32 s31, $0x1  }
0x201: {  	vm0 =	veq.s32 @!p0 v3, v0  }
0x202: {  	s29 =	sadd.s32 @!p0 s28, s9;
	v3 =	vmctz.xlane @!p0 vm0  }
0x203: {  	v4 =	vlaneseq.u32 @!p0;
	s29 =	sadd.s32 @!p0 $0x70, s29  }
0x204: {  	v4 =	vor.u32 @!p0 s29, v4;
	v3 =	vadd.s32 @!p0 s29, v3  }
0x205: {  	v3 =	vsel @!p0 vm0, v4, v3  }
0x206: {  	s30 =	simm.s32 @!p0 $0x12800;
	s31 =	simm.s32 @!p0 $0x12000;
	s29 =	simm.s32 @!p0 $0x10;
	[tilespmem:$0x12800] =	vst @!p0 v3  }
0x207: {  	[hbm4b:s3+s29] =	stream.indirect.scatter @!p0 [tilespmem:s31], [sflag:$0x9], $0x80, s30, s29, $0xb8;
	[tilespmem:$0x12880] =	vst v63  }
.Ltmp9:
0x208: {  	_ = 	snop;
	(pc) =	sbr.rel .LBB2_9-.Ltmp9, $4  }
0x209: {  	s29 =	simm.s32 @!p0 $0x9  }
0x20a: {  	_ =	swait.ge @!p0 [sflag:s29], $0x800  }
0x20b: {  	[sflag:s29] =	ssyncset.done @!p0 $0x0  }
0x20c: {  	[sflag:s29] =	ssyncadd.s32 @!p0 $0xFFFFF800  }
.LBB2_11:
0x20d: {  	_ =	sfence.sel $0x180000  }
0x20e: {  	[bflag:$0x0] =	sbarrier.arrive $0xFFFF  }
0x20f: {  	p0 =	sne.s32 s2, $0x0;
	_ =	strace $0x90000047  }
0x210: {  	s0 =	sadd.s32 @!p0 $0x100000, s0;
	[bflag:$0x2] =	sbarrier.arrive $0xFFFF  }
0x211: {  	[sflag:s0] =	ssyncadd.tile.s32 @!p0 $0x1;
	_ =	shalt  }
.Lfunc_end2:
_tile_overlayer_lowered:
.L_overlay_start_2:
0x212: {  	(tag) =	ssettag $0x2  }
0x213: {  	s0 =	rddreg [dreg:$0x0];
	s2 =	stileid.u32  }
0x214: {  	s1 =	rddreg [dreg:$0x1];
	p0 =	sne.s32 s2, $0x0  }
0x215: {  	s3 =	rddreg [dreg:$0x2];
	[bflag:$0x3] =	sbarrier.arrive $0xFFFF;
	s2 =	simm.s32 @!p0 $0x1C0A  }
0x216: {  	[timem:s3], [sflag:s2] =	dma.local @!p0 [hbm:s0], s1  }
0x217: {  	s0 =	simm.s32 @!p0 $0xA  }
0x218: {  	_ =	swait.ge @!p0 [sflag:s0], s1  }
0x219: {  	s1 =	ssub.s32 @!p0 $0x0, s1;
	[sflag:s0] =	ssyncset.done @!p0 $0x0  }
0x21a: {  	[sflag:s0] =	ssyncadd.s32 @!p0 s1  }
0x21b: {  	[bflag:$0x3] =	sbarrier.arrive $0xFFFF  }
0x21c: {  	_ =	shalt  }

</sc_bundles>
